<compile_context>
chip_gen: v7x
topology: tpu7x:2x2x1
jax: 0.10.2.dev20260603
libtpu: 0.0.44.dev20260713+nightly
codegen_flags: <defaults>
</compile_context>

<pallas_src>
import functools

import jax
import jax.numpy as jnp
from jax import lax
from jax.experimental import pallas as pl
from jax.experimental.pallas import tpu as pltpu
from jax.experimental.pallas import tpu_sc as plsc

B, N = 64, 8192
TOP_N = 500
L = 16
NV = N // L
NB1 = 8192
NB2 = 1024
NB3 = 256
U = 8
NW = 32
MAXR = 3
HEAVY_ROWS = 16 * MAXR

_mesh = plsc.VectorSubcoreMesh(core_axis_name="c", subcore_axis_name="s")


@functools.partial(
    pl.kernel,
    mesh=_mesh,
    out_type=jax.ShapeDtypeStruct((B, N), jnp.float32),
    compiler_params=pltpu.CompilerParams(needs_layout_passes=False),
    scratch_types=[
        pltpu.VMEM((N,), jnp.float32),
        pltpu.VMEM((N,), jnp.float32),
        pltpu.VMEM((N,), jnp.float32),
        pltpu.VMEM((N,), jnp.float32),
        pltpu.VMEM((N,), jnp.float32),
        pltpu.VMEM((N,), jnp.float32),
        pltpu.VMEM((N,), jnp.float32),
        pltpu.VMEM((N,), jnp.float32),
        pltpu.VMEM((N,), jnp.float32),
        pltpu.VMEM((NB1,), jnp.int32),
        pltpu.VMEM((NB2,), jnp.int32),
        pltpu.VMEM((NB3,), jnp.int32),
        pltpu.VMEM((L,), jnp.float32),
        pltpu.SemaphoreType.DMA,
        pltpu.SemaphoreType.DMA,
        pltpu.SemaphoreType.DMA,
    ],
)
def _sc_topk_mask(diff_hbm, cond_hbm, weight_hbm, out_hbm,
                  d0_ref, d1_ref, d2_ref, w0_ref, w1_ref, w2_ref,
                  o0_ref, o1_ref, o2_ref,
                  h1_ref, h2_ref, h3_ref, cond_ref,
                  d_sem, w_sem, o_sem):
    c = lax.axis_index("c")
    s = lax.axis_index("s")
    wid = c * 16 + s
    nr = jnp.where(c == 0, MAXR, 1)
    base = jnp.where(c == 0, s * MAXR, HEAVY_ROWS + s)
    d_refs = [d0_ref, d1_ref, d2_ref]
    w_refs = [w0_ref, w1_ref, w2_ref]
    o_refs = [o0_ref, o1_ref, o2_ref]

    for r in range(MAXR):
        @pl.when(r < nr)
        def _start_dma():
            pltpu.async_copy(diff_hbm.at[base + r], d_refs[r], d_sem)
            pltpu.async_copy(weight_hbm.at[base + r], w_refs[r], w_sem)
    pltpu.sync_copy(cond_hbm.at[wid], cond_ref)
    condv = cond_ref[...]
    zeros_f = jnp.zeros((L,), jnp.float32)
    iota = lax.iota(jnp.int32, L)
    ones = jnp.ones((L,), jnp.int32)
    zeros = jnp.zeros((L,), jnp.int32)

    def _zero(ref, n):
        @plsc.parallel_loop(0, n // L, unroll=U)
        def _(j):
            ref[pl.ds(j * L, L)] = zeros

    def _scan(load, start_bucket, target):
        def cond(carry):
            j, cum, E, need, cnt = carry
            return (E < 0) & (j >= 0)

        def body(carry):
            j, cum, E, need, cnt = carry
            h = load(j)
            hd = lax.rev(h, (0,))
            inc = jnp.cumsum(hd)
            crossed = (cum + inc) >= target
            lane = jnp.min(jnp.where(crossed, iota, L))
            found = lane < L
            inc_l = jnp.sum(jnp.where(iota == lane, inc, 0))
            hd_l = jnp.sum(jnp.where(iota == lane, hd, 0))
            E = jnp.where(found, j * L + (L - 1) - lane, E)
            need = jnp.where(found, target - (cum + inc_l - hd_l), need)
            cnt = jnp.where(found, hd_l, cnt)
            return j - 1, cum + jnp.sum(h), E, need, cnt

        _, _, E, need, cnt = lax.while_loop(
            cond, body,
            (start_bucket >> 4, jnp.int32(0), jnp.int32(-1), jnp.int32(0),
             jnp.int32(0)))
        return E, need, cnt

    def _row(r):
        dr = d_refs[r]
        wr = w_refs[r]
        orr = o_refs[r]
        pltpu.make_async_copy(diff_hbm.at[base + r], dr, d_sem).wait()
        pltpu.make_async_copy(weight_hbm.at[base + r], wr, w_sem).wait()

        _zero(h1_ref, NB1)

        def _p1(i, mx):
            v = dr[pl.ds(i * L, L)]
            b = lax.bitcast_convert_type(v, jnp.int32)
            bk = lax.shift_right_logical(b, 18) & 0x1FFF
            plsc.addupdate_scatter(h1_ref, [bk], ones)
            return jnp.maximum(mx, bk)
        mx1 = plsc.parallel_loop(0, NV, unroll=U, carry=zeros)(_p1)

        def _ld1(j):
            return h1_ref[pl.ds(j * L, L)]
        E1, need1, _ = _scan(_ld1, jnp.max(mx1), jnp.int32(TOP_N))

        _zero(h2_ref, NB2)

        def _p2(i, mx):
            v = dr[pl.ds(i * L, L)]
            b = lax.bitcast_convert_type(v, jnp.int32)
            m = (lax.shift_right_logical(b, 18) & 0x1FFF) == E1
            bk = (b >> 8) & 0x3FF
            plsc.addupdate_scatter(h2_ref, [bk], ones, mask=m)
            return jnp.maximum(mx, jnp.where(m, bk, 0))
        mx2 = plsc.parallel_loop(0, NV, unroll=U, carry=zeros)(_p2)

        def _ld2(j):
            return h2_ref[pl.ds(j * L, L)]
        E2, need2, _ = _scan(_ld2, jnp.max(mx2), need1)
        P = (E1 << 10) | E2

        _zero(h3_ref, NB3)

        def _p3(i, mx):
            v = dr[pl.ds(i * L, L)]
            b = lax.bitcast_convert_type(v, jnp.int32)
            m = (lax.shift_right_logical(b, 8) & 0x7FFFFF) == P
            bk = b & 0xFF
            plsc.addupdate_scatter(h3_ref, [bk], ones, mask=m)
            return jnp.maximum(mx, jnp.where(m, bk, 0))
        mx3 = plsc.parallel_loop(0, NV, unroll=U, carry=zeros)(_p3)

        def _ld3(j):
            return h3_ref[pl.ds(j * L, L)]
        E3, need_eq, cnt_eq = _scan(_ld3, jnp.max(mx3), need2)
        t = (P << 8) | E3
        need_drop = cnt_eq - need_eq

        @plsc.parallel_loop(0, NV, unroll=U)
        def _(i):
            v = dr[pl.ds(i * L, L)]
            b = lax.bitcast_convert_type(v, jnp.int32) & 0x7FFFFFFF
            wv = wr[pl.ds(i * L, L)]
            orr[pl.ds(i * L, L)] = wv + jnp.where(b >= t, condv, zeros_f)

        @pl.when(need_drop > 0)
        def _tie_fix():
            def _fix(jj, run_end):
                i = NV - 1 - jj
                v = dr[pl.ds(i * L, L)]
                b = lax.bitcast_convert_type(v, jnp.int32) & 0x7FFFFFFF
                eq = b == t
                eqi = eq.astype(jnp.int32)
                rank_end = lax.rev(jnp.cumsum(lax.rev(eqi, (0,))), (0,))
                drop = eq & ((run_end + rank_end) <= need_drop)
                ov = orr[pl.ds(i * L, L)]
                orr[pl.ds(i * L, L)] = ov - jnp.where(drop, condv, zeros_f)
                return run_end + jnp.sum(eqi)
            lax.fori_loop(0, NV, _fix, jnp.int32(0), unroll=False)

        pltpu.async_copy(orr, out_hbm.at[base + r], o_sem)

    for r in range(MAXR):
        @pl.when(r < nr)
        def _do_row():
            _row(r)

    for r in range(MAXR):
        @pl.when(r < nr)
        def _drain():
            pltpu.make_async_copy(o_refs[r], out_hbm.at[base + r],
                                  o_sem).wait()


def kernel(difference, weight, epoch, iteration):
    cond = (epoch > 1) & (epoch % 2 == 0)
    condf = jnp.where(cond, jnp.float32(1.0), jnp.float32(0.0))
    cond_rows = jnp.broadcast_to(condf, (NW, L))
    return _sc_topk_mask(difference, cond_rows, weight)

# --- scband reference (transcript-rebuilt; emitter-appended) ---
"""Pipeline reference for scband-max-70506183131343 (READ-ONLY COPY).

The authoritative reference and input builder live on the scoring server;
editing this copy changes nothing except your own understanding.
"""

import jax, jax.numpy as jnp
import numpy as np

B, N = 64, 8192
TOP_N = 500


def setup_inputs(seed: int = 0) -> dict:
    key = jax.random.key(seed)
    k1, k2 = jax.random.split(key)
    difference = jax.random.normal(k1, (B, N), dtype=jnp.float32)
    # Learned/state parameter: the per-batch weight tensor (initial_weight in __init__).
    weight = jnp.ones((B, N), dtype=jnp.float32)
    return {"difference": difference, "weight": weight, "epoch": 2, "iteration": 0}


def reference(difference, weight, epoch, iteration):
    # Faithful translation of Max.forward in the steady-state call where the
    # global weight dict has been seeded with initial_weight (iteration entry == weight).
    cond = (epoch > 1) & (epoch % 2 == 0)
    # per-row top-500 of |difference|, set those positions to 1 in a zero mask
    absd = jnp.abs(difference)
    _, top_idxs = jax.lax.top_k(absd, TOP_N)  # [B, TOP_N]
    rows = jnp.arange(difference.shape[0])[:, None]
    add_weight = jnp.zeros_like(difference).at[rows, top_idxs].set(1.0)
    return jnp.where(cond, weight + add_weight, weight)

if __name__ == "__main__":
    import jax
    _d = setup_inputs()
    print(jax.jit(kernel)(*tuple(_d.values())))

</pallas_src>

<mosaic_0001>
#map = affine_map<(d0, d1) -> (0, 0)>
module attributes {stable_mosaic.version = 14 : i64} {
  func.func @_sc_topk_mask(%arg0: i32, %arg1: i32, %arg2: memref<64x8192xf32, #tpu.memory_space<hbm>>, %arg3: memref<32x16xf32, #tpu.memory_space<hbm>>, %arg4: memref<64x8192xf32, #tpu.memory_space<hbm>>, %arg5: memref<64x8192xf32, #tpu.memory_space<hbm>>, %arg6: memref<8192xf32, #tpu.memory_space<vmem>>, %arg7: memref<8192xf32, #tpu.memory_space<vmem>>, %arg8: memref<8192xf32, #tpu.memory_space<vmem>>, %arg9: memref<8192xf32, #tpu.memory_space<vmem>>, %arg10: memref<8192xf32, #tpu.memory_space<vmem>>, %arg11: memref<8192xf32, #tpu.memory_space<vmem>>, %arg12: memref<8192xf32, #tpu.memory_space<vmem>>, %arg13: memref<8192xf32, #tpu.memory_space<vmem>>, %arg14: memref<8192xf32, #tpu.memory_space<vmem>>, %arg15: memref<8192xi32, #tpu.memory_space<vmem>>, %arg16: memref<1024xi32, #tpu.memory_space<vmem>>, %arg17: memref<256xi32, #tpu.memory_space<vmem>>, %arg18: memref<16xf32, #tpu.memory_space<vmem>>, %arg19: memref<!tpu.dma_semaphore, #tpu.memory_space<semaphore_mem>>, %arg20: memref<!tpu.dma_semaphore, #tpu.memory_space<semaphore_mem>>, %arg21: memref<!tpu.dma_semaphore, #tpu.memory_space<semaphore_mem>>) attributes {dimension_semantics = [#tpu.dimension_semantics<core_parallel>, #tpu.dimension_semantics<subcore_parallel>], iteration_bounds = array<i64: 2, 16>, scalar_prefetch = 0 : i64, scratch_operands = 16 : i64, tpu.core_type = #tpu.core_type<sc_vector_subcore>, window_params = [{transform_indices = #map}, {transform_indices = #map}, {transform_indices = #map}, {transform_indices = #map}]} {
    %mul3A = arith.constant 16 : i32
    %mul3A_0 = arith.muli %arg0, %mul3A : i32
    %add3A = arith.addi %mul3A_0, %arg1 : i32
    %eq3A = arith.constant 0 : i32
    %eq3A_1 = arith.cmpi eq, %arg0, %eq3A : i32
    %jit3A = arith.constant 3 : i32
    %jit3A_2 = arith.constant 1 : i32
    %select_n3A = arith.select %eq3A_1, %jit3A, %jit3A_2 : i32
    %eq3A_3 = arith.constant 0 : i32
    %eq3A_4 = arith.cmpi eq, %arg0, %eq3A_3 : i32
    %mul3A_5 = arith.constant 3 : i32
    %mul3A_6 = arith.muli %arg1, %mul3A_5 : i32
    %add3A_7 = arith.constant 48 : i32
    %add3A_8 = arith.addi %add3A_7, %arg1 : i32
    %select_n3A_9 = arith.select %eq3A_4, %mul3A_6, %add3A_8 : i32
    %gt3A = arith.constant 0 : i32
    %gt3A_10 = arith.cmpi sgt, %select_n3A, %gt3A : i32
    %convert_element_type3A = arith.extui %gt3A_10 : i1 to i32
    %cond3A = arith.constant 0 : i32
    %cond3A_11 = arith.cmpi ne, %convert_element_type3A, %cond3A : i32
    scf.if %cond3A_11 {
      %add3A_58 = arith.constant 0 : i32
      %add3A_59 = arith.addi %select_n3A_9, %add3A_58 : i32
      %dma_start3A = arith.constant 0 : i32
      %dma_start3A_60 = tpu.memref_slice %arg2[%add3A_59, %dma_start3A] : memref<64x8192xf32, #tpu.memory_space<hbm>> -> memref<1x8192xf32, #tpu.memory_space<hbm>>
      %dma_start3A_61 = tpu.memref_squeeze %dma_start3A_60 : memref<1x8192xf32, #tpu.memory_space<hbm>> -> memref<8192xf32, #tpu.memory_space<hbm>>
      %dma_start3A_62 = arith.constant 0 : i32
      %dma_start3A_63 = tpu.memref_slice %arg2[%add3A_59, %dma_start3A_62] : memref<64x8192xf32, #tpu.memory_space<hbm>> -> memref<1x8192xf32, #tpu.memory_space<hbm>>
      %dma_start3A_64 = tpu.memref_squeeze %dma_start3A_63 : memref<1x8192xf32, #tpu.memory_space<hbm>> -> memref<8192xf32, #tpu.memory_space<hbm>>
      tpu.enqueue_dma source(%dma_start3A_64 : memref<8192xf32, #tpu.memory_space<hbm>>) target(%arg6 : memref<8192xf32, #tpu.memory_space<vmem>>) target_semaphore(%arg19 : memref<!tpu.dma_semaphore, #tpu.memory_space<semaphore_mem>>)
      %add3A_65 = arith.constant 0 : i32
      %add3A_66 = arith.addi %select_n3A_9, %add3A_65 : i32
      %dma_start3A_67 = arith.constant 0 : i32
      %dma_start3A_68 = tpu.memref_slice %arg4[%add3A_66, %dma_start3A_67] : memref<64x8192xf32, #tpu.memory_space<hbm>> -> memref<1x8192xf32, #tpu.memory_space<hbm>>
      %dma_start3A_69 = tpu.memref_squeeze %dma_start3A_68 : memref<1x8192xf32, #tpu.memory_space<hbm>> -> memref<8192xf32, #tpu.memory_space<hbm>>
      %dma_start3A_70 = arith.constant 0 : i32
      %dma_start3A_71 = tpu.memref_slice %arg4[%add3A_66, %dma_start3A_70] : memref<64x8192xf32, #tpu.memory_space<hbm>> -> memref<1x8192xf32, #tpu.memory_space<hbm>>
      %dma_start3A_72 = tpu.memref_squeeze %dma_start3A_71 : memref<1x8192xf32, #tpu.memory_space<hbm>> -> memref<8192xf32, #tpu.memory_space<hbm>>
      tpu.enqueue_dma source(%dma_start3A_72 : memref<8192xf32, #tpu.memory_space<hbm>>) target(%arg9 : memref<8192xf32, #tpu.memory_space<vmem>>) target_semaphore(%arg20 : memref<!tpu.dma_semaphore, #tpu.memory_space<semaphore_mem>>)
    } else {
    }
    %gt3A_12 = arith.constant 1 : i32
    %gt3A_13 = arith.cmpi sgt, %select_n3A, %gt3A_12 : i32
    %convert_element_type3A_14 = arith.extui %gt3A_13 : i1 to i32
    %cond3A_15 = arith.constant 0 : i32
    %cond3A_16 = arith.cmpi ne, %convert_element_type3A_14, %cond3A_15 : i32
    scf.if %cond3A_16 {
      %add3A_58 = arith.constant 1 : i32
      %add3A_59 = arith.addi %select_n3A_9, %add3A_58 : i32
      %dma_start3A = arith.constant 0 : i32
      %dma_start3A_60 = tpu.memref_slice %arg2[%add3A_59, %dma_start3A] : memref<64x8192xf32, #tpu.memory_space<hbm>> -> memref<1x8192xf32, #tpu.memory_space<hbm>>
      %dma_start3A_61 = tpu.memref_squeeze %dma_start3A_60 : memref<1x8192xf32, #tpu.memory_space<hbm>> -> memref<8192xf32, #tpu.memory_space<hbm>>
      %dma_start3A_62 = arith.constant 0 : i32
      %dma_start3A_63 = tpu.memref_slice %arg2[%add3A_59, %dma_start3A_62] : memref<64x8192xf32, #tpu.memory_space<hbm>> -> memref<1x8192xf32, #tpu.memory_space<hbm>>
      %dma_start3A_64 = tpu.memref_squeeze %dma_start3A_63 : memref<1x8192xf32, #tpu.memory_space<hbm>> -> memref<8192xf32, #tpu.memory_space<hbm>>
      tpu.enqueue_dma source(%dma_start3A_64 : memref<8192xf32, #tpu.memory_space<hbm>>) target(%arg7 : memref<8192xf32, #tpu.memory_space<vmem>>) target_semaphore(%arg19 : memref<!tpu.dma_semaphore, #tpu.memory_space<semaphore_mem>>)
      %add3A_65 = arith.constant 1 : i32
      %add3A_66 = arith.addi %select_n3A_9, %add3A_65 : i32
      %dma_start3A_67 = arith.constant 0 : i32
      %dma_start3A_68 = tpu.memref_slice %arg4[%add3A_66, %dma_start3A_67] : memref<64x8192xf32, #tpu.memory_space<hbm>> -> memref<1x8192xf32, #tpu.memory_space<hbm>>
      %dma_start3A_69 = tpu.memref_squeeze %dma_start3A_68 : memref<1x8192xf32, #tpu.memory_space<hbm>> -> memref<8192xf32, #tpu.memory_space<hbm>>
      %dma_start3A_70 = arith.constant 0 : i32
      %dma_start3A_71 = tpu.memref_slice %arg4[%add3A_66, %dma_start3A_70] : memref<64x8192xf32, #tpu.memory_space<hbm>> -> memref<1x8192xf32, #tpu.memory_space<hbm>>
      %dma_start3A_72 = tpu.memref_squeeze %dma_start3A_71 : memref<1x8192xf32, #tpu.memory_space<hbm>> -> memref<8192xf32, #tpu.memory_space<hbm>>
      tpu.enqueue_dma source(%dma_start3A_72 : memref<8192xf32, #tpu.memory_space<hbm>>) target(%arg10 : memref<8192xf32, #tpu.memory_space<vmem>>) target_semaphore(%arg20 : memref<!tpu.dma_semaphore, #tpu.memory_space<semaphore_mem>>)
    } else {
    }
    %gt3A_17 = arith.constant 2 : i32
    %gt3A_18 = arith.cmpi sgt, %select_n3A, %gt3A_17 : i32
    %convert_element_type3A_19 = arith.extui %gt3A_18 : i1 to i32
    %cond3A_20 = arith.constant 0 : i32
    %cond3A_21 = arith.cmpi ne, %convert_element_type3A_19, %cond3A_20 : i32
    scf.if %cond3A_21 {
      %add3A_58 = arith.constant 2 : i32
      %add3A_59 = arith.addi %select_n3A_9, %add3A_58 : i32
      %dma_start3A = arith.constant 0 : i32
      %dma_start3A_60 = tpu.memref_slice %arg2[%add3A_59, %dma_start3A] : memref<64x8192xf32, #tpu.memory_space<hbm>> -> memref<1x8192xf32, #tpu.memory_space<hbm>>
      %dma_start3A_61 = tpu.memref_squeeze %dma_start3A_60 : memref<1x8192xf32, #tpu.memory_space<hbm>> -> memref<8192xf32, #tpu.memory_space<hbm>>
      %dma_start3A_62 = arith.constant 0 : i32
      %dma_start3A_63 = tpu.memref_slice %arg2[%add3A_59, %dma_start3A_62] : memref<64x8192xf32, #tpu.memory_space<hbm>> -> memref<1x8192xf32, #tpu.memory_space<hbm>>
      %dma_start3A_64 = tpu.memref_squeeze %dma_start3A_63 : memref<1x8192xf32, #tpu.memory_space<hbm>> -> memref<8192xf32, #tpu.memory_space<hbm>>
      tpu.enqueue_dma source(%dma_start3A_64 : memref<8192xf32, #tpu.memory_space<hbm>>) target(%arg8 : memref<8192xf32, #tpu.memory_space<vmem>>) target_semaphore(%arg19 : memref<!tpu.dma_semaphore, #tpu.memory_space<semaphore_mem>>)
      %add3A_65 = arith.constant 2 : i32
      %add3A_66 = arith.addi %select_n3A_9, %add3A_65 : i32
      %dma_start3A_67 = arith.constant 0 : i32
      %dma_start3A_68 = tpu.memref_slice %arg4[%add3A_66, %dma_start3A_67] : memref<64x8192xf32, #tpu.memory_space<hbm>> -> memref<1x8192xf32, #tpu.memory_space<hbm>>
      %dma_start3A_69 = tpu.memref_squeeze %dma_start3A_68 : memref<1x8192xf32, #tpu.memory_space<hbm>> -> memref<8192xf32, #tpu.memory_space<hbm>>
      %dma_start3A_70 = arith.constant 0 : i32
      %dma_start3A_71 = tpu.memref_slice %arg4[%add3A_66, %dma_start3A_70] : memref<64x8192xf32, #tpu.memory_space<hbm>> -> memref<1x8192xf32, #tpu.memory_space<hbm>>
      %dma_start3A_72 = tpu.memref_squeeze %dma_start3A_71 : memref<1x8192xf32, #tpu.memory_space<hbm>> -> memref<8192xf32, #tpu.memory_space<hbm>>
      tpu.enqueue_dma source(%dma_start3A_72 : memref<8192xf32, #tpu.memory_space<hbm>>) target(%arg11 : memref<8192xf32, #tpu.memory_space<vmem>>) target_semaphore(%arg20 : memref<!tpu.dma_semaphore, #tpu.memory_space<semaphore_mem>>)
    } else {
    }
    "tpu.region"() ({
      %run_scoped3A = tpu.sem_alloc : memref<!tpu.dma_semaphore, #tpu.memory_space<semaphore_mem>>
      %dma_start3A = arith.constant 0 : i32
      %dma_start3A_58 = tpu.memref_slice %arg3[%add3A, %dma_start3A] : memref<32x16xf32, #tpu.memory_space<hbm>> -> memref<1x16xf32, #tpu.memory_space<hbm>>
      %dma_start3A_59 = tpu.memref_squeeze %dma_start3A_58 : memref<1x16xf32, #tpu.memory_space<hbm>> -> memref<16xf32, #tpu.memory_space<hbm>>
      %dma_start3A_60 = arith.constant 0 : i32
      %dma_start3A_61 = tpu.memref_slice %arg3[%add3A, %dma_start3A_60] : memref<32x16xf32, #tpu.memory_space<hbm>> -> memref<1x16xf32, #tpu.memory_space<hbm>>
      %dma_start3A_62 = tpu.memref_squeeze %dma_start3A_61 : memref<1x16xf32, #tpu.memory_space<hbm>> -> memref<16xf32, #tpu.memory_space<hbm>>
      tpu.enqueue_dma source(%dma_start3A_62 : memref<16xf32, #tpu.memory_space<hbm>>) target(%arg18 : memref<16xf32, #tpu.memory_space<vmem>>) target_semaphore(%run_scoped3A : memref<!tpu.dma_semaphore, #tpu.memory_space<semaphore_mem>>)
      %dma_wait3A = arith.constant 0 : i32
      %dma_wait3A_63 = tpu.memref_slice %arg3[%add3A, %dma_wait3A] : memref<32x16xf32, #tpu.memory_space<hbm>> -> memref<1x16xf32, #tpu.memory_space<hbm>>
      %dma_wait3A_64 = tpu.memref_squeeze %dma_wait3A_63 : memref<1x16xf32, #tpu.memory_space<hbm>> -> memref<16xf32, #tpu.memory_space<hbm>>
      %dma_wait3A_65 = arith.constant 0 : i32
      %dma_wait3A_66 = tpu.memref_slice %arg3[%add3A, %dma_wait3A_65] : memref<32x16xf32, #tpu.memory_space<hbm>> -> memref<1x16xf32, #tpu.memory_space<hbm>>
      %dma_wait3A_67 = tpu.memref_squeeze %dma_wait3A_66 : memref<1x16xf32, #tpu.memory_space<hbm>> -> memref<16xf32, #tpu.memory_space<hbm>>
      tpu.wait_dma2 semaphore(%run_scoped3A : memref<!tpu.dma_semaphore, #tpu.memory_space<semaphore_mem>>) src(%dma_wait3A_67 : memref<16xf32, #tpu.memory_space<hbm>>) dst(%arg18 : memref<16xf32, #tpu.memory_space<vmem>>)
      tpu.yield
    }) : () -> ()
    %get3A = arith.constant 0 : index
    %get3A_22 = tpu.vector_load %arg18[%get3A] {strides = array<i32>} : memref<16xf32, #tpu.memory_space<vmem>>, vector<16xf32>,
    %broadcast_in_dim3A = arith.constant 0.000000e+00 : f32
    %broadcast_in_dim3A_23 = vector.broadcast %broadcast_in_dim3A : f32 to vector<16xf32>
    %iota3A = tpu.iota {dimensions = array<i32: 0>} : vector<16xi32>
    %broadcast_in_dim3A_24 = arith.constant 1 : i32
    %broadcast_in_dim3A_25 = vector.broadcast %broadcast_in_dim3A_24 : i32 to vector<16xi32>
    %broadcast_in_dim3A_26 = arith.constant 0 : i32
    %broadcast_in_dim3A_27 = vector.broadcast %broadcast_in_dim3A_26 : i32 to vector<16xi32>
    %gt3A_28 = arith.constant 0 : i32
    %gt3A_29 = arith.cmpi sgt, %select_n3A, %gt3A_28 : i32
    %convert_element_type3A_30 = arith.extui %gt3A_29 : i1 to i32
    %cond3A_31 = arith.constant 0 : i32
    %cond3A_32 = arith.cmpi ne, %convert_element_type3A_30, %cond3A_31 : i32
    scf.if %cond3A_32 {
      %add3A_58 = arith.constant 0 : i32
      %add3A_59 = arith.addi %select_n3A_9, %add3A_58 : i32
      %dma_wait3A = arith.constant 0 : i32
      %dma_wait3A_60 = tpu.memref_slice %arg2[%add3A_59, %dma_wait3A] : memref<64x8192xf32, #tpu.memory_space<hbm>> -> memref<1x8192xf32, #tpu.memory_space<hbm>>
      %dma_wait3A_61 = tpu.memref_squeeze %dma_wait3A_60 : memref<1x8192xf32, #tpu.memory_space<hbm>> -> memref<8192xf32, #tpu.memory_space<hbm>>
      %dma_wait3A_62 = arith.constant 0 : i32
      %dma_wait3A_63 = tpu.memref_slice %arg2[%add3A_59, %dma_wait3A_62] : memref<64x8192xf32, #tpu.memory_space<hbm>> -> memref<1x8192xf32, #tpu.memory_space<hbm>>
      %dma_wait3A_64 = tpu.memref_squeeze %dma_wait3A_63 : memref<1x8192xf32, #tpu.memory_space<hbm>> -> memref<8192xf32, #tpu.memory_space<hbm>>
      tpu.wait_dma2 semaphore(%arg19 : memref<!tpu.dma_semaphore, #tpu.memory_space<semaphore_mem>>) src(%dma_wait3A_64 : memref<8192xf32, #tpu.memory_space<hbm>>) dst(%arg6 : memref<8192xf32, #tpu.memory_space<vmem>>)
      %add3A_65 = arith.constant 0 : i32
      %add3A_66 = arith.addi %select_n3A_9, %add3A_65 : i32
      %dma_wait3A_67 = arith.constant 0 : i32
      %dma_wait3A_68 = tpu.memref_slice %arg4[%add3A_66, %dma_wait3A_67] : memref<64x8192xf32, #tpu.memory_space<hbm>> -> memref<1x8192xf32, #tpu.memory_space<hbm>>
      %dma_wait3A_69 = tpu.memref_squeeze %dma_wait3A_68 : memref<1x8192xf32, #tpu.memory_space<hbm>> -> memref<8192xf32, #tpu.memory_space<hbm>>
      %dma_wait3A_70 = arith.constant 0 : i32
      %dma_wait3A_71 = tpu.memref_slice %arg4[%add3A_66, %dma_wait3A_70] : memref<64x8192xf32, #tpu.memory_space<hbm>> -> memref<1x8192xf32, #tpu.memory_space<hbm>>
      %dma_wait3A_72 = tpu.memref_squeeze %dma_wait3A_71 : memref<1x8192xf32, #tpu.memory_space<hbm>> -> memref<8192xf32, #tpu.memory_space<hbm>>
      tpu.wait_dma2 semaphore(%arg20 : memref<!tpu.dma_semaphore, #tpu.memory_space<semaphore_mem>>) src(%dma_wait3A_72 : memref<8192xf32, #tpu.memory_space<hbm>>) dst(%arg9 : memref<8192xf32, #tpu.memory_space<vmem>>)
      %parallel_loop3A = arith.constant 0 : i32
      %parallel_loop3A_73 = arith.constant 512 : i32
      %parallel_loop3A_74 = arith.constant 1 : i32
      scf.for %parallel_loop3A_155 = %parallel_loop3A to %parallel_loop3A_73 step %parallel_loop3A_74  : i32 {
        %parallel_loop3A_156 = arith.constant 16 : i32
        %parallel_loop3A_157 = arith.muli %parallel_loop3A_155, %parallel_loop3A_156 : i32
        %parallel_loop3A_158 = arith.index_cast %parallel_loop3A_157 : i32 to index
        %parallel_loop3A_159 = tpu.vector_load %arg15[%parallel_loop3A_158] {strides = array<i32>} : memref<8192xi32, #tpu.memory_space<vmem>>, vector<16xi32>,
        tpu.vector_store %arg15[%parallel_loop3A_158], %broadcast_in_dim3A_27 {strides = array<i32>} : memref<8192xi32, #tpu.memory_space<vmem>>, vector<16xi32>,
      } {sc.loop_unroll_factor = 8 : i64, sc.parallel_access}
      %parallel_loop3A_75 = arith.constant 0 : i32
      %parallel_loop3A_76 = arith.constant 512 : i32
      %parallel_loop3A_77 = arith.constant 1 : i32
      %parallel_loop3A_78 = scf.for %parallel_loop3A_155 = %parallel_loop3A_75 to %parallel_loop3A_76 step %parallel_loop3A_77 iter_args(%parallel_loop3A_156 = %broadcast_in_dim3A_27) -> (vector<16xi32>)  : i32 {
        %parallel_loop3A_157 = arith.constant 16 : i32
        %parallel_loop3A_158 = arith.muli %parallel_loop3A_155, %parallel_loop3A_157 : i32
        %parallel_loop3A_159 = arith.index_cast %parallel_loop3A_158 : i32 to index
        %parallel_loop3A_160 = tpu.vector_load %arg6[%parallel_loop3A_159] {strides = array<i32>} : memref<8192xf32, #tpu.memory_space<vmem>>, vector<16xf32>,
        %parallel_loop3A_161 = tpu.bitcast %parallel_loop3A_160 : vector<16xf32> -> vector<16xi32>
        %parallel_loop3A_162 = arith.constant 18 : i32
        %parallel_loop3A_163 = vector.broadcast %parallel_loop3A_162 : i32 to vector<16xi32>
        %parallel_loop3A_164 = arith.shrui %parallel_loop3A_161, %parallel_loop3A_163 : vector<16xi32>
        %parallel_loop3A_165 = arith.constant 8191 : i32
        %parallel_loop3A_166 = vector.broadcast %parallel_loop3A_165 : i32 to vector<16xi32>
        %parallel_loop3A_167 = arith.andi %parallel_loop3A_164, %parallel_loop3A_166 : vector<16xi32>
        tpu.vector_store_idx %arg15[%parallel_loop3A_167], %broadcast_in_dim3A_25 {add = true} : memref<8192xi32, #tpu.memory_space<vmem>>[vector<16xi32>], vector<16xi32>,
        %parallel_loop3A_168 = arith.maxsi %parallel_loop3A_156, %parallel_loop3A_167 : vector<16xi32>
        scf.yield %parallel_loop3A_168 : vector<16xi32>
      } {sc.loop_unroll_factor = 8 : i64, sc.parallel_access}
      %reduce_max3A = arith.constant true
      %reduce_max3A_79 = vector.broadcast %reduce_max3A : i1 to vector<16xi1>
      %reduce_max3A_80 = arith.constant -2147483648 : i32
      %reduce_max3A_81 = vector.broadcast %reduce_max3A_80 : i32 to vector<16xi32>
      %reduce_max3A_82 = arith.xori %parallel_loop3A_78, %reduce_max3A_81 : vector<16xi32>
      %reduce_max3A_83 = tpu.scan <max>, %reduce_max3A_82 masked %reduce_max3A_79 : vector<16xi32>, vector<16xi1> -> vector<16xi32>
      %reduce_max3A_84 = arith.xori %reduce_max3A_83, %reduce_max3A_81 : vector<16xi32>
      %reduce_max3A_85 = vector.extract %reduce_max3A_84[15] : i32 from vector<16xi32>
      %shift_right_arithmetic3A = arith.constant 4 : i32
      %shift_right_arithmetic3A_86 = arith.shrsi %reduce_max3A_85, %shift_right_arithmetic3A : i32
      %while3A = arith.constant 500 : i32
      %while3A_87 = arith.constant 0 : i32
      %while3A_88 = arith.constant -1 : i32
      %while3A_89 = arith.constant 0 : i32
      %while3A_90 = arith.constant 0 : i32
      %while3A_91:5 = scf.while (%while3A_155 = %shift_right_arithmetic3A_86, %while3A_156 = %while3A_87, %while3A_157 = %while3A_88, %while3A_158 = %while3A_89, %while3A_159 = %while3A_90) : (i32, i32, i32, i32, i32) -> (i32, i32, i32, i32, i32) {
        %lt3A = arith.constant 0 : i32
        %lt3A_160 = arith.cmpi slt, %while3A_157, %lt3A : i32
        %ge3A = arith.constant 0 : i32
        %ge3A_161 = arith.cmpi sge, %while3A_155, %ge3A : i32
        %and3A = arith.andi %lt3A_160, %ge3A_161 : i1
        scf.condition(%and3A) %while3A_155, %while3A_156, %while3A_157, %while3A_158, %while3A_159 : i32, i32, i32, i32, i32
      } do {
      ^bb0(%while3A_155: i32, %while3A_156: i32, %while3A_157: i32, %while3A_158: i32, %while3A_159: i32):
        %mul3A_160 = arith.constant 16 : i32
        %mul3A_161 = arith.muli %while3A_155, %mul3A_160 : i32
        %get3A_162 = arith.index_cast %mul3A_161 : i32 to index
        %get3A_163 = tpu.vector_load %arg15[%get3A_162] {strides = array<i32>} : memref<8192xi32, #tpu.memory_space<vmem>>, vector<16xi32>,
        %rev3A = arith.constant 15 : i32
        %rev3A_164 = vector.broadcast %rev3A : i32 to vector<16xi32>
        %rev3A_165 = tpu.iota {dimensions = array<i32: 0>} : vector<16xi32>
        %rev3A_166 = arith.subi %rev3A_164, %rev3A_165 : vector<16xi32>
        %rev3A_167 = tpu.dynamic_gather %get3A_163[%rev3A_166] in [0] : vector<16xi32>, vector<16xi32> -> vector<16xi32>
        %cumsum3A = arith.constant true
        %cumsum3A_168 = vector.broadcast %cumsum3A : i1 to vector<16xi1>
        %cumsum3A_169 = tpu.scan <sum>, %rev3A_167 masked %cumsum3A_168 : vector<16xi32>, vector<16xi1> -> vector<16xi32>
        %add3A_170 = vector.broadcast %while3A_156 : i32 to vector<16xi32>
        %add3A_171 = arith.addi %add3A_170, %cumsum3A_169 : vector<16xi32>
        %ge3A = vector.broadcast %while3A : i32 to vector<16xi32>
        %ge3A_172 = arith.cmpi sge, %add3A_171, %ge3A : vector<16xi32>
        %jit3A_173 = arith.constant 16 : i32
        %broadcast_in_dim3A_174 = vector.broadcast %jit3A_173 : i32 to vector<16xi32>
        %select_n3A_175 = arith.select %ge3A_172, %iota3A, %broadcast_in_dim3A_174 : vector<16xi1>, vector<16xi32>
        %reduce_min3A = arith.constant true
        %reduce_min3A_176 = vector.broadcast %reduce_min3A : i1 to vector<16xi1>
        %reduce_min3A_177 = arith.constant -2147483648 : i32
        %reduce_min3A_178 = vector.broadcast %reduce_min3A_177 : i32 to vector<16xi32>
        %reduce_min3A_179 = arith.xori %select_n3A_175, %reduce_min3A_178 : vector<16xi32>
        %reduce_min3A_180 = tpu.scan <min>, %reduce_min3A_179 masked %reduce_min3A_176 : vector<16xi32>, vector<16xi1> -> vector<16xi32>
        %reduce_min3A_181 = arith.xori %reduce_min3A_180, %reduce_min3A_178 : vector<16xi32>
        %reduce_min3A_182 = vector.extract %reduce_min3A_181[15] : i32 from vector<16xi32>
        %lt3A = arith.constant 16 : i32
        %lt3A_183 = arith.cmpi slt, %reduce_min3A_182, %lt3A : i32
        %eq3A_184 = vector.broadcast %reduce_min3A_182 : i32 to vector<16xi32>
        %eq3A_185 = arith.cmpi eq, %iota3A, %eq3A_184 : vector<16xi32>
        %jit3A_186 = arith.constant 0 : i32
        %broadcast_in_dim3A_187 = vector.broadcast %jit3A_186 : i32 to vector<16xi32>
        %select_n3A_188 = arith.select %eq3A_185, %cumsum3A_169, %broadcast_in_dim3A_187 : vector<16xi1>, vector<16xi32>
        %reduce_sum3A = arith.constant true
        %reduce_sum3A_189 = vector.broadcast %reduce_sum3A : i1 to vector<16xi1>
        %reduce_sum3A_190 = tpu.scan <sum>, %select_n3A_188 masked %reduce_sum3A_189 : vector<16xi32>, vector<16xi1> -> vector<16xi32>
        %reduce_sum3A_191 = vector.extract %reduce_sum3A_190[15] : i32 from vector<16xi32>
        %eq3A_192 = vector.broadcast %reduce_min3A_182 : i32 to vector<16xi32>
        %eq3A_193 = arith.cmpi eq, %iota3A, %eq3A_192 : vector<16xi32>
        %jit3A_194 = arith.constant 0 : i32
        %broadcast_in_dim3A_195 = vector.broadcast %jit3A_194 : i32 to vector<16xi32>
        %select_n3A_196 = arith.select %eq3A_193, %rev3A_167, %broadcast_in_dim3A_195 : vector<16xi1>, vector<16xi32>
        %reduce_sum3A_197 = arith.constant true
        %reduce_sum3A_198 = vector.broadcast %reduce_sum3A_197 : i1 to vector<16xi1>
        %reduce_sum3A_199 = tpu.scan <sum>, %select_n3A_196 masked %reduce_sum3A_198 : vector<16xi32>, vector<16xi1> -> vector<16xi32>
        %reduce_sum3A_200 = vector.extract %reduce_sum3A_199[15] : i32 from vector<16xi32>
        %mul3A_201 = arith.constant 16 : i32
        %mul3A_202 = arith.muli %while3A_155, %mul3A_201 : i32
        %add3A_203 = arith.constant 15 : i32
        %add3A_204 = arith.addi %mul3A_202, %add3A_203 : i32
        %sub3A_205 = arith.subi %add3A_204, %reduce_min3A_182 : i32
        %select_n3A_206 = arith.select %lt3A_183, %sub3A_205, %while3A_157 : i32
        %add3A_207 = arith.addi %while3A_156, %reduce_sum3A_191 : i32
        %sub3A_208 = arith.subi %add3A_207, %reduce_sum3A_200 : i32
        %sub3A_209 = arith.subi %while3A, %sub3A_208 : i32
        %select_n3A_210 = arith.select %lt3A_183, %sub3A_209, %while3A_158 : i32
        %select_n3A_211 = arith.select %lt3A_183, %reduce_sum3A_200, %while3A_159 : i32
        %sub3A_212 = arith.constant 1 : i32
        %sub3A_213 = arith.subi %while3A_155, %sub3A_212 : i32
        %reduce_sum3A_214 = arith.constant true
        %reduce_sum3A_215 = vector.broadcast %reduce_sum3A_214 : i1 to vector<16xi1>
        %reduce_sum3A_216 = tpu.scan <sum>, %get3A_163 masked %reduce_sum3A_215 : vector<16xi32>, vector<16xi1> -> vector<16xi32>
        %reduce_sum3A_217 = vector.extract %reduce_sum3A_216[15] : i32 from vector<16xi32>
        %add3A_218 = arith.addi %while3A_156, %reduce_sum3A_217 : i32
        scf.yield %sub3A_213, %add3A_218, %select_n3A_206, %select_n3A_210, %select_n3A_211 : i32, i32, i32, i32, i32
      }
      %parallel_loop3A_92 = arith.constant 0 : i32
      %parallel_loop3A_93 = arith.constant 64 : i32
      %parallel_loop3A_94 = arith.constant 1 : i32
      scf.for %parallel_loop3A_155 = %parallel_loop3A_92 to %parallel_loop3A_93 step %parallel_loop3A_94  : i32 {
        %parallel_loop3A_156 = arith.constant 16 : i32
        %parallel_loop3A_157 = arith.muli %parallel_loop3A_155, %parallel_loop3A_156 : i32
        %parallel_loop3A_158 = arith.index_cast %parallel_loop3A_157 : i32 to index
        %parallel_loop3A_159 = tpu.vector_load %arg16[%parallel_loop3A_158] {strides = array<i32>} : memref<1024xi32, #tpu.memory_space<vmem>>, vector<16xi32>,
        tpu.vector_store %arg16[%parallel_loop3A_158], %broadcast_in_dim3A_27 {strides = array<i32>} : memref<1024xi32, #tpu.memory_space<vmem>>, vector<16xi32>,
      } {sc.loop_unroll_factor = 8 : i64, sc.parallel_access}
      %parallel_loop3A_95 = arith.constant 0 : i32
      %parallel_loop3A_96 = arith.constant 512 : i32
      %parallel_loop3A_97 = arith.constant 1 : i32
      %parallel_loop3A_98 = scf.for %parallel_loop3A_155 = %parallel_loop3A_95 to %parallel_loop3A_96 step %parallel_loop3A_97 iter_args(%parallel_loop3A_156 = %broadcast_in_dim3A_27) -> (vector<16xi32>)  : i32 {
        %parallel_loop3A_157 = arith.constant 16 : i32
        %parallel_loop3A_158 = arith.muli %parallel_loop3A_155, %parallel_loop3A_157 : i32
        %parallel_loop3A_159 = arith.index_cast %parallel_loop3A_158 : i32 to index
        %parallel_loop3A_160 = tpu.vector_load %arg6[%parallel_loop3A_159] {strides = array<i32>} : memref<8192xf32, #tpu.memory_space<vmem>>, vector<16xf32>,
        %parallel_loop3A_161 = tpu.bitcast %parallel_loop3A_160 : vector<16xf32> -> vector<16xi32>
        %parallel_loop3A_162 = arith.constant 18 : i32
        %parallel_loop3A_163 = vector.broadcast %parallel_loop3A_162 : i32 to vector<16xi32>
        %parallel_loop3A_164 = arith.shrui %parallel_loop3A_161, %parallel_loop3A_163 : vector<16xi32>
        %parallel_loop3A_165 = arith.constant 8191 : i32
        %parallel_loop3A_166 = vector.broadcast %parallel_loop3A_165 : i32 to vector<16xi32>
        %parallel_loop3A_167 = arith.andi %parallel_loop3A_164, %parallel_loop3A_166 : vector<16xi32>
        %parallel_loop3A_168 = vector.broadcast %while3A_91#2 : i32 to vector<16xi32>
        %parallel_loop3A_169 = arith.cmpi eq, %parallel_loop3A_167, %parallel_loop3A_168 : vector<16xi32>
        %parallel_loop3A_170 = arith.constant 8 : i32
        %parallel_loop3A_171 = vector.broadcast %parallel_loop3A_170 : i32 to vector<16xi32>
        %parallel_loop3A_172 = arith.shrsi %parallel_loop3A_161, %parallel_loop3A_171 : vector<16xi32>
        %parallel_loop3A_173 = arith.constant 1023 : i32
        %parallel_loop3A_174 = vector.broadcast %parallel_loop3A_173 : i32 to vector<16xi32>
        %parallel_loop3A_175 = arith.andi %parallel_loop3A_172, %parallel_loop3A_174 : vector<16xi32>
        tpu.vector_store_idx %arg16[%parallel_loop3A_175], %broadcast_in_dim3A_25 masked %parallel_loop3A_169 {add = true} : memref<1024xi32, #tpu.memory_space<vmem>>[vector<16xi32>], vector<16xi32>, vector<16xi1>
        %parallel_loop3A_176 = arith.constant 0 : i32
        %parallel_loop3A_177 = vector.broadcast %parallel_loop3A_176 : i32 to vector<16xi32>
        %parallel_loop3A_178 = arith.select %parallel_loop3A_169, %parallel_loop3A_175, %parallel_loop3A_177 : vector<16xi1>, vector<16xi32>
        %parallel_loop3A_179 = arith.maxsi %parallel_loop3A_156, %parallel_loop3A_178 : vector<16xi32>
        scf.yield %parallel_loop3A_179 : vector<16xi32>
      } {sc.loop_unroll_factor = 8 : i64, sc.parallel_access}
      %reduce_max3A_99 = arith.constant true
      %reduce_max3A_100 = vector.broadcast %reduce_max3A_99 : i1 to vector<16xi1>
      %reduce_max3A_101 = arith.constant -2147483648 : i32
      %reduce_max3A_102 = vector.broadcast %reduce_max3A_101 : i32 to vector<16xi32>
      %reduce_max3A_103 = arith.xori %parallel_loop3A_98, %reduce_max3A_102 : vector<16xi32>
      %reduce_max3A_104 = tpu.scan <max>, %reduce_max3A_103 masked %reduce_max3A_100 : vector<16xi32>, vector<16xi1> -> vector<16xi32>
      %reduce_max3A_105 = arith.xori %reduce_max3A_104, %reduce_max3A_102 : vector<16xi32>
      %reduce_max3A_106 = vector.extract %reduce_max3A_105[15] : i32 from vector<16xi32>
      %shift_right_arithmetic3A_107 = arith.constant 4 : i32
      %shift_right_arithmetic3A_108 = arith.shrsi %reduce_max3A_106, %shift_right_arithmetic3A_107 : i32
      %while3A_109 = arith.constant 0 : i32
      %while3A_110 = arith.constant -1 : i32
      %while3A_111 = arith.constant 0 : i32
      %while3A_112 = arith.constant 0 : i32
      %while3A_113:5 = scf.while (%while3A_155 = %shift_right_arithmetic3A_108, %while3A_156 = %while3A_109, %while3A_157 = %while3A_110, %while3A_158 = %while3A_111, %while3A_159 = %while3A_112) : (i32, i32, i32, i32, i32) -> (i32, i32, i32, i32, i32) {
        %lt3A = arith.constant 0 : i32
        %lt3A_160 = arith.cmpi slt, %while3A_157, %lt3A : i32
        %ge3A = arith.constant 0 : i32
        %ge3A_161 = arith.cmpi sge, %while3A_155, %ge3A : i32
        %and3A = arith.andi %lt3A_160, %ge3A_161 : i1
        scf.condition(%and3A) %while3A_155, %while3A_156, %while3A_157, %while3A_158, %while3A_159 : i32, i32, i32, i32, i32
      } do {
      ^bb0(%while3A_155: i32, %while3A_156: i32, %while3A_157: i32, %while3A_158: i32, %while3A_159: i32):
        %mul3A_160 = arith.constant 16 : i32
        %mul3A_161 = arith.muli %while3A_155, %mul3A_160 : i32
        %get3A_162 = arith.index_cast %mul3A_161 : i32 to index
        %get3A_163 = tpu.vector_load %arg16[%get3A_162] {strides = array<i32>} : memref<1024xi32, #tpu.memory_space<vmem>>, vector<16xi32>,
        %rev3A = arith.constant 15 : i32
        %rev3A_164 = vector.broadcast %rev3A : i32 to vector<16xi32>
        %rev3A_165 = tpu.iota {dimensions = array<i32: 0>} : vector<16xi32>
        %rev3A_166 = arith.subi %rev3A_164, %rev3A_165 : vector<16xi32>
        %rev3A_167 = tpu.dynamic_gather %get3A_163[%rev3A_166] in [0] : vector<16xi32>, vector<16xi32> -> vector<16xi32>
        %cumsum3A = arith.constant true
        %cumsum3A_168 = vector.broadcast %cumsum3A : i1 to vector<16xi1>
        %cumsum3A_169 = tpu.scan <sum>, %rev3A_167 masked %cumsum3A_168 : vector<16xi32>, vector<16xi1> -> vector<16xi32>
        %add3A_170 = vector.broadcast %while3A_156 : i32 to vector<16xi32>
        %add3A_171 = arith.addi %add3A_170, %cumsum3A_169 : vector<16xi32>
        %ge3A = vector.broadcast %while3A_91#3 : i32 to vector<16xi32>
        %ge3A_172 = arith.cmpi sge, %add3A_171, %ge3A : vector<16xi32>
        %jit3A_173 = arith.constant 16 : i32
        %broadcast_in_dim3A_174 = vector.broadcast %jit3A_173 : i32 to vector<16xi32>
        %select_n3A_175 = arith.select %ge3A_172, %iota3A, %broadcast_in_dim3A_174 : vector<16xi1>, vector<16xi32>
        %reduce_min3A = arith.constant true
        %reduce_min3A_176 = vector.broadcast %reduce_min3A : i1 to vector<16xi1>
        %reduce_min3A_177 = arith.constant -2147483648 : i32
        %reduce_min3A_178 = vector.broadcast %reduce_min3A_177 : i32 to vector<16xi32>
        %reduce_min3A_179 = arith.xori %select_n3A_175, %reduce_min3A_178 : vector<16xi32>
        %reduce_min3A_180 = tpu.scan <min>, %reduce_min3A_179 masked %reduce_min3A_176 : vector<16xi32>, vector<16xi1> -> vector<16xi32>
        %reduce_min3A_181 = arith.xori %reduce_min3A_180, %reduce_min3A_178 : vector<16xi32>
        %reduce_min3A_182 = vector.extract %reduce_min3A_181[15] : i32 from vector<16xi32>
        %lt3A = arith.constant 16 : i32
        %lt3A_183 = arith.cmpi slt, %reduce_min3A_182, %lt3A : i32
        %eq3A_184 = vector.broadcast %reduce_min3A_182 : i32 to vector<16xi32>
        %eq3A_185 = arith.cmpi eq, %iota3A, %eq3A_184 : vector<16xi32>
        %jit3A_186 = arith.constant 0 : i32
        %broadcast_in_dim3A_187 = vector.broadcast %jit3A_186 : i32 to vector<16xi32>
        %select_n3A_188 = arith.select %eq3A_185, %cumsum3A_169, %broadcast_in_dim3A_187 : vector<16xi1>, vector<16xi32>
        %reduce_sum3A = arith.constant true
        %reduce_sum3A_189 = vector.broadcast %reduce_sum3A : i1 to vector<16xi1>
        %reduce_sum3A_190 = tpu.scan <sum>, %select_n3A_188 masked %reduce_sum3A_189 : vector<16xi32>, vector<16xi1> -> vector<16xi32>
        %reduce_sum3A_191 = vector.extract %reduce_sum3A_190[15] : i32 from vector<16xi32>
        %eq3A_192 = vector.broadcast %reduce_min3A_182 : i32 to vector<16xi32>
        %eq3A_193 = arith.cmpi eq, %iota3A, %eq3A_192 : vector<16xi32>
        %jit3A_194 = arith.constant 0 : i32
        %broadcast_in_dim3A_195 = vector.broadcast %jit3A_194 : i32 to vector<16xi32>
        %select_n3A_196 = arith.select %eq3A_193, %rev3A_167, %broadcast_in_dim3A_195 : vector<16xi1>, vector<16xi32>
        %reduce_sum3A_197 = arith.constant true
        %reduce_sum3A_198 = vector.broadcast %reduce_sum3A_197 : i1 to vector<16xi1>
        %reduce_sum3A_199 = tpu.scan <sum>, %select_n3A_196 masked %reduce_sum3A_198 : vector<16xi32>, vector<16xi1> -> vector<16xi32>
        %reduce_sum3A_200 = vector.extract %reduce_sum3A_199[15] : i32 from vector<16xi32>
        %mul3A_201 = arith.constant 16 : i32
        %mul3A_202 = arith.muli %while3A_155, %mul3A_201 : i32
        %add3A_203 = arith.constant 15 : i32
        %add3A_204 = arith.addi %mul3A_202, %add3A_203 : i32
        %sub3A_205 = arith.subi %add3A_204, %reduce_min3A_182 : i32
        %select_n3A_206 = arith.select %lt3A_183, %sub3A_205, %while3A_157 : i32
        %add3A_207 = arith.addi %while3A_156, %reduce_sum3A_191 : i32
        %sub3A_208 = arith.subi %add3A_207, %reduce_sum3A_200 : i32
        %sub3A_209 = arith.subi %while3A_91#3, %sub3A_208 : i32
        %select_n3A_210 = arith.select %lt3A_183, %sub3A_209, %while3A_158 : i32
        %select_n3A_211 = arith.select %lt3A_183, %reduce_sum3A_200, %while3A_159 : i32
        %sub3A_212 = arith.constant 1 : i32
        %sub3A_213 = arith.subi %while3A_155, %sub3A_212 : i32
        %reduce_sum3A_214 = arith.constant true
        %reduce_sum3A_215 = vector.broadcast %reduce_sum3A_214 : i1 to vector<16xi1>
        %reduce_sum3A_216 = tpu.scan <sum>, %get3A_163 masked %reduce_sum3A_215 : vector<16xi32>, vector<16xi1> -> vector<16xi32>
        %reduce_sum3A_217 = vector.extract %reduce_sum3A_216[15] : i32 from vector<16xi32>
        %add3A_218 = arith.addi %while3A_156, %reduce_sum3A_217 : i32
        scf.yield %sub3A_213, %add3A_218, %select_n3A_206, %select_n3A_210, %select_n3A_211 : i32, i32, i32, i32, i32
      }
      %shift_left3A = arith.constant 10 : i32
      %shift_left3A_114 = arith.shli %while3A_91#2, %shift_left3A : i32
      %or3A = arith.ori %shift_left3A_114, %while3A_113#2 : i32
      %parallel_loop3A_115 = arith.constant 0 : i32
      %parallel_loop3A_116 = arith.constant 16 : i32
      %parallel_loop3A_117 = arith.constant 1 : i32
      scf.for %parallel_loop3A_155 = %parallel_loop3A_115 to %parallel_loop3A_116 step %parallel_loop3A_117  : i32 {
        %parallel_loop3A_156 = arith.constant 16 : i32
        %parallel_loop3A_157 = arith.muli %parallel_loop3A_155, %parallel_loop3A_156 : i32
        %parallel_loop3A_158 = arith.index_cast %parallel_loop3A_157 : i32 to index
        %parallel_loop3A_159 = tpu.vector_load %arg17[%parallel_loop3A_158] {strides = array<i32>} : memref<256xi32, #tpu.memory_space<vmem>>, vector<16xi32>,
        tpu.vector_store %arg17[%parallel_loop3A_158], %broadcast_in_dim3A_27 {strides = array<i32>} : memref<256xi32, #tpu.memory_space<vmem>>, vector<16xi32>,
      } {sc.loop_unroll_factor = 8 : i64, sc.parallel_access}
      %parallel_loop3A_118 = arith.constant 0 : i32
      %parallel_loop3A_119 = arith.constant 512 : i32
      %parallel_loop3A_120 = arith.constant 1 : i32
      %parallel_loop3A_121 = scf.for %parallel_loop3A_155 = %parallel_loop3A_118 to %parallel_loop3A_119 step %parallel_loop3A_120 iter_args(%parallel_loop3A_156 = %broadcast_in_dim3A_27) -> (vector<16xi32>)  : i32 {
        %parallel_loop3A_157 = arith.constant 16 : i32
        %parallel_loop3A_158 = arith.muli %parallel_loop3A_155, %parallel_loop3A_157 : i32
        %parallel_loop3A_159 = arith.index_cast %parallel_loop3A_158 : i32 to index
        %parallel_loop3A_160 = tpu.vector_load %arg6[%parallel_loop3A_159] {strides = array<i32>} : memref<8192xf32, #tpu.memory_space<vmem>>, vector<16xf32>,
        %parallel_loop3A_161 = tpu.bitcast %parallel_loop3A_160 : vector<16xf32> -> vector<16xi32>
        %parallel_loop3A_162 = arith.constant 8 : i32
        %parallel_loop3A_163 = vector.broadcast %parallel_loop3A_162 : i32 to vector<16xi32>
        %parallel_loop3A_164 = arith.shrui %parallel_loop3A_161, %parallel_loop3A_163 : vector<16xi32>
        %parallel_loop3A_165 = arith.constant 8388607 : i32
        %parallel_loop3A_166 = vector.broadcast %parallel_loop3A_165 : i32 to vector<16xi32>
        %parallel_loop3A_167 = arith.andi %parallel_loop3A_164, %parallel_loop3A_166 : vector<16xi32>
        %parallel_loop3A_168 = vector.broadcast %or3A : i32 to vector<16xi32>
        %parallel_loop3A_169 = arith.cmpi eq, %parallel_loop3A_167, %parallel_loop3A_168 : vector<16xi32>
        %parallel_loop3A_170 = arith.constant 255 : i32
        %parallel_loop3A_171 = vector.broadcast %parallel_loop3A_170 : i32 to vector<16xi32>
        %parallel_loop3A_172 = arith.andi %parallel_loop3A_161, %parallel_loop3A_171 : vector<16xi32>
        tpu.vector_store_idx %arg17[%parallel_loop3A_172], %broadcast_in_dim3A_25 masked %parallel_loop3A_169 {add = true} : memref<256xi32, #tpu.memory_space<vmem>>[vector<16xi32>], vector<16xi32>, vector<16xi1>
        %parallel_loop3A_173 = arith.constant 0 : i32
        %parallel_loop3A_174 = vector.broadcast %parallel_loop3A_173 : i32 to vector<16xi32>
        %parallel_loop3A_175 = arith.select %parallel_loop3A_169, %parallel_loop3A_172, %parallel_loop3A_174 : vector<16xi1>, vector<16xi32>
        %parallel_loop3A_176 = arith.maxsi %parallel_loop3A_156, %parallel_loop3A_175 : vector<16xi32>
        scf.yield %parallel_loop3A_176 : vector<16xi32>
      } {sc.loop_unroll_factor = 8 : i64, sc.parallel_access}
      %reduce_max3A_122 = arith.constant true
      %reduce_max3A_123 = vector.broadcast %reduce_max3A_122 : i1 to vector<16xi1>
      %reduce_max3A_124 = arith.constant -2147483648 : i32
      %reduce_max3A_125 = vector.broadcast %reduce_max3A_124 : i32 to vector<16xi32>
      %reduce_max3A_126 = arith.xori %parallel_loop3A_121, %reduce_max3A_125 : vector<16xi32>
      %reduce_max3A_127 = tpu.scan <max>, %reduce_max3A_126 masked %reduce_max3A_123 : vector<16xi32>, vector<16xi1> -> vector<16xi32>
      %reduce_max3A_128 = arith.xori %reduce_max3A_127, %reduce_max3A_125 : vector<16xi32>
      %reduce_max3A_129 = vector.extract %reduce_max3A_128[15] : i32 from vector<16xi32>
      %shift_right_arithmetic3A_130 = arith.constant 4 : i32
      %shift_right_arithmetic3A_131 = arith.shrsi %reduce_max3A_129, %shift_right_arithmetic3A_130 : i32
      %while3A_132 = arith.constant 0 : i32
      %while3A_133 = arith.constant -1 : i32
      %while3A_134 = arith.constant 0 : i32
      %while3A_135 = arith.constant 0 : i32
      %while3A_136:5 = scf.while (%while3A_155 = %shift_right_arithmetic3A_131, %while3A_156 = %while3A_132, %while3A_157 = %while3A_133, %while3A_158 = %while3A_134, %while3A_159 = %while3A_135) : (i32, i32, i32, i32, i32) -> (i32, i32, i32, i32, i32) {
        %lt3A = arith.constant 0 : i32
        %lt3A_160 = arith.cmpi slt, %while3A_157, %lt3A : i32
        %ge3A = arith.constant 0 : i32
        %ge3A_161 = arith.cmpi sge, %while3A_155, %ge3A : i32
        %and3A = arith.andi %lt3A_160, %ge3A_161 : i1
        scf.condition(%and3A) %while3A_155, %while3A_156, %while3A_157, %while3A_158, %while3A_159 : i32, i32, i32, i32, i32
      } do {
      ^bb0(%while3A_155: i32, %while3A_156: i32, %while3A_157: i32, %while3A_158: i32, %while3A_159: i32):
        %mul3A_160 = arith.constant 16 : i32
        %mul3A_161 = arith.muli %while3A_155, %mul3A_160 : i32
        %get3A_162 = arith.index_cast %mul3A_161 : i32 to index
        %get3A_163 = tpu.vector_load %arg17[%get3A_162] {strides = array<i32>} : memref<256xi32, #tpu.memory_space<vmem>>, vector<16xi32>,
        %rev3A = arith.constant 15 : i32
        %rev3A_164 = vector.broadcast %rev3A : i32 to vector<16xi32>
        %rev3A_165 = tpu.iota {dimensions = array<i32: 0>} : vector<16xi32>
        %rev3A_166 = arith.subi %rev3A_164, %rev3A_165 : vector<16xi32>
        %rev3A_167 = tpu.dynamic_gather %get3A_163[%rev3A_166] in [0] : vector<16xi32>, vector<16xi32> -> vector<16xi32>
        %cumsum3A = arith.constant true
        %cumsum3A_168 = vector.broadcast %cumsum3A : i1 to vector<16xi1>
        %cumsum3A_169 = tpu.scan <sum>, %rev3A_167 masked %cumsum3A_168 : vector<16xi32>, vector<16xi1> -> vector<16xi32>
        %add3A_170 = vector.broadcast %while3A_156 : i32 to vector<16xi32>
        %add3A_171 = arith.addi %add3A_170, %cumsum3A_169 : vector<16xi32>
        %ge3A = vector.broadcast %while3A_113#3 : i32 to vector<16xi32>
        %ge3A_172 = arith.cmpi sge, %add3A_171, %ge3A : vector<16xi32>
        %jit3A_173 = arith.constant 16 : i32
        %broadcast_in_dim3A_174 = vector.broadcast %jit3A_173 : i32 to vector<16xi32>
        %select_n3A_175 = arith.select %ge3A_172, %iota3A, %broadcast_in_dim3A_174 : vector<16xi1>, vector<16xi32>
        %reduce_min3A = arith.constant true
        %reduce_min3A_176 = vector.broadcast %reduce_min3A : i1 to vector<16xi1>
        %reduce_min3A_177 = arith.constant -2147483648 : i32
        %reduce_min3A_178 = vector.broadcast %reduce_min3A_177 : i32 to vector<16xi32>
        %reduce_min3A_179 = arith.xori %select_n3A_175, %reduce_min3A_178 : vector<16xi32>
        %reduce_min3A_180 = tpu.scan <min>, %reduce_min3A_179 masked %reduce_min3A_176 : vector<16xi32>, vector<16xi1> -> vector<16xi32>
        %reduce_min3A_181 = arith.xori %reduce_min3A_180, %reduce_min3A_178 : vector<16xi32>
        %reduce_min3A_182 = vector.extract %reduce_min3A_181[15] : i32 from vector<16xi32>
        %lt3A = arith.constant 16 : i32
        %lt3A_183 = arith.cmpi slt, %reduce_min3A_182, %lt3A : i32
        %eq3A_184 = vector.broadcast %reduce_min3A_182 : i32 to vector<16xi32>
        %eq3A_185 = arith.cmpi eq, %iota3A, %eq3A_184 : vector<16xi32>
        %jit3A_186 = arith.constant 0 : i32
        %broadcast_in_dim3A_187 = vector.broadcast %jit3A_186 : i32 to vector<16xi32>
        %select_n3A_188 = arith.select %eq3A_185, %cumsum3A_169, %broadcast_in_dim3A_187 : vector<16xi1>, vector<16xi32>
        %reduce_sum3A = arith.constant true
        %reduce_sum3A_189 = vector.broadcast %reduce_sum3A : i1 to vector<16xi1>
        %reduce_sum3A_190 = tpu.scan <sum>, %select_n3A_188 masked %reduce_sum3A_189 : vector<16xi32>, vector<16xi1> -> vector<16xi32>
        %reduce_sum3A_191 = vector.extract %reduce_sum3A_190[15] : i32 from vector<16xi32>
        %eq3A_192 = vector.broadcast %reduce_min3A_182 : i32 to vector<16xi32>
        %eq3A_193 = arith.cmpi eq, %iota3A, %eq3A_192 : vector<16xi32>
        %jit3A_194 = arith.constant 0 : i32
        %broadcast_in_dim3A_195 = vector.broadcast %jit3A_194 : i32 to vector<16xi32>
        %select_n3A_196 = arith.select %eq3A_193, %rev3A_167, %broadcast_in_dim3A_195 : vector<16xi1>, vector<16xi32>
        %reduce_sum3A_197 = arith.constant true
        %reduce_sum3A_198 = vector.broadcast %reduce_sum3A_197 : i1 to vector<16xi1>
        %reduce_sum3A_199 = tpu.scan <sum>, %select_n3A_196 masked %reduce_sum3A_198 : vector<16xi32>, vector<16xi1> -> vector<16xi32>
        %reduce_sum3A_200 = vector.extract %reduce_sum3A_199[15] : i32 from vector<16xi32>
        %mul3A_201 = arith.constant 16 : i32
        %mul3A_202 = arith.muli %while3A_155, %mul3A_201 : i32
        %add3A_203 = arith.constant 15 : i32
        %add3A_204 = arith.addi %mul3A_202, %add3A_203 : i32
        %sub3A_205 = arith.subi %add3A_204, %reduce_min3A_182 : i32
        %select_n3A_206 = arith.select %lt3A_183, %sub3A_205, %while3A_157 : i32
        %add3A_207 = arith.addi %while3A_156, %reduce_sum3A_191 : i32
        %sub3A_208 = arith.subi %add3A_207, %reduce_sum3A_200 : i32
        %sub3A_209 = arith.subi %while3A_113#3, %sub3A_208 : i32
        %select_n3A_210 = arith.select %lt3A_183, %sub3A_209, %while3A_158 : i32
        %select_n3A_211 = arith.select %lt3A_183, %reduce_sum3A_200, %while3A_159 : i32
        %sub3A_212 = arith.constant 1 : i32
        %sub3A_213 = arith.subi %while3A_155, %sub3A_212 : i32
        %reduce_sum3A_214 = arith.constant true
        %reduce_sum3A_215 = vector.broadcast %reduce_sum3A_214 : i1 to vector<16xi1>
        %reduce_sum3A_216 = tpu.scan <sum>, %get3A_163 masked %reduce_sum3A_215 : vector<16xi32>, vector<16xi1> -> vector<16xi32>
        %reduce_sum3A_217 = vector.extract %reduce_sum3A_216[15] : i32 from vector<16xi32>
        %add3A_218 = arith.addi %while3A_156, %reduce_sum3A_217 : i32
        scf.yield %sub3A_213, %add3A_218, %select_n3A_206, %select_n3A_210, %select_n3A_211 : i32, i32, i32, i32, i32
      }
      %shift_left3A_137 = arith.constant 8 : i32
      %shift_left3A_138 = arith.shli %or3A, %shift_left3A_137 : i32
      %or3A_139 = arith.ori %shift_left3A_138, %while3A_136#2 : i32
      %sub3A = arith.subi %while3A_136#4, %while3A_136#3 : i32
      %parallel_loop3A_140 = arith.constant 0 : i32
      %parallel_loop3A_141 = arith.constant 512 : i32
      %parallel_loop3A_142 = arith.constant 1 : i32
      scf.for %parallel_loop3A_155 = %parallel_loop3A_140 to %parallel_loop3A_141 step %parallel_loop3A_142  : i32 {
        %parallel_loop3A_156 = arith.constant 16 : i32
        %parallel_loop3A_157 = arith.muli %parallel_loop3A_155, %parallel_loop3A_156 : i32
        %parallel_loop3A_158 = arith.index_cast %parallel_loop3A_157 : i32 to index
        %parallel_loop3A_159 = tpu.vector_load %arg6[%parallel_loop3A_158] {strides = array<i32>} : memref<8192xf32, #tpu.memory_space<vmem>>, vector<16xf32>,
        %parallel_loop3A_160 = tpu.bitcast %parallel_loop3A_159 : vector<16xf32> -> vector<16xi32>
        %parallel_loop3A_161 = arith.constant 2147483647 : i32
        %parallel_loop3A_162 = vector.broadcast %parallel_loop3A_161 : i32 to vector<16xi32>
        %parallel_loop3A_163 = arith.andi %parallel_loop3A_160, %parallel_loop3A_162 : vector<16xi32>
        %parallel_loop3A_164 = arith.constant 16 : i32
        %parallel_loop3A_165 = arith.muli %parallel_loop3A_155, %parallel_loop3A_164 : i32
        %parallel_loop3A_166 = arith.index_cast %parallel_loop3A_165 : i32 to index
        %parallel_loop3A_167 = tpu.vector_load %arg9[%parallel_loop3A_166] {strides = array<i32>} : memref<8192xf32, #tpu.memory_space<vmem>>, vector<16xf32>,
        %parallel_loop3A_168 = vector.broadcast %or3A_139 : i32 to vector<16xi32>
        %parallel_loop3A_169 = arith.cmpi sge, %parallel_loop3A_163, %parallel_loop3A_168 : vector<16xi32>
        %parallel_loop3A_170 = arith.select %parallel_loop3A_169, %get3A_22, %broadcast_in_dim3A_23 : vector<16xi1>, vector<16xf32>
        %parallel_loop3A_171 = arith.addf %parallel_loop3A_167, %parallel_loop3A_170 : vector<16xf32>
        %parallel_loop3A_172 = arith.constant 16 : i32
        %parallel_loop3A_173 = arith.muli %parallel_loop3A_155, %parallel_loop3A_172 : i32
        %parallel_loop3A_174 = arith.index_cast %parallel_loop3A_173 : i32 to index
        %parallel_loop3A_175 = tpu.vector_load %arg12[%parallel_loop3A_174] {strides = array<i32>} : memref<8192xf32, #tpu.memory_space<vmem>>, vector<16xf32>,
        tpu.vector_store %arg12[%parallel_loop3A_174], %parallel_loop3A_171 {strides = array<i32>} : memref<8192xf32, #tpu.memory_space<vmem>>, vector<16xf32>,
      } {sc.loop_unroll_factor = 8 : i64, sc.parallel_access}
      %gt3A_143 = arith.constant 0 : i32
      %gt3A_144 = arith.cmpi sgt, %sub3A, %gt3A_143 : i32
      %convert_element_type3A_145 = arith.extui %gt3A_144 : i1 to i32
      %cond3A_146 = arith.constant 0 : i32
      %cond3A_147 = arith.cmpi ne, %convert_element_type3A_145, %cond3A_146 : i32
      scf.if %cond3A_147 {
        %scan3A = arith.constant 0 : i32
        %scan3A_155 = arith.constant 0 : i32
        %scan3A_156 = arith.constant 512 : i32
        %scan3A_157 = arith.addi %scan3A_155, %scan3A_156 : i32
        %scan3A_158 = arith.constant 1 : i32
        %scan3A_159 = scf.for %scan3A_161 = %scan3A_155 to %scan3A_157 step %scan3A_158 iter_args(%scan3A_162 = %scan3A) -> (i32)  : i32 {
          %sub3A_163 = arith.constant 511 : i32
          %sub3A_164 = arith.subi %sub3A_163, %scan3A_161 : i32
          %mul3A_165 = arith.constant 16 : i32
          %mul3A_166 = arith.muli %sub3A_164, %mul3A_165 : i32
          %get3A_167 = arith.index_cast %mul3A_166 : i32 to index
          %get3A_168 = tpu.vector_load %arg6[%get3A_167] {strides = array<i32>} : memref<8192xf32, #tpu.memory_space<vmem>>, vector<16xf32>,
          %bitcast_convert_type3A = tpu.bitcast %get3A_168 : vector<16xf32> -> vector<16xi32>
          %and3A = arith.constant 2147483647 : i32
          %and3A_169 = vector.broadcast %and3A : i32 to vector<16xi32>
          %and3A_170 = arith.andi %bitcast_convert_type3A, %and3A_169 : vector<16xi32>
          %eq3A_171 = vector.broadcast %or3A_139 : i32 to vector<16xi32>
          %eq3A_172 = arith.cmpi eq, %and3A_170, %eq3A_171 : vector<16xi32>
          %convert_element_type3A_173 = arith.extui %eq3A_172 : vector<16xi1> to vector<16xi32>
          %rev3A = arith.constant 15 : i32
          %rev3A_174 = vector.broadcast %rev3A : i32 to vector<16xi32>
          %rev3A_175 = tpu.iota {dimensions = array<i32: 0>} : vector<16xi32>
          %rev3A_176 = arith.subi %rev3A_174, %rev3A_175 : vector<16xi32>
          %rev3A_177 = tpu.dynamic_gather %convert_element_type3A_173[%rev3A_176] in [0] : vector<16xi32>, vector<16xi32> -> vector<16xi32>
          %cumsum3A = arith.constant true
          %cumsum3A_178 = vector.broadcast %cumsum3A : i1 to vector<16xi1>
          %cumsum3A_179 = tpu.scan <sum>, %rev3A_177 masked %cumsum3A_178 : vector<16xi32>, vector<16xi1> -> vector<16xi32>
          %rev3A_180 = arith.constant 15 : i32
          %rev3A_181 = vector.broadcast %rev3A_180 : i32 to vector<16xi32>
          %rev3A_182 = tpu.iota {dimensions = array<i32: 0>} : vector<16xi32>
          %rev3A_183 = arith.subi %rev3A_181, %rev3A_182 : vector<16xi32>
          %rev3A_184 = tpu.dynamic_gather %cumsum3A_179[%rev3A_183] in [0] : vector<16xi32>, vector<16xi32> -> vector<16xi32>
          %add3A_185 = vector.broadcast %scan3A_162 : i32 to vector<16xi32>
          %add3A_186 = arith.addi %add3A_185, %rev3A_184 : vector<16xi32>
          %le3A = vector.broadcast %sub3A : i32 to vector<16xi32>
          %le3A_187 = arith.cmpi sle, %add3A_186, %le3A : vector<16xi32>
          %and3A_188 = arith.andi %eq3A_172, %le3A_187 : vector<16xi1>
          %mul3A_189 = arith.constant 16 : i32
          %mul3A_190 = arith.muli %sub3A_164, %mul3A_189 : i32
          %get3A_191 = arith.index_cast %mul3A_190 : i32 to index
          %get3A_192 = tpu.vector_load %arg12[%get3A_191] {strides = array<i32>} : memref<8192xf32, #tpu.memory_space<vmem>>, vector<16xf32>,
          %select_n3A_193 = arith.select %and3A_188, %get3A_22, %broadcast_in_dim3A_23 : vector<16xi1>, vector<16xf32>
          %sub3A_194 = arith.subf %get3A_192, %select_n3A_193 : vector<16xf32>
          %mul3A_195 = arith.constant 16 : i32
          %mul3A_196 = arith.muli %sub3A_164, %mul3A_195 : i32
          %swap3A = arith.index_cast %mul3A_196 : i32 to index
          %swap3A_197 = tpu.vector_load %arg12[%swap3A] {strides = array<i32>} : memref<8192xf32, #tpu.memory_space<vmem>>, vector<16xf32>,
          tpu.vector_store %arg12[%swap3A], %sub3A_194 {strides = array<i32>} : memref<8192xf32, #tpu.memory_space<vmem>>, vector<16xf32>,
          %reduce_sum3A = arith.constant true
          %reduce_sum3A_198 = vector.broadcast %reduce_sum3A : i1 to vector<16xi1>
          %reduce_sum3A_199 = tpu.scan <sum>, %convert_element_type3A_173 masked %reduce_sum3A_198 : vector<16xi32>, vector<16xi1> -> vector<16xi32>
          %reduce_sum3A_200 = vector.extract %reduce_sum3A_199[15] : i32 from vector<16xi32>
          %add3A_201 = arith.addi %scan3A_162, %reduce_sum3A_200 : i32
          scf.yield %add3A_201 : i32
        }
        %scan3A_160 = arith.constant 512 : i32
      } else {
      }
      %add3A_148 = arith.constant 0 : i32
      %add3A_149 = arith.addi %select_n3A_9, %add3A_148 : i32
      %dma_start3A = arith.constant 0 : i32
      %dma_start3A_150 = tpu.memref_slice %arg5[%add3A_149, %dma_start3A] : memref<64x8192xf32, #tpu.memory_space<hbm>> -> memref<1x8192xf32, #tpu.memory_space<hbm>>
      %dma_start3A_151 = tpu.memref_squeeze %dma_start3A_150 : memref<1x8192xf32, #tpu.memory_space<hbm>> -> memref<8192xf32, #tpu.memory_space<hbm>>
      %dma_start3A_152 = arith.constant 0 : i32
      %dma_start3A_153 = tpu.memref_slice %arg5[%add3A_149, %dma_start3A_152] : memref<64x8192xf32, #tpu.memory_space<hbm>> -> memref<1x8192xf32, #tpu.memory_space<hbm>>
      %dma_start3A_154 = tpu.memref_squeeze %dma_start3A_153 : memref<1x8192xf32, #tpu.memory_space<hbm>> -> memref<8192xf32, #tpu.memory_space<hbm>>
      tpu.enqueue_dma source(%arg12 : memref<8192xf32, #tpu.memory_space<vmem>>) target(%dma_start3A_154 : memref<8192xf32, #tpu.memory_space<hbm>>) target_semaphore(%arg21 : memref<!tpu.dma_semaphore, #tpu.memory_space<semaphore_mem>>)
    } else {
    }
    %gt3A_33 = arith.constant 1 : i32
    %gt3A_34 = arith.cmpi sgt, %select_n3A, %gt3A_33 : i32
    %convert_element_type3A_35 = arith.extui %gt3A_34 : i1 to i32
    %cond3A_36 = arith.constant 0 : i32
    %cond3A_37 = arith.cmpi ne, %convert_element_type3A_35, %cond3A_36 : i32
    scf.if %cond3A_37 {
      %add3A_58 = arith.constant 1 : i32
      %add3A_59 = arith.addi %select_n3A_9, %add3A_58 : i32
      %dma_wait3A = arith.constant 0 : i32
      %dma_wait3A_60 = tpu.memref_slice %arg2[%add3A_59, %dma_wait3A] : memref<64x8192xf32, #tpu.memory_space<hbm>> -> memref<1x8192xf32, #tpu.memory_space<hbm>>
      %dma_wait3A_61 = tpu.memref_squeeze %dma_wait3A_60 : memref<1x8192xf32, #tpu.memory_space<hbm>> -> memref<8192xf32, #tpu.memory_space<hbm>>
      %dma_wait3A_62 = arith.constant 0 : i32
      %dma_wait3A_63 = tpu.memref_slice %arg2[%add3A_59, %dma_wait3A_62] : memref<64x8192xf32, #tpu.memory_space<hbm>> -> memref<1x8192xf32, #tpu.memory_space<hbm>>
      %dma_wait3A_64 = tpu.memref_squeeze %dma_wait3A_63 : memref<1x8192xf32, #tpu.memory_space<hbm>> -> memref<8192xf32, #tpu.memory_space<hbm>>
      tpu.wait_dma2 semaphore(%arg19 : memref<!tpu.dma_semaphore, #tpu.memory_space<semaphore_mem>>) src(%dma_wait3A_64 : memref<8192xf32, #tpu.memory_space<hbm>>) dst(%arg7 : memref<8192xf32, #tpu.memory_space<vmem>>)
      %add3A_65 = arith.constant 1 : i32
      %add3A_66 = arith.addi %select_n3A_9, %add3A_65 : i32
      %dma_wait3A_67 = arith.constant 0 : i32
      %dma_wait3A_68 = tpu.memref_slice %arg4[%add3A_66, %dma_wait3A_67] : memref<64x8192xf32, #tpu.memory_space<hbm>> -> memref<1x8192xf32, #tpu.memory_space<hbm>>
      %dma_wait3A_69 = tpu.memref_squeeze %dma_wait3A_68 : memref<1x8192xf32, #tpu.memory_space<hbm>> -> memref<8192xf32, #tpu.memory_space<hbm>>
      %dma_wait3A_70 = arith.constant 0 : i32
      %dma_wait3A_71 = tpu.memref_slice %arg4[%add3A_66, %dma_wait3A_70] : memref<64x8192xf32, #tpu.memory_space<hbm>> -> memref<1x8192xf32, #tpu.memory_space<hbm>>
      %dma_wait3A_72 = tpu.memref_squeeze %dma_wait3A_71 : memref<1x8192xf32, #tpu.memory_space<hbm>> -> memref<8192xf32, #tpu.memory_space<hbm>>
      tpu.wait_dma2 semaphore(%arg20 : memref<!tpu.dma_semaphore, #tpu.memory_space<semaphore_mem>>) src(%dma_wait3A_72 : memref<8192xf32, #tpu.memory_space<hbm>>) dst(%arg10 : memref<8192xf32, #tpu.memory_space<vmem>>)
      %parallel_loop3A = arith.constant 0 : i32
      %parallel_loop3A_73 = arith.constant 512 : i32
      %parallel_loop3A_74 = arith.constant 1 : i32
      scf.for %parallel_loop3A_155 = %parallel_loop3A to %parallel_loop3A_73 step %parallel_loop3A_74  : i32 {
        %parallel_loop3A_156 = arith.constant 16 : i32
        %parallel_loop3A_157 = arith.muli %parallel_loop3A_155, %parallel_loop3A_156 : i32
        %parallel_loop3A_158 = arith.index_cast %parallel_loop3A_157 : i32 to index
        %parallel_loop3A_159 = tpu.vector_load %arg15[%parallel_loop3A_158] {strides = array<i32>} : memref<8192xi32, #tpu.memory_space<vmem>>, vector<16xi32>,
        tpu.vector_store %arg15[%parallel_loop3A_158], %broadcast_in_dim3A_27 {strides = array<i32>} : memref<8192xi32, #tpu.memory_space<vmem>>, vector<16xi32>,
      } {sc.loop_unroll_factor = 8 : i64, sc.parallel_access}
      %parallel_loop3A_75 = arith.constant 0 : i32
      %parallel_loop3A_76 = arith.constant 512 : i32
      %parallel_loop3A_77 = arith.constant 1 : i32
      %parallel_loop3A_78 = scf.for %parallel_loop3A_155 = %parallel_loop3A_75 to %parallel_loop3A_76 step %parallel_loop3A_77 iter_args(%parallel_loop3A_156 = %broadcast_in_dim3A_27) -> (vector<16xi32>)  : i32 {
        %parallel_loop3A_157 = arith.constant 16 : i32
        %parallel_loop3A_158 = arith.muli %parallel_loop3A_155, %parallel_loop3A_157 : i32
        %parallel_loop3A_159 = arith.index_cast %parallel_loop3A_158 : i32 to index
        %parallel_loop3A_160 = tpu.vector_load %arg7[%parallel_loop3A_159] {strides = array<i32>} : memref<8192xf32, #tpu.memory_space<vmem>>, vector<16xf32>,
        %parallel_loop3A_161 = tpu.bitcast %parallel_loop3A_160 : vector<16xf32> -> vector<16xi32>
        %parallel_loop3A_162 = arith.constant 18 : i32
        %parallel_loop3A_163 = vector.broadcast %parallel_loop3A_162 : i32 to vector<16xi32>
        %parallel_loop3A_164 = arith.shrui %parallel_loop3A_161, %parallel_loop3A_163 : vector<16xi32>
        %parallel_loop3A_165 = arith.constant 8191 : i32
        %parallel_loop3A_166 = vector.broadcast %parallel_loop3A_165 : i32 to vector<16xi32>
        %parallel_loop3A_167 = arith.andi %parallel_loop3A_164, %parallel_loop3A_166 : vector<16xi32>
        tpu.vector_store_idx %arg15[%parallel_loop3A_167], %broadcast_in_dim3A_25 {add = true} : memref<8192xi32, #tpu.memory_space<vmem>>[vector<16xi32>], vector<16xi32>,
        %parallel_loop3A_168 = arith.maxsi %parallel_loop3A_156, %parallel_loop3A_167 : vector<16xi32>
        scf.yield %parallel_loop3A_168 : vector<16xi32>
      } {sc.loop_unroll_factor = 8 : i64, sc.parallel_access}
      %reduce_max3A = arith.constant true
      %reduce_max3A_79 = vector.broadcast %reduce_max3A : i1 to vector<16xi1>
      %reduce_max3A_80 = arith.constant -2147483648 : i32
      %reduce_max3A_81 = vector.broadcast %reduce_max3A_80 : i32 to vector<16xi32>
      %reduce_max3A_82 = arith.xori %parallel_loop3A_78, %reduce_max3A_81 : vector<16xi32>
      %reduce_max3A_83 = tpu.scan <max>, %reduce_max3A_82 masked %reduce_max3A_79 : vector<16xi32>, vector<16xi1> -> vector<16xi32>
      %reduce_max3A_84 = arith.xori %reduce_max3A_83, %reduce_max3A_81 : vector<16xi32>
      %reduce_max3A_85 = vector.extract %reduce_max3A_84[15] : i32 from vector<16xi32>
      %shift_right_arithmetic3A = arith.constant 4 : i32
      %shift_right_arithmetic3A_86 = arith.shrsi %reduce_max3A_85, %shift_right_arithmetic3A : i32
      %while3A = arith.constant 500 : i32
      %while3A_87 = arith.constant 0 : i32
      %while3A_88 = arith.constant -1 : i32
      %while3A_89 = arith.constant 0 : i32
      %while3A_90 = arith.constant 0 : i32
      %while3A_91:5 = scf.while (%while3A_155 = %shift_right_arithmetic3A_86, %while3A_156 = %while3A_87, %while3A_157 = %while3A_88, %while3A_158 = %while3A_89, %while3A_159 = %while3A_90) : (i32, i32, i32, i32, i32) -> (i32, i32, i32, i32, i32) {
        %lt3A = arith.constant 0 : i32
        %lt3A_160 = arith.cmpi slt, %while3A_157, %lt3A : i32
        %ge3A = arith.constant 0 : i32
        %ge3A_161 = arith.cmpi sge, %while3A_155, %ge3A : i32
        %and3A = arith.andi %lt3A_160, %ge3A_161 : i1
        scf.condition(%and3A) %while3A_155, %while3A_156, %while3A_157, %while3A_158, %while3A_159 : i32, i32, i32, i32, i32
      } do {
      ^bb0(%while3A_155: i32, %while3A_156: i32, %while3A_157: i32, %while3A_158: i32, %while3A_159: i32):
        %mul3A_160 = arith.constant 16 : i32
        %mul3A_161 = arith.muli %while3A_155, %mul3A_160 : i32
        %get3A_162 = arith.index_cast %mul3A_161 : i32 to index
        %get3A_163 = tpu.vector_load %arg15[%get3A_162] {strides = array<i32>} : memref<8192xi32, #tpu.memory_space<vmem>>, vector<16xi32>,
        %rev3A = arith.constant 15 : i32
        %rev3A_164 = vector.broadcast %rev3A : i32 to vector<16xi32>
        %rev3A_165 = tpu.iota {dimensions = array<i32: 0>} : vector<16xi32>
        %rev3A_166 = arith.subi %rev3A_164, %rev3A_165 : vector<16xi32>
        %rev3A_167 = tpu.dynamic_gather %get3A_163[%rev3A_166] in [0] : vector<16xi32>, vector<16xi32> -> vector<16xi32>
        %cumsum3A = arith.constant true
        %cumsum3A_168 = vector.broadcast %cumsum3A : i1 to vector<16xi1>
        %cumsum3A_169 = tpu.scan <sum>, %rev3A_167 masked %cumsum3A_168 : vector<16xi32>, vector<16xi1> -> vector<16xi32>
        %add3A_170 = vector.broadcast %while3A_156 : i32 to vector<16xi32>
        %add3A_171 = arith.addi %add3A_170, %cumsum3A_169 : vector<16xi32>
        %ge3A = vector.broadcast %while3A : i32 to vector<16xi32>
        %ge3A_172 = arith.cmpi sge, %add3A_171, %ge3A : vector<16xi32>
        %jit3A_173 = arith.constant 16 : i32
        %broadcast_in_dim3A_174 = vector.broadcast %jit3A_173 : i32 to vector<16xi32>
        %select_n3A_175 = arith.select %ge3A_172, %iota3A, %broadcast_in_dim3A_174 : vector<16xi1>, vector<16xi32>
        %reduce_min3A = arith.constant true
        %reduce_min3A_176 = vector.broadcast %reduce_min3A : i1 to vector<16xi1>
        %reduce_min3A_177 = arith.constant -2147483648 : i32
        %reduce_min3A_178 = vector.broadcast %reduce_min3A_177 : i32 to vector<16xi32>
        %reduce_min3A_179 = arith.xori %select_n3A_175, %reduce_min3A_178 : vector<16xi32>
        %reduce_min3A_180 = tpu.scan <min>, %reduce_min3A_179 masked %reduce_min3A_176 : vector<16xi32>, vector<16xi1> -> vector<16xi32>
        %reduce_min3A_181 = arith.xori %reduce_min3A_180, %reduce_min3A_178 : vector<16xi32>
        %reduce_min3A_182 = vector.extract %reduce_min3A_181[15] : i32 from vector<16xi32>
        %lt3A = arith.constant 16 : i32
        %lt3A_183 = arith.cmpi slt, %reduce_min3A_182, %lt3A : i32
        %eq3A_184 = vector.broadcast %reduce_min3A_182 : i32 to vector<16xi32>
        %eq3A_185 = arith.cmpi eq, %iota3A, %eq3A_184 : vector<16xi32>
        %jit3A_186 = arith.constant 0 : i32
        %broadcast_in_dim3A_187 = vector.broadcast %jit3A_186 : i32 to vector<16xi32>
        %select_n3A_188 = arith.select %eq3A_185, %cumsum3A_169, %broadcast_in_dim3A_187 : vector<16xi1>, vector<16xi32>
        %reduce_sum3A = arith.constant true
        %reduce_sum3A_189 = vector.broadcast %reduce_sum3A : i1 to vector<16xi1>
        %reduce_sum3A_190 = tpu.scan <sum>, %select_n3A_188 masked %reduce_sum3A_189 : vector<16xi32>, vector<16xi1> -> vector<16xi32>
        %reduce_sum3A_191 = vector.extract %reduce_sum3A_190[15] : i32 from vector<16xi32>
        %eq3A_192 = vector.broadcast %reduce_min3A_182 : i32 to vector<16xi32>
        %eq3A_193 = arith.cmpi eq, %iota3A, %eq3A_192 : vector<16xi32>
        %jit3A_194 = arith.constant 0 : i32
        %broadcast_in_dim3A_195 = vector.broadcast %jit3A_194 : i32 to vector<16xi32>
        %select_n3A_196 = arith.select %eq3A_193, %rev3A_167, %broadcast_in_dim3A_195 : vector<16xi1>, vector<16xi32>
        %reduce_sum3A_197 = arith.constant true
        %reduce_sum3A_198 = vector.broadcast %reduce_sum3A_197 : i1 to vector<16xi1>
        %reduce_sum3A_199 = tpu.scan <sum>, %select_n3A_196 masked %reduce_sum3A_198 : vector<16xi32>, vector<16xi1> -> vector<16xi32>
        %reduce_sum3A_200 = vector.extract %reduce_sum3A_199[15] : i32 from vector<16xi32>
        %mul3A_201 = arith.constant 16 : i32
        %mul3A_202 = arith.muli %while3A_155, %mul3A_201 : i32
        %add3A_203 = arith.constant 15 : i32
        %add3A_204 = arith.addi %mul3A_202, %add3A_203 : i32
        %sub3A_205 = arith.subi %add3A_204, %reduce_min3A_182 : i32
        %select_n3A_206 = arith.select %lt3A_183, %sub3A_205, %while3A_157 : i32
        %add3A_207 = arith.addi %while3A_156, %reduce_sum3A_191 : i32
        %sub3A_208 = arith.subi %add3A_207, %reduce_sum3A_200 : i32
        %sub3A_209 = arith.subi %while3A, %sub3A_208 : i32
        %select_n3A_210 = arith.select %lt3A_183, %sub3A_209, %while3A_158 : i32
        %select_n3A_211 = arith.select %lt3A_183, %reduce_sum3A_200, %while3A_159 : i32
        %sub3A_212 = arith.constant 1 : i32
        %sub3A_213 = arith.subi %while3A_155, %sub3A_212 : i32
        %reduce_sum3A_214 = arith.constant true
        %reduce_sum3A_215 = vector.broadcast %reduce_sum3A_214 : i1 to vector<16xi1>
        %reduce_sum3A_216 = tpu.scan <sum>, %get3A_163 masked %reduce_sum3A_215 : vector<16xi32>, vector<16xi1> -> vector<16xi32>
        %reduce_sum3A_217 = vector.extract %reduce_sum3A_216[15] : i32 from vector<16xi32>
        %add3A_218 = arith.addi %while3A_156, %reduce_sum3A_217 : i32
        scf.yield %sub3A_213, %add3A_218, %select_n3A_206, %select_n3A_210, %select_n3A_211 : i32, i32, i32, i32, i32
      }
      %parallel_loop3A_92 = arith.constant 0 : i32
      %parallel_loop3A_93 = arith.constant 64 : i32
      %parallel_loop3A_94 = arith.constant 1 : i32
      scf.for %parallel_loop3A_155 = %parallel_loop3A_92 to %parallel_loop3A_93 step %parallel_loop3A_94  : i32 {
        %parallel_loop3A_156 = arith.constant 16 : i32
        %parallel_loop3A_157 = arith.muli %parallel_loop3A_155, %parallel_loop3A_156 : i32
        %parallel_loop3A_158 = arith.index_cast %parallel_loop3A_157 : i32 to index
        %parallel_loop3A_159 = tpu.vector_load %arg16[%parallel_loop3A_158] {strides = array<i32>} : memref<1024xi32, #tpu.memory_space<vmem>>, vector<16xi32>,
        tpu.vector_store %arg16[%parallel_loop3A_158], %broadcast_in_dim3A_27 {strides = array<i32>} : memref<1024xi32, #tpu.memory_space<vmem>>, vector<16xi32>,
      } {sc.loop_unroll_factor = 8 : i64, sc.parallel_access}
      %parallel_loop3A_95 = arith.constant 0 : i32
      %parallel_loop3A_96 = arith.constant 512 : i32
      %parallel_loop3A_97 = arith.constant 1 : i32
      %parallel_loop3A_98 = scf.for %parallel_loop3A_155 = %parallel_loop3A_95 to %parallel_loop3A_96 step %parallel_loop3A_97 iter_args(%parallel_loop3A_156 = %broadcast_in_dim3A_27) -> (vector<16xi32>)  : i32 {
        %parallel_loop3A_157 = arith.constant 16 : i32
        %parallel_loop3A_158 = arith.muli %parallel_loop3A_155, %parallel_loop3A_157 : i32
        %parallel_loop3A_159 = arith.index_cast %parallel_loop3A_158 : i32 to index
        %parallel_loop3A_160 = tpu.vector_load %arg7[%parallel_loop3A_159] {strides = array<i32>} : memref<8192xf32, #tpu.memory_space<vmem>>, vector<16xf32>,
        %parallel_loop3A_161 = tpu.bitcast %parallel_loop3A_160 : vector<16xf32> -> vector<16xi32>
        %parallel_loop3A_162 = arith.constant 18 : i32
        %parallel_loop3A_163 = vector.broadcast %parallel_loop3A_162 : i32 to vector<16xi32>
        %parallel_loop3A_164 = arith.shrui %parallel_loop3A_161, %parallel_loop3A_163 : vector<16xi32>
        %parallel_loop3A_165 = arith.constant 8191 : i32
        %parallel_loop3A_166 = vector.broadcast %parallel_loop3A_165 : i32 to vector<16xi32>
        %parallel_loop3A_167 = arith.andi %parallel_loop3A_164, %parallel_loop3A_166 : vector<16xi32>
        %parallel_loop3A_168 = vector.broadcast %while3A_91#2 : i32 to vector<16xi32>
        %parallel_loop3A_169 = arith.cmpi eq, %parallel_loop3A_167, %parallel_loop3A_168 : vector<16xi32>
        %parallel_loop3A_170 = arith.constant 8 : i32
        %parallel_loop3A_171 = vector.broadcast %parallel_loop3A_170 : i32 to vector<16xi32>
        %parallel_loop3A_172 = arith.shrsi %parallel_loop3A_161, %parallel_loop3A_171 : vector<16xi32>
        %parallel_loop3A_173 = arith.constant 1023 : i32
        %parallel_loop3A_174 = vector.broadcast %parallel_loop3A_173 : i32 to vector<16xi32>
        %parallel_loop3A_175 = arith.andi %parallel_loop3A_172, %parallel_loop3A_174 : vector<16xi32>
        tpu.vector_store_idx %arg16[%parallel_loop3A_175], %broadcast_in_dim3A_25 masked %parallel_loop3A_169 {add = true} : memref<1024xi32, #tpu.memory_space<vmem>>[vector<16xi32>], vector<16xi32>, vector<16xi1>
        %parallel_loop3A_176 = arith.constant 0 : i32
        %parallel_loop3A_177 = vector.broadcast %parallel_loop3A_176 : i32 to vector<16xi32>
        %parallel_loop3A_178 = arith.select %parallel_loop3A_169, %parallel_loop3A_175, %parallel_loop3A_177 : vector<16xi1>, vector<16xi32>
        %parallel_loop3A_179 = arith.maxsi %parallel_loop3A_156, %parallel_loop3A_178 : vector<16xi32>
        scf.yield %parallel_loop3A_179 : vector<16xi32>
      } {sc.loop_unroll_factor = 8 : i64, sc.parallel_access}
      %reduce_max3A_99 = arith.constant true
      %reduce_max3A_100 = vector.broadcast %reduce_max3A_99 : i1 to vector<16xi1>
      %reduce_max3A_101 = arith.constant -2147483648 : i32
      %reduce_max3A_102 = vector.broadcast %reduce_max3A_101 : i32 to vector<16xi32>
      %reduce_max3A_103 = arith.xori %parallel_loop3A_98, %reduce_max3A_102 : vector<16xi32>
      %reduce_max3A_104 = tpu.scan <max>, %reduce_max3A_103 masked %reduce_max3A_100 : vector<16xi32>, vector<16xi1> -> vector<16xi32>
      %reduce_max3A_105 = arith.xori %reduce_max3A_104, %reduce_max3A_102 : vector<16xi32>
      %reduce_max3A_106 = vector.extract %reduce_max3A_105[15] : i32 from vector<16xi32>
      %shift_right_arithmetic3A_107 = arith.constant 4 : i32
      %shift_right_arithmetic3A_108 = arith.shrsi %reduce_max3A_106, %shift_right_arithmetic3A_107 : i32
      %while3A_109 = arith.constant 0 : i32
      %while3A_110 = arith.constant -1 : i32
      %while3A_111 = arith.constant 0 : i32
      %while3A_112 = arith.constant 0 : i32
      %while3A_113:5 = scf.while (%while3A_155 = %shift_right_arithmetic3A_108, %while3A_156 = %while3A_109, %while3A_157 = %while3A_110, %while3A_158 = %while3A_111, %while3A_159 = %while3A_112) : (i32, i32, i32, i32, i32) -> (i32, i32, i32, i32, i32) {
        %lt3A = arith.constant 0 : i32
        %lt3A_160 = arith.cmpi slt, %while3A_157, %lt3A : i32
        %ge3A = arith.constant 0 : i32
        %ge3A_161 = arith.cmpi sge, %while3A_155, %ge3A : i32
        %and3A = arith.andi %lt3A_160, %ge3A_161 : i1
        scf.condition(%and3A) %while3A_155, %while3A_156, %while3A_157, %while3A_158, %while3A_159 : i32, i32, i32, i32, i32
      } do {
      ^bb0(%while3A_155: i32, %while3A_156: i32, %while3A_157: i32, %while3A_158: i32, %while3A_159: i32):
        %mul3A_160 = arith.constant 16 : i32
        %mul3A_161 = arith.muli %while3A_155, %mul3A_160 : i32
        %get3A_162 = arith.index_cast %mul3A_161 : i32 to index
        %get3A_163 = tpu.vector_load %arg16[%get3A_162] {strides = array<i32>} : memref<1024xi32, #tpu.memory_space<vmem>>, vector<16xi32>,
        %rev3A = arith.constant 15 : i32
        %rev3A_164 = vector.broadcast %rev3A : i32 to vector<16xi32>
        %rev3A_165 = tpu.iota {dimensions = array<i32: 0>} : vector<16xi32>
        %rev3A_166 = arith.subi %rev3A_164, %rev3A_165 : vector<16xi32>
        %rev3A_167 = tpu.dynamic_gather %get3A_163[%rev3A_166] in [0] : vector<16xi32>, vector<16xi32> -> vector<16xi32>
        %cumsum3A = arith.constant true
        %cumsum3A_168 = vector.broadcast %cumsum3A : i1 to vector<16xi1>
        %cumsum3A_169 = tpu.scan <sum>, %rev3A_167 masked %cumsum3A_168 : vector<16xi32>, vector<16xi1> -> vector<16xi32>
        %add3A_170 = vector.broadcast %while3A_156 : i32 to vector<16xi32>
        %add3A_171 = arith.addi %add3A_170, %cumsum3A_169 : vector<16xi32>
        %ge3A = vector.broadcast %while3A_91#3 : i32 to vector<16xi32>
        %ge3A_172 = arith.cmpi sge, %add3A_171, %ge3A : vector<16xi32>
        %jit3A_173 = arith.constant 16 : i32
        %broadcast_in_dim3A_174 = vector.broadcast %jit3A_173 : i32 to vector<16xi32>
        %select_n3A_175 = arith.select %ge3A_172, %iota3A, %broadcast_in_dim3A_174 : vector<16xi1>, vector<16xi32>
        %reduce_min3A = arith.constant true
        %reduce_min3A_176 = vector.broadcast %reduce_min3A : i1 to vector<16xi1>
        %reduce_min3A_177 = arith.constant -2147483648 : i32
        %reduce_min3A_178 = vector.broadcast %reduce_min3A_177 : i32 to vector<16xi32>
        %reduce_min3A_179 = arith.xori %select_n3A_175, %reduce_min3A_178 : vector<16xi32>
        %reduce_min3A_180 = tpu.scan <min>, %reduce_min3A_179 masked %reduce_min3A_176 : vector<16xi32>, vector<16xi1> -> vector<16xi32>
        %reduce_min3A_181 = arith.xori %reduce_min3A_180, %reduce_min3A_178 : vector<16xi32>
        %reduce_min3A_182 = vector.extract %reduce_min3A_181[15] : i32 from vector<16xi32>
        %lt3A = arith.constant 16 : i32
        %lt3A_183 = arith.cmpi slt, %reduce_min3A_182, %lt3A : i32
        %eq3A_184 = vector.broadcast %reduce_min3A_182 : i32 to vector<16xi32>
        %eq3A_185 = arith.cmpi eq, %iota3A, %eq3A_184 : vector<16xi32>
        %jit3A_186 = arith.constant 0 : i32
        %broadcast_in_dim3A_187 = vector.broadcast %jit3A_186 : i32 to vector<16xi32>
        %select_n3A_188 = arith.select %eq3A_185, %cumsum3A_169, %broadcast_in_dim3A_187 : vector<16xi1>, vector<16xi32>
        %reduce_sum3A = arith.constant true
        %reduce_sum3A_189 = vector.broadcast %reduce_sum3A : i1 to vector<16xi1>
        %reduce_sum3A_190 = tpu.scan <sum>, %select_n3A_188 masked %reduce_sum3A_189 : vector<16xi32>, vector<16xi1> -> vector<16xi32>
        %reduce_sum3A_191 = vector.extract %reduce_sum3A_190[15] : i32 from vector<16xi32>
        %eq3A_192 = vector.broadcast %reduce_min3A_182 : i32 to vector<16xi32>
        %eq3A_193 = arith.cmpi eq, %iota3A, %eq3A_192 : vector<16xi32>
        %jit3A_194 = arith.constant 0 : i32
        %broadcast_in_dim3A_195 = vector.broadcast %jit3A_194 : i32 to vector<16xi32>
        %select_n3A_196 = arith.select %eq3A_193, %rev3A_167, %broadcast_in_dim3A_195 : vector<16xi1>, vector<16xi32>
        %reduce_sum3A_197 = arith.constant true
        %reduce_sum3A_198 = vector.broadcast %reduce_sum3A_197 : i1 to vector<16xi1>
        %reduce_sum3A_199 = tpu.scan <sum>, %select_n3A_196 masked %reduce_sum3A_198 : vector<16xi32>, vector<16xi1> -> vector<16xi32>
        %reduce_sum3A_200 = vector.extract %reduce_sum3A_199[15] : i32 from vector<16xi32>
        %mul3A_201 = arith.constant 16 : i32
        %mul3A_202 = arith.muli %while3A_155, %mul3A_201 : i32
        %add3A_203 = arith.constant 15 : i32
        %add3A_204 = arith.addi %mul3A_202, %add3A_203 : i32
        %sub3A_205 = arith.subi %add3A_204, %reduce_min3A_182 : i32
        %select_n3A_206 = arith.select %lt3A_183, %sub3A_205, %while3A_157 : i32
        %add3A_207 = arith.addi %while3A_156, %reduce_sum3A_191 : i32
        %sub3A_208 = arith.subi %add3A_207, %reduce_sum3A_200 : i32
        %sub3A_209 = arith.subi %while3A_91#3, %sub3A_208 : i32
        %select_n3A_210 = arith.select %lt3A_183, %sub3A_209, %while3A_158 : i32
        %select_n3A_211 = arith.select %lt3A_183, %reduce_sum3A_200, %while3A_159 : i32
        %sub3A_212 = arith.constant 1 : i32
        %sub3A_213 = arith.subi %while3A_155, %sub3A_212 : i32
        %reduce_sum3A_214 = arith.constant true
        %reduce_sum3A_215 = vector.broadcast %reduce_sum3A_214 : i1 to vector<16xi1>
        %reduce_sum3A_216 = tpu.scan <sum>, %get3A_163 masked %reduce_sum3A_215 : vector<16xi32>, vector<16xi1> -> vector<16xi32>
        %reduce_sum3A_217 = vector.extract %reduce_sum3A_216[15] : i32 from vector<16xi32>
        %add3A_218 = arith.addi %while3A_156, %reduce_sum3A_217 : i32
        scf.yield %sub3A_213, %add3A_218, %select_n3A_206, %select_n3A_210, %select_n3A_211 : i32, i32, i32, i32, i32
      }
      %shift_left3A = arith.constant 10 : i32
      %shift_left3A_114 = arith.shli %while3A_91#2, %shift_left3A : i32
      %or3A = arith.ori %shift_left3A_114, %while3A_113#2 : i32
      %parallel_loop3A_115 = arith.constant 0 : i32
      %parallel_loop3A_116 = arith.constant 16 : i32
      %parallel_loop3A_117 = arith.constant 1 : i32
      scf.for %parallel_loop3A_155 = %parallel_loop3A_115 to %parallel_loop3A_116 step %parallel_loop3A_117  : i32 {
        %parallel_loop3A_156 = arith.constant 16 : i32
        %parallel_loop3A_157 = arith.muli %parallel_loop3A_155, %parallel_loop3A_156 : i32
        %parallel_loop3A_158 = arith.index_cast %parallel_loop3A_157 : i32 to index
        %parallel_loop3A_159 = tpu.vector_load %arg17[%parallel_loop3A_158] {strides = array<i32>} : memref<256xi32, #tpu.memory_space<vmem>>, vector<16xi32>,
        tpu.vector_store %arg17[%parallel_loop3A_158], %broadcast_in_dim3A_27 {strides = array<i32>} : memref<256xi32, #tpu.memory_space<vmem>>, vector<16xi32>,
      } {sc.loop_unroll_factor = 8 : i64, sc.parallel_access}
      %parallel_loop3A_118 = arith.constant 0 : i32
      %parallel_loop3A_119 = arith.constant 512 : i32
      %parallel_loop3A_120 = arith.constant 1 : i32
      %parallel_loop3A_121 = scf.for %parallel_loop3A_155 = %parallel_loop3A_118 to %parallel_loop3A_119 step %parallel_loop3A_120 iter_args(%parallel_loop3A_156 = %broadcast_in_dim3A_27) -> (vector<16xi32>)  : i32 {
        %parallel_loop3A_157 = arith.constant 16 : i32
        %parallel_loop3A_158 = arith.muli %parallel_loop3A_155, %parallel_loop3A_157 : i32
        %parallel_loop3A_159 = arith.index_cast %parallel_loop3A_158 : i32 to index
        %parallel_loop3A_160 = tpu.vector_load %arg7[%parallel_loop3A_159] {strides = array<i32>} : memref<8192xf32, #tpu.memory_space<vmem>>, vector<16xf32>,
        %parallel_loop3A_161 = tpu.bitcast %parallel_loop3A_160 : vector<16xf32> -> vector<16xi32>
        %parallel_loop3A_162 = arith.constant 8 : i32
        %parallel_loop3A_163 = vector.broadcast %parallel_loop3A_162 : i32 to vector<16xi32>
        %parallel_loop3A_164 = arith.shrui %parallel_loop3A_161, %parallel_loop3A_163 : vector<16xi32>
        %parallel_loop3A_165 = arith.constant 8388607 : i32
        %parallel_loop3A_166 = vector.broadcast %parallel_loop3A_165 : i32 to vector<16xi32>
        %parallel_loop3A_167 = arith.andi %parallel_loop3A_164, %parallel_loop3A_166 : vector<16xi32>
        %parallel_loop3A_168 = vector.broadcast %or3A : i32 to vector<16xi32>
        %parallel_loop3A_169 = arith.cmpi eq, %parallel_loop3A_167, %parallel_loop3A_168 : vector<16xi32>
        %parallel_loop3A_170 = arith.constant 255 : i32
        %parallel_loop3A_171 = vector.broadcast %parallel_loop3A_170 : i32 to vector<16xi32>
        %parallel_loop3A_172 = arith.andi %parallel_loop3A_161, %parallel_loop3A_171 : vector<16xi32>
        tpu.vector_store_idx %arg17[%parallel_loop3A_172], %broadcast_in_dim3A_25 masked %parallel_loop3A_169 {add = true} : memref<256xi32, #tpu.memory_space<vmem>>[vector<16xi32>], vector<16xi32>, vector<16xi1>
        %parallel_loop3A_173 = arith.constant 0 : i32
        %parallel_loop3A_174 = vector.broadcast %parallel_loop3A_173 : i32 to vector<16xi32>
        %parallel_loop3A_175 = arith.select %parallel_loop3A_169, %parallel_loop3A_172, %parallel_loop3A_174 : vector<16xi1>, vector<16xi32>
        %parallel_loop3A_176 = arith.maxsi %parallel_loop3A_156, %parallel_loop3A_175 : vector<16xi32>
        scf.yield %parallel_loop3A_176 : vector<16xi32>
      } {sc.loop_unroll_factor = 8 : i64, sc.parallel_access}
      %reduce_max3A_122 = arith.constant true
      %reduce_max3A_123 = vector.broadcast %reduce_max3A_122 : i1 to vector<16xi1>
      %reduce_max3A_124 = arith.constant -2147483648 : i32
      %reduce_max3A_125 = vector.broadcast %reduce_max3A_124 : i32 to vector<16xi32>
      %reduce_max3A_126 = arith.xori %parallel_loop3A_121, %reduce_max3A_125 : vector<16xi32>
      %reduce_max3A_127 = tpu.scan <max>, %reduce_max3A_126 masked %reduce_max3A_123 : vector<16xi32>, vector<16xi1> -> vector<16xi32>
      %reduce_max3A_128 = arith.xori %reduce_max3A_127, %reduce_max3A_125 : vector<16xi32>
      %reduce_max3A_129 = vector.extract %reduce_max3A_128[15] : i32 from vector<16xi32>
      %shift_right_arithmetic3A_130 = arith.constant 4 : i32
      %shift_right_arithmetic3A_131 = arith.shrsi %reduce_max3A_129, %shift_right_arithmetic3A_130 : i32
      %while3A_132 = arith.constant 0 : i32
      %while3A_133 = arith.constant -1 : i32
      %while3A_134 = arith.constant 0 : i32
      %while3A_135 = arith.constant 0 : i32
      %while3A_136:5 = scf.while (%while3A_155 = %shift_right_arithmetic3A_131, %while3A_156 = %while3A_132, %while3A_157 = %while3A_133, %while3A_158 = %while3A_134, %while3A_159 = %while3A_135) : (i32, i32, i32, i32, i32) -> (i32, i32, i32, i32, i32) {
        %lt3A = arith.constant 0 : i32
        %lt3A_160 = arith.cmpi slt, %while3A_157, %lt3A : i32
        %ge3A = arith.constant 0 : i32
        %ge3A_161 = arith.cmpi sge, %while3A_155, %ge3A : i32
        %and3A = arith.andi %lt3A_160, %ge3A_161 : i1
        scf.condition(%and3A) %while3A_155, %while3A_156, %while3A_157, %while3A_158, %while3A_159 : i32, i32, i32, i32, i32
      } do {
      ^bb0(%while3A_155: i32, %while3A_156: i32, %while3A_157: i32, %while3A_158: i32, %while3A_159: i32):
        %mul3A_160 = arith.constant 16 : i32
        %mul3A_161 = arith.muli %while3A_155, %mul3A_160 : i32
        %get3A_162 = arith.index_cast %mul3A_161 : i32 to index
        %get3A_163 = tpu.vector_load %arg17[%get3A_162] {strides = array<i32>} : memref<256xi32, #tpu.memory_space<vmem>>, vector<16xi32>,
        %rev3A = arith.constant 15 : i32
        %rev3A_164 = vector.broadcast %rev3A : i32 to vector<16xi32>
        %rev3A_165 = tpu.iota {dimensions = array<i32: 0>} : vector<16xi32>
        %rev3A_166 = arith.subi %rev3A_164, %rev3A_165 : vector<16xi32>
        %rev3A_167 = tpu.dynamic_gather %get3A_163[%rev3A_166] in [0] : vector<16xi32>, vector<16xi32> -> vector<16xi32>
        %cumsum3A = arith.constant true
        %cumsum3A_168 = vector.broadcast %cumsum3A : i1 to vector<16xi1>
        %cumsum3A_169 = tpu.scan <sum>, %rev3A_167 masked %cumsum3A_168 : vector<16xi32>, vector<16xi1> -> vector<16xi32>
        %add3A_170 = vector.broadcast %while3A_156 : i32 to vector<16xi32>
        %add3A_171 = arith.addi %add3A_170, %cumsum3A_169 : vector<16xi32>
        %ge3A = vector.broadcast %while3A_113#3 : i32 to vector<16xi32>
        %ge3A_172 = arith.cmpi sge, %add3A_171, %ge3A : vector<16xi32>
        %jit3A_173 = arith.constant 16 : i32
        %broadcast_in_dim3A_174 = vector.broadcast %jit3A_173 : i32 to vector<16xi32>
        %select_n3A_175 = arith.select %ge3A_172, %iota3A, %broadcast_in_dim3A_174 : vector<16xi1>, vector<16xi32>
        %reduce_min3A = arith.constant true
        %reduce_min3A_176 = vector.broadcast %reduce_min3A : i1 to vector<16xi1>
        %reduce_min3A_177 = arith.constant -2147483648 : i32
        %reduce_min3A_178 = vector.broadcast %reduce_min3A_177 : i32 to vector<16xi32>
        %reduce_min3A_179 = arith.xori %select_n3A_175, %reduce_min3A_178 : vector<16xi32>
        %reduce_min3A_180 = tpu.scan <min>, %reduce_min3A_179 masked %reduce_min3A_176 : vector<16xi32>, vector<16xi1> -> vector<16xi32>
        %reduce_min3A_181 = arith.xori %reduce_min3A_180, %reduce_min3A_178 : vector<16xi32>
        %reduce_min3A_182 = vector.extract %reduce_min3A_181[15] : i32 from vector<16xi32>
        %lt3A = arith.constant 16 : i32
        %lt3A_183 = arith.cmpi slt, %reduce_min3A_182, %lt3A : i32
        %eq3A_184 = vector.broadcast %reduce_min3A_182 : i32 to vector<16xi32>
        %eq3A_185 = arith.cmpi eq, %iota3A, %eq3A_184 : vector<16xi32>
        %jit3A_186 = arith.constant 0 : i32
        %broadcast_in_dim3A_187 = vector.broadcast %jit3A_186 : i32 to vector<16xi32>
        %select_n3A_188 = arith.select %eq3A_185, %cumsum3A_169, %broadcast_in_dim3A_187 : vector<16xi1>, vector<16xi32>
        %reduce_sum3A = arith.constant true
        %reduce_sum3A_189 = vector.broadcast %reduce_sum3A : i1 to vector<16xi1>
        %reduce_sum3A_190 = tpu.scan <sum>, %select_n3A_188 masked %reduce_sum3A_189 : vector<16xi32>, vector<16xi1> -> vector<16xi32>
        %reduce_sum3A_191 = vector.extract %reduce_sum3A_190[15] : i32 from vector<16xi32>
        %eq3A_192 = vector.broadcast %reduce_min3A_182 : i32 to vector<16xi32>
        %eq3A_193 = arith.cmpi eq, %iota3A, %eq3A_192 : vector<16xi32>
        %jit3A_194 = arith.constant 0 : i32
        %broadcast_in_dim3A_195 = vector.broadcast %jit3A_194 : i32 to vector<16xi32>
        %select_n3A_196 = arith.select %eq3A_193, %rev3A_167, %broadcast_in_dim3A_195 : vector<16xi1>, vector<16xi32>
        %reduce_sum3A_197 = arith.constant true
        %reduce_sum3A_198 = vector.broadcast %reduce_sum3A_197 : i1 to vector<16xi1>
        %reduce_sum3A_199 = tpu.scan <sum>, %select_n3A_196 masked %reduce_sum3A_198 : vector<16xi32>, vector<16xi1> -> vector<16xi32>
        %reduce_sum3A_200 = vector.extract %reduce_sum3A_199[15] : i32 from vector<16xi32>
        %mul3A_201 = arith.constant 16 : i32
        %mul3A_202 = arith.muli %while3A_155, %mul3A_201 : i32
        %add3A_203 = arith.constant 15 : i32
        %add3A_204 = arith.addi %mul3A_202, %add3A_203 : i32
        %sub3A_205 = arith.subi %add3A_204, %reduce_min3A_182 : i32
        %select_n3A_206 = arith.select %lt3A_183, %sub3A_205, %while3A_157 : i32
        %add3A_207 = arith.addi %while3A_156, %reduce_sum3A_191 : i32
        %sub3A_208 = arith.subi %add3A_207, %reduce_sum3A_200 : i32
        %sub3A_209 = arith.subi %while3A_113#3, %sub3A_208 : i32
        %select_n3A_210 = arith.select %lt3A_183, %sub3A_209, %while3A_158 : i32
        %select_n3A_211 = arith.select %lt3A_183, %reduce_sum3A_200, %while3A_159 : i32
        %sub3A_212 = arith.constant 1 : i32
        %sub3A_213 = arith.subi %while3A_155, %sub3A_212 : i32
        %reduce_sum3A_214 = arith.constant true
        %reduce_sum3A_215 = vector.broadcast %reduce_sum3A_214 : i1 to vector<16xi1>
        %reduce_sum3A_216 = tpu.scan <sum>, %get3A_163 masked %reduce_sum3A_215 : vector<16xi32>, vector<16xi1> -> vector<16xi32>
        %reduce_sum3A_217 = vector.extract %reduce_sum3A_216[15] : i32 from vector<16xi32>
        %add3A_218 = arith.addi %while3A_156, %reduce_sum3A_217 : i32
        scf.yield %sub3A_213, %add3A_218, %select_n3A_206, %select_n3A_210, %select_n3A_211 : i32, i32, i32, i32, i32
      }
      %shift_left3A_137 = arith.constant 8 : i32
      %shift_left3A_138 = arith.shli %or3A, %shift_left3A_137 : i32
      %or3A_139 = arith.ori %shift_left3A_138, %while3A_136#2 : i32
      %sub3A = arith.subi %while3A_136#4, %while3A_136#3 : i32
      %parallel_loop3A_140 = arith.constant 0 : i32
      %parallel_loop3A_141 = arith.constant 512 : i32
      %parallel_loop3A_142 = arith.constant 1 : i32
      scf.for %parallel_loop3A_155 = %parallel_loop3A_140 to %parallel_loop3A_141 step %parallel_loop3A_142  : i32 {
        %parallel_loop3A_156 = arith.constant 16 : i32
        %parallel_loop3A_157 = arith.muli %parallel_loop3A_155, %parallel_loop3A_156 : i32
        %parallel_loop3A_158 = arith.index_cast %parallel_loop3A_157 : i32 to index
        %parallel_loop3A_159 = tpu.vector_load %arg7[%parallel_loop3A_158] {strides = array<i32>} : memref<8192xf32, #tpu.memory_space<vmem>>, vector<16xf32>,
        %parallel_loop3A_160 = tpu.bitcast %parallel_loop3A_159 : vector<16xf32> -> vector<16xi32>
        %parallel_loop3A_161 = arith.constant 2147483647 : i32
        %parallel_loop3A_162 = vector.broadcast %parallel_loop3A_161 : i32 to vector<16xi32>
        %parallel_loop3A_163 = arith.andi %parallel_loop3A_160, %parallel_loop3A_162 : vector<16xi32>
        %parallel_loop3A_164 = arith.constant 16 : i32
        %parallel_loop3A_165 = arith.muli %parallel_loop3A_155, %parallel_loop3A_164 : i32
        %parallel_loop3A_166 = arith.index_cast %parallel_loop3A_165 : i32 to index
        %parallel_loop3A_167 = tpu.vector_load %arg10[%parallel_loop3A_166] {strides = array<i32>} : memref<8192xf32, #tpu.memory_space<vmem>>, vector<16xf32>,
        %parallel_loop3A_168 = vector.broadcast %or3A_139 : i32 to vector<16xi32>
        %parallel_loop3A_169 = arith.cmpi sge, %parallel_loop3A_163, %parallel_loop3A_168 : vector<16xi32>
        %parallel_loop3A_170 = arith.select %parallel_loop3A_169, %get3A_22, %broadcast_in_dim3A_23 : vector<16xi1>, vector<16xf32>
        %parallel_loop3A_171 = arith.addf %parallel_loop3A_167, %parallel_loop3A_170 : vector<16xf32>
        %parallel_loop3A_172 = arith.constant 16 : i32
        %parallel_loop3A_173 = arith.muli %parallel_loop3A_155, %parallel_loop3A_172 : i32
        %parallel_loop3A_174 = arith.index_cast %parallel_loop3A_173 : i32 to index
        %parallel_loop3A_175 = tpu.vector_load %arg13[%parallel_loop3A_174] {strides = array<i32>} : memref<8192xf32, #tpu.memory_space<vmem>>, vector<16xf32>,
        tpu.vector_store %arg13[%parallel_loop3A_174], %parallel_loop3A_171 {strides = array<i32>} : memref<8192xf32, #tpu.memory_space<vmem>>, vector<16xf32>,
      } {sc.loop_unroll_factor = 8 : i64, sc.parallel_access}
      %gt3A_143 = arith.constant 0 : i32
      %gt3A_144 = arith.cmpi sgt, %sub3A, %gt3A_143 : i32
      %convert_element_type3A_145 = arith.extui %gt3A_144 : i1 to i32
      %cond3A_146 = arith.constant 0 : i32
      %cond3A_147 = arith.cmpi ne, %convert_element_type3A_145, %cond3A_146 : i32
      scf.if %cond3A_147 {
        %scan3A = arith.constant 0 : i32
        %scan3A_155 = arith.constant 0 : i32
        %scan3A_156 = arith.constant 512 : i32
        %scan3A_157 = arith.addi %scan3A_155, %scan3A_156 : i32
        %scan3A_158 = arith.constant 1 : i32
        %scan3A_159 = scf.for %scan3A_161 = %scan3A_155 to %scan3A_157 step %scan3A_158 iter_args(%scan3A_162 = %scan3A) -> (i32)  : i32 {
          %sub3A_163 = arith.constant 511 : i32
          %sub3A_164 = arith.subi %sub3A_163, %scan3A_161 : i32
          %mul3A_165 = arith.constant 16 : i32
          %mul3A_166 = arith.muli %sub3A_164, %mul3A_165 : i32
          %get3A_167 = arith.index_cast %mul3A_166 : i32 to index
          %get3A_168 = tpu.vector_load %arg7[%get3A_167] {strides = array<i32>} : memref<8192xf32, #tpu.memory_space<vmem>>, vector<16xf32>,
          %bitcast_convert_type3A = tpu.bitcast %get3A_168 : vector<16xf32> -> vector<16xi32>
          %and3A = arith.constant 2147483647 : i32
          %and3A_169 = vector.broadcast %and3A : i32 to vector<16xi32>
          %and3A_170 = arith.andi %bitcast_convert_type3A, %and3A_169 : vector<16xi32>
          %eq3A_171 = vector.broadcast %or3A_139 : i32 to vector<16xi32>
          %eq3A_172 = arith.cmpi eq, %and3A_170, %eq3A_171 : vector<16xi32>
          %convert_element_type3A_173 = arith.extui %eq3A_172 : vector<16xi1> to vector<16xi32>
          %rev3A = arith.constant 15 : i32
          %rev3A_174 = vector.broadcast %rev3A : i32 to vector<16xi32>
          %rev3A_175 = tpu.iota {dimensions = array<i32: 0>} : vector<16xi32>
          %rev3A_176 = arith.subi %rev3A_174, %rev3A_175 : vector<16xi32>
          %rev3A_177 = tpu.dynamic_gather %convert_element_type3A_173[%rev3A_176] in [0] : vector<16xi32>, vector<16xi32> -> vector<16xi32>
          %cumsum3A = arith.constant true
          %cumsum3A_178 = vector.broadcast %cumsum3A : i1 to vector<16xi1>
          %cumsum3A_179 = tpu.scan <sum>, %rev3A_177 masked %cumsum3A_178 : vector<16xi32>, vector<16xi1> -> vector<16xi32>
          %rev3A_180 = arith.constant 15 : i32
          %rev3A_181 = vector.broadcast %rev3A_180 : i32 to vector<16xi32>
          %rev3A_182 = tpu.iota {dimensions = array<i32: 0>} : vector<16xi32>
          %rev3A_183 = arith.subi %rev3A_181, %rev3A_182 : vector<16xi32>
          %rev3A_184 = tpu.dynamic_gather %cumsum3A_179[%rev3A_183] in [0] : vector<16xi32>, vector<16xi32> -> vector<16xi32>
          %add3A_185 = vector.broadcast %scan3A_162 : i32 to vector<16xi32>
          %add3A_186 = arith.addi %add3A_185, %rev3A_184 : vector<16xi32>
          %le3A = vector.broadcast %sub3A : i32 to vector<16xi32>
          %le3A_187 = arith.cmpi sle, %add3A_186, %le3A : vector<16xi32>
          %and3A_188 = arith.andi %eq3A_172, %le3A_187 : vector<16xi1>
          %mul3A_189 = arith.constant 16 : i32
          %mul3A_190 = arith.muli %sub3A_164, %mul3A_189 : i32
          %get3A_191 = arith.index_cast %mul3A_190 : i32 to index
          %get3A_192 = tpu.vector_load %arg13[%get3A_191] {strides = array<i32>} : memref<8192xf32, #tpu.memory_space<vmem>>, vector<16xf32>,
          %select_n3A_193 = arith.select %and3A_188, %get3A_22, %broadcast_in_dim3A_23 : vector<16xi1>, vector<16xf32>
          %sub3A_194 = arith.subf %get3A_192, %select_n3A_193 : vector<16xf32>
          %mul3A_195 = arith.constant 16 : i32
          %mul3A_196 = arith.muli %sub3A_164, %mul3A_195 : i32
          %swap3A = arith.index_cast %mul3A_196 : i32 to index
          %swap3A_197 = tpu.vector_load %arg13[%swap3A] {strides = array<i32>} : memref<8192xf32, #tpu.memory_space<vmem>>, vector<16xf32>,
          tpu.vector_store %arg13[%swap3A], %sub3A_194 {strides = array<i32>} : memref<8192xf32, #tpu.memory_space<vmem>>, vector<16xf32>,
          %reduce_sum3A = arith.constant true
          %reduce_sum3A_198 = vector.broadcast %reduce_sum3A : i1 to vector<16xi1>
          %reduce_sum3A_199 = tpu.scan <sum>, %convert_element_type3A_173 masked %reduce_sum3A_198 : vector<16xi32>, vector<16xi1> -> vector<16xi32>
          %reduce_sum3A_200 = vector.extract %reduce_sum3A_199[15] : i32 from vector<16xi32>
          %add3A_201 = arith.addi %scan3A_162, %reduce_sum3A_200 : i32
          scf.yield %add3A_201 : i32
        }
        %scan3A_160 = arith.constant 512 : i32
      } else {
      }
      %add3A_148 = arith.constant 1 : i32
      %add3A_149 = arith.addi %select_n3A_9, %add3A_148 : i32
      %dma_start3A = arith.constant 0 : i32
      %dma_start3A_150 = tpu.memref_slice %arg5[%add3A_149, %dma_start3A] : memref<64x8192xf32, #tpu.memory_space<hbm>> -> memref<1x8192xf32, #tpu.memory_space<hbm>>
      %dma_start3A_151 = tpu.memref_squeeze %dma_start3A_150 : memref<1x8192xf32, #tpu.memory_space<hbm>> -> memref<8192xf32, #tpu.memory_space<hbm>>
      %dma_start3A_152 = arith.constant 0 : i32
      %dma_start3A_153 = tpu.memref_slice %arg5[%add3A_149, %dma_start3A_152] : memref<64x8192xf32, #tpu.memory_space<hbm>> -> memref<1x8192xf32, #tpu.memory_space<hbm>>
      %dma_start3A_154 = tpu.memref_squeeze %dma_start3A_153 : memref<1x8192xf32, #tpu.memory_space<hbm>> -> memref<8192xf32, #tpu.memory_space<hbm>>
      tpu.enqueue_dma source(%arg13 : memref<8192xf32, #tpu.memory_space<vmem>>) target(%dma_start3A_154 : memref<8192xf32, #tpu.memory_space<hbm>>) target_semaphore(%arg21 : memref<!tpu.dma_semaphore, #tpu.memory_space<semaphore_mem>>)
    } else {
    }
    %gt3A_38 = arith.constant 2 : i32
    %gt3A_39 = arith.cmpi sgt, %select_n3A, %gt3A_38 : i32
    %convert_element_type3A_40 = arith.extui %gt3A_39 : i1 to i32
    %cond3A_41 = arith.constant 0 : i32
    %cond3A_42 = arith.cmpi ne, %convert_element_type3A_40, %cond3A_41 : i32
    scf.if %cond3A_42 {
      %add3A_58 = arith.constant 2 : i32
      %add3A_59 = arith.addi %select_n3A_9, %add3A_58 : i32
      %dma_wait3A = arith.constant 0 : i32
      %dma_wait3A_60 = tpu.memref_slice %arg2[%add3A_59, %dma_wait3A] : memref<64x8192xf32, #tpu.memory_space<hbm>> -> memref<1x8192xf32, #tpu.memory_space<hbm>>
      %dma_wait3A_61 = tpu.memref_squeeze %dma_wait3A_60 : memref<1x8192xf32, #tpu.memory_space<hbm>> -> memref<8192xf32, #tpu.memory_space<hbm>>
      %dma_wait3A_62 = arith.constant 0 : i32
      %dma_wait3A_63 = tpu.memref_slice %arg2[%add3A_59, %dma_wait3A_62] : memref<64x8192xf32, #tpu.memory_space<hbm>> -> memref<1x8192xf32, #tpu.memory_space<hbm>>
      %dma_wait3A_64 = tpu.memref_squeeze %dma_wait3A_63 : memref<1x8192xf32, #tpu.memory_space<hbm>> -> memref<8192xf32, #tpu.memory_space<hbm>>
      tpu.wait_dma2 semaphore(%arg19 : memref<!tpu.dma_semaphore, #tpu.memory_space<semaphore_mem>>) src(%dma_wait3A_64 : memref<8192xf32, #tpu.memory_space<hbm>>) dst(%arg8 : memref<8192xf32, #tpu.memory_space<vmem>>)
      %add3A_65 = arith.constant 2 : i32
      %add3A_66 = arith.addi %select_n3A_9, %add3A_65 : i32
      %dma_wait3A_67 = arith.constant 0 : i32
      %dma_wait3A_68 = tpu.memref_slice %arg4[%add3A_66, %dma_wait3A_67] : memref<64x8192xf32, #tpu.memory_space<hbm>> -> memref<1x8192xf32, #tpu.memory_space<hbm>>
      %dma_wait3A_69 = tpu.memref_squeeze %dma_wait3A_68 : memref<1x8192xf32, #tpu.memory_space<hbm>> -> memref<8192xf32, #tpu.memory_space<hbm>>
      %dma_wait3A_70 = arith.constant 0 : i32
      %dma_wait3A_71 = tpu.memref_slice %arg4[%add3A_66, %dma_wait3A_70] : memref<64x8192xf32, #tpu.memory_space<hbm>> -> memref<1x8192xf32, #tpu.memory_space<hbm>>
      %dma_wait3A_72 = tpu.memref_squeeze %dma_wait3A_71 : memref<1x8192xf32, #tpu.memory_space<hbm>> -> memref<8192xf32, #tpu.memory_space<hbm>>
      tpu.wait_dma2 semaphore(%arg20 : memref<!tpu.dma_semaphore, #tpu.memory_space<semaphore_mem>>) src(%dma_wait3A_72 : memref<8192xf32, #tpu.memory_space<hbm>>) dst(%arg11 : memref<8192xf32, #tpu.memory_space<vmem>>)
      %parallel_loop3A = arith.constant 0 : i32
      %parallel_loop3A_73 = arith.constant 512 : i32
      %parallel_loop3A_74 = arith.constant 1 : i32
      scf.for %parallel_loop3A_155 = %parallel_loop3A to %parallel_loop3A_73 step %parallel_loop3A_74  : i32 {
        %parallel_loop3A_156 = arith.constant 16 : i32
        %parallel_loop3A_157 = arith.muli %parallel_loop3A_155, %parallel_loop3A_156 : i32
        %parallel_loop3A_158 = arith.index_cast %parallel_loop3A_157 : i32 to index
        %parallel_loop3A_159 = tpu.vector_load %arg15[%parallel_loop3A_158] {strides = array<i32>} : memref<8192xi32, #tpu.memory_space<vmem>>, vector<16xi32>,
        tpu.vector_store %arg15[%parallel_loop3A_158], %broadcast_in_dim3A_27 {strides = array<i32>} : memref<8192xi32, #tpu.memory_space<vmem>>, vector<16xi32>,
      } {sc.loop_unroll_factor = 8 : i64, sc.parallel_access}
      %parallel_loop3A_75 = arith.constant 0 : i32
      %parallel_loop3A_76 = arith.constant 512 : i32
      %parallel_loop3A_77 = arith.constant 1 : i32
      %parallel_loop3A_78 = scf.for %parallel_loop3A_155 = %parallel_loop3A_75 to %parallel_loop3A_76 step %parallel_loop3A_77 iter_args(%parallel_loop3A_156 = %broadcast_in_dim3A_27) -> (vector<16xi32>)  : i32 {
        %parallel_loop3A_157 = arith.constant 16 : i32
        %parallel_loop3A_158 = arith.muli %parallel_loop3A_155, %parallel_loop3A_157 : i32
        %parallel_loop3A_159 = arith.index_cast %parallel_loop3A_158 : i32 to index
        %parallel_loop3A_160 = tpu.vector_load %arg8[%parallel_loop3A_159] {strides = array<i32>} : memref<8192xf32, #tpu.memory_space<vmem>>, vector<16xf32>,
        %parallel_loop3A_161 = tpu.bitcast %parallel_loop3A_160 : vector<16xf32> -> vector<16xi32>
        %parallel_loop3A_162 = arith.constant 18 : i32
        %parallel_loop3A_163 = vector.broadcast %parallel_loop3A_162 : i32 to vector<16xi32>
        %parallel_loop3A_164 = arith.shrui %parallel_loop3A_161, %parallel_loop3A_163 : vector<16xi32>
        %parallel_loop3A_165 = arith.constant 8191 : i32
        %parallel_loop3A_166 = vector.broadcast %parallel_loop3A_165 : i32 to vector<16xi32>
        %parallel_loop3A_167 = arith.andi %parallel_loop3A_164, %parallel_loop3A_166 : vector<16xi32>
        tpu.vector_store_idx %arg15[%parallel_loop3A_167], %broadcast_in_dim3A_25 {add = true} : memref<8192xi32, #tpu.memory_space<vmem>>[vector<16xi32>], vector<16xi32>,
        %parallel_loop3A_168 = arith.maxsi %parallel_loop3A_156, %parallel_loop3A_167 : vector<16xi32>
        scf.yield %parallel_loop3A_168 : vector<16xi32>
      } {sc.loop_unroll_factor = 8 : i64, sc.parallel_access}
      %reduce_max3A = arith.constant true
      %reduce_max3A_79 = vector.broadcast %reduce_max3A : i1 to vector<16xi1>
      %reduce_max3A_80 = arith.constant -2147483648 : i32
      %reduce_max3A_81 = vector.broadcast %reduce_max3A_80 : i32 to vector<16xi32>
      %reduce_max3A_82 = arith.xori %parallel_loop3A_78, %reduce_max3A_81 : vector<16xi32>
      %reduce_max3A_83 = tpu.scan <max>, %reduce_max3A_82 masked %reduce_max3A_79 : vector<16xi32>, vector<16xi1> -> vector<16xi32>
      %reduce_max3A_84 = arith.xori %reduce_max3A_83, %reduce_max3A_81 : vector<16xi32>
      %reduce_max3A_85 = vector.extract %reduce_max3A_84[15] : i32 from vector<16xi32>
      %shift_right_arithmetic3A = arith.constant 4 : i32
      %shift_right_arithmetic3A_86 = arith.shrsi %reduce_max3A_85, %shift_right_arithmetic3A : i32
      %while3A = arith.constant 500 : i32
      %while3A_87 = arith.constant 0 : i32
      %while3A_88 = arith.constant -1 : i32
      %while3A_89 = arith.constant 0 : i32
      %while3A_90 = arith.constant 0 : i32
      %while3A_91:5 = scf.while (%while3A_155 = %shift_right_arithmetic3A_86, %while3A_156 = %while3A_87, %while3A_157 = %while3A_88, %while3A_158 = %while3A_89, %while3A_159 = %while3A_90) : (i32, i32, i32, i32, i32) -> (i32, i32, i32, i32, i32) {
        %lt3A = arith.constant 0 : i32
        %lt3A_160 = arith.cmpi slt, %while3A_157, %lt3A : i32
        %ge3A = arith.constant 0 : i32
        %ge3A_161 = arith.cmpi sge, %while3A_155, %ge3A : i32
        %and3A = arith.andi %lt3A_160, %ge3A_161 : i1
        scf.condition(%and3A) %while3A_155, %while3A_156, %while3A_157, %while3A_158, %while3A_159 : i32, i32, i32, i32, i32
      } do {
      ^bb0(%while3A_155: i32, %while3A_156: i32, %while3A_157: i32, %while3A_158: i32, %while3A_159: i32):
        %mul3A_160 = arith.constant 16 : i32
        %mul3A_161 = arith.muli %while3A_155, %mul3A_160 : i32
        %get3A_162 = arith.index_cast %mul3A_161 : i32 to index
        %get3A_163 = tpu.vector_load %arg15[%get3A_162] {strides = array<i32>} : memref<8192xi32, #tpu.memory_space<vmem>>, vector<16xi32>,
        %rev3A = arith.constant 15 : i32
        %rev3A_164 = vector.broadcast %rev3A : i32 to vector<16xi32>
        %rev3A_165 = tpu.iota {dimensions = array<i32: 0>} : vector<16xi32>
        %rev3A_166 = arith.subi %rev3A_164, %rev3A_165 : vector<16xi32>
        %rev3A_167 = tpu.dynamic_gather %get3A_163[%rev3A_166] in [0] : vector<16xi32>, vector<16xi32> -> vector<16xi32>
        %cumsum3A = arith.constant true
        %cumsum3A_168 = vector.broadcast %cumsum3A : i1 to vector<16xi1>
        %cumsum3A_169 = tpu.scan <sum>, %rev3A_167 masked %cumsum3A_168 : vector<16xi32>, vector<16xi1> -> vector<16xi32>
        %add3A_170 = vector.broadcast %while3A_156 : i32 to vector<16xi32>
        %add3A_171 = arith.addi %add3A_170, %cumsum3A_169 : vector<16xi32>
        %ge3A = vector.broadcast %while3A : i32 to vector<16xi32>
        %ge3A_172 = arith.cmpi sge, %add3A_171, %ge3A : vector<16xi32>
        %jit3A_173 = arith.constant 16 : i32
        %broadcast_in_dim3A_174 = vector.broadcast %jit3A_173 : i32 to vector<16xi32>
        %select_n3A_175 = arith.select %ge3A_172, %iota3A, %broadcast_in_dim3A_174 : vector<16xi1>, vector<16xi32>
        %reduce_min3A = arith.constant true
        %reduce_min3A_176 = vector.broadcast %reduce_min3A : i1 to vector<16xi1>
        %reduce_min3A_177 = arith.constant -2147483648 : i32
        %reduce_min3A_178 = vector.broadcast %reduce_min3A_177 : i32 to vector<16xi32>
        %reduce_min3A_179 = arith.xori %select_n3A_175, %reduce_min3A_178 : vector<16xi32>
        %reduce_min3A_180 = tpu.scan <min>, %reduce_min3A_179 masked %reduce_min3A_176 : vector<16xi32>, vector<16xi1> -> vector<16xi32>
        %reduce_min3A_181 = arith.xori %reduce_min3A_180, %reduce_min3A_178 : vector<16xi32>
        %reduce_min3A_182 = vector.extract %reduce_min3A_181[15] : i32 from vector<16xi32>
        %lt3A = arith.constant 16 : i32
        %lt3A_183 = arith.cmpi slt, %reduce_min3A_182, %lt3A : i32
        %eq3A_184 = vector.broadcast %reduce_min3A_182 : i32 to vector<16xi32>
        %eq3A_185 = arith.cmpi eq, %iota3A, %eq3A_184 : vector<16xi32>
        %jit3A_186 = arith.constant 0 : i32
        %broadcast_in_dim3A_187 = vector.broadcast %jit3A_186 : i32 to vector<16xi32>
        %select_n3A_188 = arith.select %eq3A_185, %cumsum3A_169, %broadcast_in_dim3A_187 : vector<16xi1>, vector<16xi32>
        %reduce_sum3A = arith.constant true
        %reduce_sum3A_189 = vector.broadcast %reduce_sum3A : i1 to vector<16xi1>
        %reduce_sum3A_190 = tpu.scan <sum>, %select_n3A_188 masked %reduce_sum3A_189 : vector<16xi32>, vector<16xi1> -> vector<16xi32>
        %reduce_sum3A_191 = vector.extract %reduce_sum3A_190[15] : i32 from vector<16xi32>
        %eq3A_192 = vector.broadcast %reduce_min3A_182 : i32 to vector<16xi32>
        %eq3A_193 = arith.cmpi eq, %iota3A, %eq3A_192 : vector<16xi32>
        %jit3A_194 = arith.constant 0 : i32
        %broadcast_in_dim3A_195 = vector.broadcast %jit3A_194 : i32 to vector<16xi32>
        %select_n3A_196 = arith.select %eq3A_193, %rev3A_167, %broadcast_in_dim3A_195 : vector<16xi1>, vector<16xi32>
        %reduce_sum3A_197 = arith.constant true
        %reduce_sum3A_198 = vector.broadcast %reduce_sum3A_197 : i1 to vector<16xi1>
        %reduce_sum3A_199 = tpu.scan <sum>, %select_n3A_196 masked %reduce_sum3A_198 : vector<16xi32>, vector<16xi1> -> vector<16xi32>
        %reduce_sum3A_200 = vector.extract %reduce_sum3A_199[15] : i32 from vector<16xi32>
        %mul3A_201 = arith.constant 16 : i32
        %mul3A_202 = arith.muli %while3A_155, %mul3A_201 : i32
        %add3A_203 = arith.constant 15 : i32
        %add3A_204 = arith.addi %mul3A_202, %add3A_203 : i32
        %sub3A_205 = arith.subi %add3A_204, %reduce_min3A_182 : i32
        %select_n3A_206 = arith.select %lt3A_183, %sub3A_205, %while3A_157 : i32
        %add3A_207 = arith.addi %while3A_156, %reduce_sum3A_191 : i32
        %sub3A_208 = arith.subi %add3A_207, %reduce_sum3A_200 : i32
        %sub3A_209 = arith.subi %while3A, %sub3A_208 : i32
        %select_n3A_210 = arith.select %lt3A_183, %sub3A_209, %while3A_158 : i32
        %select_n3A_211 = arith.select %lt3A_183, %reduce_sum3A_200, %while3A_159 : i32
        %sub3A_212 = arith.constant 1 : i32
        %sub3A_213 = arith.subi %while3A_155, %sub3A_212 : i32
        %reduce_sum3A_214 = arith.constant true
        %reduce_sum3A_215 = vector.broadcast %reduce_sum3A_214 : i1 to vector<16xi1>
        %reduce_sum3A_216 = tpu.scan <sum>, %get3A_163 masked %reduce_sum3A_215 : vector<16xi32>, vector<16xi1> -> vector<16xi32>
        %reduce_sum3A_217 = vector.extract %reduce_sum3A_216[15] : i32 from vector<16xi32>
        %add3A_218 = arith.addi %while3A_156, %reduce_sum3A_217 : i32
        scf.yield %sub3A_213, %add3A_218, %select_n3A_206, %select_n3A_210, %select_n3A_211 : i32, i32, i32, i32, i32
      }
      %parallel_loop3A_92 = arith.constant 0 : i32
      %parallel_loop3A_93 = arith.constant 64 : i32
      %parallel_loop3A_94 = arith.constant 1 : i32
      scf.for %parallel_loop3A_155 = %parallel_loop3A_92 to %parallel_loop3A_93 step %parallel_loop3A_94  : i32 {
        %parallel_loop3A_156 = arith.constant 16 : i32
        %parallel_loop3A_157 = arith.muli %parallel_loop3A_155, %parallel_loop3A_156 : i32
        %parallel_loop3A_158 = arith.index_cast %parallel_loop3A_157 : i32 to index
        %parallel_loop3A_159 = tpu.vector_load %arg16[%parallel_loop3A_158] {strides = array<i32>} : memref<1024xi32, #tpu.memory_space<vmem>>, vector<16xi32>,
        tpu.vector_store %arg16[%parallel_loop3A_158], %broadcast_in_dim3A_27 {strides = array<i32>} : memref<1024xi32, #tpu.memory_space<vmem>>, vector<16xi32>,
      } {sc.loop_unroll_factor = 8 : i64, sc.parallel_access}
      %parallel_loop3A_95 = arith.constant 0 : i32
      %parallel_loop3A_96 = arith.constant 512 : i32
      %parallel_loop3A_97 = arith.constant 1 : i32
      %parallel_loop3A_98 = scf.for %parallel_loop3A_155 = %parallel_loop3A_95 to %parallel_loop3A_96 step %parallel_loop3A_97 iter_args(%parallel_loop3A_156 = %broadcast_in_dim3A_27) -> (vector<16xi32>)  : i32 {
        %parallel_loop3A_157 = arith.constant 16 : i32
        %parallel_loop3A_158 = arith.muli %parallel_loop3A_155, %parallel_loop3A_157 : i32
        %parallel_loop3A_159 = arith.index_cast %parallel_loop3A_158 : i32 to index
        %parallel_loop3A_160 = tpu.vector_load %arg8[%parallel_loop3A_159] {strides = array<i32>} : memref<8192xf32, #tpu.memory_space<vmem>>, vector<16xf32>,
        %parallel_loop3A_161 = tpu.bitcast %parallel_loop3A_160 : vector<16xf32> -> vector<16xi32>
        %parallel_loop3A_162 = arith.constant 18 : i32
        %parallel_loop3A_163 = vector.broadcast %parallel_loop3A_162 : i32 to vector<16xi32>
        %parallel_loop3A_164 = arith.shrui %parallel_loop3A_161, %parallel_loop3A_163 : vector<16xi32>
        %parallel_loop3A_165 = arith.constant 8191 : i32
        %parallel_loop3A_166 = vector.broadcast %parallel_loop3A_165 : i32 to vector<16xi32>
        %parallel_loop3A_167 = arith.andi %parallel_loop3A_164, %parallel_loop3A_166 : vector<16xi32>
        %parallel_loop3A_168 = vector.broadcast %while3A_91#2 : i32 to vector<16xi32>
        %parallel_loop3A_169 = arith.cmpi eq, %parallel_loop3A_167, %parallel_loop3A_168 : vector<16xi32>
        %parallel_loop3A_170 = arith.constant 8 : i32
        %parallel_loop3A_171 = vector.broadcast %parallel_loop3A_170 : i32 to vector<16xi32>
        %parallel_loop3A_172 = arith.shrsi %parallel_loop3A_161, %parallel_loop3A_171 : vector<16xi32>
        %parallel_loop3A_173 = arith.constant 1023 : i32
        %parallel_loop3A_174 = vector.broadcast %parallel_loop3A_173 : i32 to vector<16xi32>
        %parallel_loop3A_175 = arith.andi %parallel_loop3A_172, %parallel_loop3A_174 : vector<16xi32>
        tpu.vector_store_idx %arg16[%parallel_loop3A_175], %broadcast_in_dim3A_25 masked %parallel_loop3A_169 {add = true} : memref<1024xi32, #tpu.memory_space<vmem>>[vector<16xi32>], vector<16xi32>, vector<16xi1>
        %parallel_loop3A_176 = arith.constant 0 : i32
        %parallel_loop3A_177 = vector.broadcast %parallel_loop3A_176 : i32 to vector<16xi32>
        %parallel_loop3A_178 = arith.select %parallel_loop3A_169, %parallel_loop3A_175, %parallel_loop3A_177 : vector<16xi1>, vector<16xi32>
        %parallel_loop3A_179 = arith.maxsi %parallel_loop3A_156, %parallel_loop3A_178 : vector<16xi32>
        scf.yield %parallel_loop3A_179 : vector<16xi32>
      } {sc.loop_unroll_factor = 8 : i64, sc.parallel_access}
      %reduce_max3A_99 = arith.constant true
      %reduce_max3A_100 = vector.broadcast %reduce_max3A_99 : i1 to vector<16xi1>
      %reduce_max3A_101 = arith.constant -2147483648 : i32
      %reduce_max3A_102 = vector.broadcast %reduce_max3A_101 : i32 to vector<16xi32>
      %reduce_max3A_103 = arith.xori %parallel_loop3A_98, %reduce_max3A_102 : vector<16xi32>
      %reduce_max3A_104 = tpu.scan <max>, %reduce_max3A_103 masked %reduce_max3A_100 : vector<16xi32>, vector<16xi1> -> vector<16xi32>
      %reduce_max3A_105 = arith.xori %reduce_max3A_104, %reduce_max3A_102 : vector<16xi32>
      %reduce_max3A_106 = vector.extract %reduce_max3A_105[15] : i32 from vector<16xi32>
      %shift_right_arithmetic3A_107 = arith.constant 4 : i32
      %shift_right_arithmetic3A_108 = arith.shrsi %reduce_max3A_106, %shift_right_arithmetic3A_107 : i32
      %while3A_109 = arith.constant 0 : i32
      %while3A_110 = arith.constant -1 : i32
      %while3A_111 = arith.constant 0 : i32
      %while3A_112 = arith.constant 0 : i32
      %while3A_113:5 = scf.while (%while3A_155 = %shift_right_arithmetic3A_108, %while3A_156 = %while3A_109, %while3A_157 = %while3A_110, %while3A_158 = %while3A_111, %while3A_159 = %while3A_112) : (i32, i32, i32, i32, i32) -> (i32, i32, i32, i32, i32) {
        %lt3A = arith.constant 0 : i32
        %lt3A_160 = arith.cmpi slt, %while3A_157, %lt3A : i32
        %ge3A = arith.constant 0 : i32
        %ge3A_161 = arith.cmpi sge, %while3A_155, %ge3A : i32
        %and3A = arith.andi %lt3A_160, %ge3A_161 : i1
        scf.condition(%and3A) %while3A_155, %while3A_156, %while3A_157, %while3A_158, %while3A_159 : i32, i32, i32, i32, i32
      } do {
      ^bb0(%while3A_155: i32, %while3A_156: i32, %while3A_157: i32, %while3A_158: i32, %while3A_159: i32):
        %mul3A_160 = arith.constant 16 : i32
        %mul3A_161 = arith.muli %while3A_155, %mul3A_160 : i32
        %get3A_162 = arith.index_cast %mul3A_161 : i32 to index
        %get3A_163 = tpu.vector_load %arg16[%get3A_162] {strides = array<i32>} : memref<1024xi32, #tpu.memory_space<vmem>>, vector<16xi32>,
        %rev3A = arith.constant 15 : i32
        %rev3A_164 = vector.broadcast %rev3A : i32 to vector<16xi32>
        %rev3A_165 = tpu.iota {dimensions = array<i32: 0>} : vector<16xi32>
        %rev3A_166 = arith.subi %rev3A_164, %rev3A_165 : vector<16xi32>
        %rev3A_167 = tpu.dynamic_gather %get3A_163[%rev3A_166] in [0] : vector<16xi32>, vector<16xi32> -> vector<16xi32>
        %cumsum3A = arith.constant true
        %cumsum3A_168 = vector.broadcast %cumsum3A : i1 to vector<16xi1>
        %cumsum3A_169 = tpu.scan <sum>, %rev3A_167 masked %cumsum3A_168 : vector<16xi32>, vector<16xi1> -> vector<16xi32>
        %add3A_170 = vector.broadcast %while3A_156 : i32 to vector<16xi32>
        %add3A_171 = arith.addi %add3A_170, %cumsum3A_169 : vector<16xi32>
        %ge3A = vector.broadcast %while3A_91#3 : i32 to vector<16xi32>
        %ge3A_172 = arith.cmpi sge, %add3A_171, %ge3A : vector<16xi32>
        %jit3A_173 = arith.constant 16 : i32
        %broadcast_in_dim3A_174 = vector.broadcast %jit3A_173 : i32 to vector<16xi32>
        %select_n3A_175 = arith.select %ge3A_172, %iota3A, %broadcast_in_dim3A_174 : vector<16xi1>, vector<16xi32>
        %reduce_min3A = arith.constant true
        %reduce_min3A_176 = vector.broadcast %reduce_min3A : i1 to vector<16xi1>
        %reduce_min3A_177 = arith.constant -2147483648 : i32
        %reduce_min3A_178 = vector.broadcast %reduce_min3A_177 : i32 to vector<16xi32>
        %reduce_min3A_179 = arith.xori %select_n3A_175, %reduce_min3A_178 : vector<16xi32>
        %reduce_min3A_180 = tpu.scan <min>, %reduce_min3A_179 masked %reduce_min3A_176 : vector<16xi32>, vector<16xi1> -> vector<16xi32>
        %reduce_min3A_181 = arith.xori %reduce_min3A_180, %reduce_min3A_178 : vector<16xi32>
        %reduce_min3A_182 = vector.extract %reduce_min3A_181[15] : i32 from vector<16xi32>
        %lt3A = arith.constant 16 : i32
        %lt3A_183 = arith.cmpi slt, %reduce_min3A_182, %lt3A : i32
        %eq3A_184 = vector.broadcast %reduce_min3A_182 : i32 to vector<16xi32>
        %eq3A_185 = arith.cmpi eq, %iota3A, %eq3A_184 : vector<16xi32>
        %jit3A_186 = arith.constant 0 : i32
        %broadcast_in_dim3A_187 = vector.broadcast %jit3A_186 : i32 to vector<16xi32>
        %select_n3A_188 = arith.select %eq3A_185, %cumsum3A_169, %broadcast_in_dim3A_187 : vector<16xi1>, vector<16xi32>
        %reduce_sum3A = arith.constant true
        %reduce_sum3A_189 = vector.broadcast %reduce_sum3A : i1 to vector<16xi1>
        %reduce_sum3A_190 = tpu.scan <sum>, %select_n3A_188 masked %reduce_sum3A_189 : vector<16xi32>, vector<16xi1> -> vector<16xi32>
        %reduce_sum3A_191 = vector.extract %reduce_sum3A_190[15] : i32 from vector<16xi32>
        %eq3A_192 = vector.broadcast %reduce_min3A_182 : i32 to vector<16xi32>
        %eq3A_193 = arith.cmpi eq, %iota3A, %eq3A_192 : vector<16xi32>
        %jit3A_194 = arith.constant 0 : i32
        %broadcast_in_dim3A_195 = vector.broadcast %jit3A_194 : i32 to vector<16xi32>
        %select_n3A_196 = arith.select %eq3A_193, %rev3A_167, %broadcast_in_dim3A_195 : vector<16xi1>, vector<16xi32>
        %reduce_sum3A_197 = arith.constant true
        %reduce_sum3A_198 = vector.broadcast %reduce_sum3A_197 : i1 to vector<16xi1>
        %reduce_sum3A_199 = tpu.scan <sum>, %select_n3A_196 masked %reduce_sum3A_198 : vector<16xi32>, vector<16xi1> -> vector<16xi32>
        %reduce_sum3A_200 = vector.extract %reduce_sum3A_199[15] : i32 from vector<16xi32>
        %mul3A_201 = arith.constant 16 : i32
        %mul3A_202 = arith.muli %while3A_155, %mul3A_201 : i32
        %add3A_203 = arith.constant 15 : i32
        %add3A_204 = arith.addi %mul3A_202, %add3A_203 : i32
        %sub3A_205 = arith.subi %add3A_204, %reduce_min3A_182 : i32
        %select_n3A_206 = arith.select %lt3A_183, %sub3A_205, %while3A_157 : i32
        %add3A_207 = arith.addi %while3A_156, %reduce_sum3A_191 : i32
        %sub3A_208 = arith.subi %add3A_207, %reduce_sum3A_200 : i32
        %sub3A_209 = arith.subi %while3A_91#3, %sub3A_208 : i32
        %select_n3A_210 = arith.select %lt3A_183, %sub3A_209, %while3A_158 : i32
        %select_n3A_211 = arith.select %lt3A_183, %reduce_sum3A_200, %while3A_159 : i32
        %sub3A_212 = arith.constant 1 : i32
        %sub3A_213 = arith.subi %while3A_155, %sub3A_212 : i32
        %reduce_sum3A_214 = arith.constant true
        %reduce_sum3A_215 = vector.broadcast %reduce_sum3A_214 : i1 to vector<16xi1>
        %reduce_sum3A_216 = tpu.scan <sum>, %get3A_163 masked %reduce_sum3A_215 : vector<16xi32>, vector<16xi1> -> vector<16xi32>
        %reduce_sum3A_217 = vector.extract %reduce_sum3A_216[15] : i32 from vector<16xi32>
        %add3A_218 = arith.addi %while3A_156, %reduce_sum3A_217 : i32
        scf.yield %sub3A_213, %add3A_218, %select_n3A_206, %select_n3A_210, %select_n3A_211 : i32, i32, i32, i32, i32
      }
      %shift_left3A = arith.constant 10 : i32
      %shift_left3A_114 = arith.shli %while3A_91#2, %shift_left3A : i32
      %or3A = arith.ori %shift_left3A_114, %while3A_113#2 : i32
      %parallel_loop3A_115 = arith.constant 0 : i32
      %parallel_loop3A_116 = arith.constant 16 : i32
      %parallel_loop3A_117 = arith.constant 1 : i32
      scf.for %parallel_loop3A_155 = %parallel_loop3A_115 to %parallel_loop3A_116 step %parallel_loop3A_117  : i32 {
        %parallel_loop3A_156 = arith.constant 16 : i32
        %parallel_loop3A_157 = arith.muli %parallel_loop3A_155, %parallel_loop3A_156 : i32
        %parallel_loop3A_158 = arith.index_cast %parallel_loop3A_157 : i32 to index
        %parallel_loop3A_159 = tpu.vector_load %arg17[%parallel_loop3A_158] {strides = array<i32>} : memref<256xi32, #tpu.memory_space<vmem>>, vector<16xi32>,
        tpu.vector_store %arg17[%parallel_loop3A_158], %broadcast_in_dim3A_27 {strides = array<i32>} : memref<256xi32, #tpu.memory_space<vmem>>, vector<16xi32>,
      } {sc.loop_unroll_factor = 8 : i64, sc.parallel_access}
      %parallel_loop3A_118 = arith.constant 0 : i32
      %parallel_loop3A_119 = arith.constant 512 : i32
      %parallel_loop3A_120 = arith.constant 1 : i32
      %parallel_loop3A_121 = scf.for %parallel_loop3A_155 = %parallel_loop3A_118 to %parallel_loop3A_119 step %parallel_loop3A_120 iter_args(%parallel_loop3A_156 = %broadcast_in_dim3A_27) -> (vector<16xi32>)  : i32 {
        %parallel_loop3A_157 = arith.constant 16 : i32
        %parallel_loop3A_158 = arith.muli %parallel_loop3A_155, %parallel_loop3A_157 : i32
        %parallel_loop3A_159 = arith.index_cast %parallel_loop3A_158 : i32 to index
        %parallel_loop3A_160 = tpu.vector_load %arg8[%parallel_loop3A_159] {strides = array<i32>} : memref<8192xf32, #tpu.memory_space<vmem>>, vector<16xf32>,
        %parallel_loop3A_161 = tpu.bitcast %parallel_loop3A_160 : vector<16xf32> -> vector<16xi32>
        %parallel_loop3A_162 = arith.constant 8 : i32
        %parallel_loop3A_163 = vector.broadcast %parallel_loop3A_162 : i32 to vector<16xi32>
        %parallel_loop3A_164 = arith.shrui %parallel_loop3A_161, %parallel_loop3A_163 : vector<16xi32>
        %parallel_loop3A_165 = arith.constant 8388607 : i32
        %parallel_loop3A_166 = vector.broadcast %parallel_loop3A_165 : i32 to vector<16xi32>
        %parallel_loop3A_167 = arith.andi %parallel_loop3A_164, %parallel_loop3A_166 : vector<16xi32>
        %parallel_loop3A_168 = vector.broadcast %or3A : i32 to vector<16xi32>
        %parallel_loop3A_169 = arith.cmpi eq, %parallel_loop3A_167, %parallel_loop3A_168 : vector<16xi32>
        %parallel_loop3A_170 = arith.constant 255 : i32
        %parallel_loop3A_171 = vector.broadcast %parallel_loop3A_170 : i32 to vector<16xi32>
        %parallel_loop3A_172 = arith.andi %parallel_loop3A_161, %parallel_loop3A_171 : vector<16xi32>
        tpu.vector_store_idx %arg17[%parallel_loop3A_172], %broadcast_in_dim3A_25 masked %parallel_loop3A_169 {add = true} : memref<256xi32, #tpu.memory_space<vmem>>[vector<16xi32>], vector<16xi32>, vector<16xi1>
        %parallel_loop3A_173 = arith.constant 0 : i32
        %parallel_loop3A_174 = vector.broadcast %parallel_loop3A_173 : i32 to vector<16xi32>
        %parallel_loop3A_175 = arith.select %parallel_loop3A_169, %parallel_loop3A_172, %parallel_loop3A_174 : vector<16xi1>, vector<16xi32>
        %parallel_loop3A_176 = arith.maxsi %parallel_loop3A_156, %parallel_loop3A_175 : vector<16xi32>
        scf.yield %parallel_loop3A_176 : vector<16xi32>
      } {sc.loop_unroll_factor = 8 : i64, sc.parallel_access}
      %reduce_max3A_122 = arith.constant true
      %reduce_max3A_123 = vector.broadcast %reduce_max3A_122 : i1 to vector<16xi1>
      %reduce_max3A_124 = arith.constant -2147483648 : i32
      %reduce_max3A_125 = vector.broadcast %reduce_max3A_124 : i32 to vector<16xi32>
      %reduce_max3A_126 = arith.xori %parallel_loop3A_121, %reduce_max3A_125 : vector<16xi32>
      %reduce_max3A_127 = tpu.scan <max>, %reduce_max3A_126 masked %reduce_max3A_123 : vector<16xi32>, vector<16xi1> -> vector<16xi32>
      %reduce_max3A_128 = arith.xori %reduce_max3A_127, %reduce_max3A_125 : vector<16xi32>
      %reduce_max3A_129 = vector.extract %reduce_max3A_128[15] : i32 from vector<16xi32>
      %shift_right_arithmetic3A_130 = arith.constant 4 : i32
      %shift_right_arithmetic3A_131 = arith.shrsi %reduce_max3A_129, %shift_right_arithmetic3A_130 : i32
      %while3A_132 = arith.constant 0 : i32
      %while3A_133 = arith.constant -1 : i32
      %while3A_134 = arith.constant 0 : i32
      %while3A_135 = arith.constant 0 : i32
      %while3A_136:5 = scf.while (%while3A_155 = %shift_right_arithmetic3A_131, %while3A_156 = %while3A_132, %while3A_157 = %while3A_133, %while3A_158 = %while3A_134, %while3A_159 = %while3A_135) : (i32, i32, i32, i32, i32) -> (i32, i32, i32, i32, i32) {
        %lt3A = arith.constant 0 : i32
        %lt3A_160 = arith.cmpi slt, %while3A_157, %lt3A : i32
        %ge3A = arith.constant 0 : i32
        %ge3A_161 = arith.cmpi sge, %while3A_155, %ge3A : i32
        %and3A = arith.andi %lt3A_160, %ge3A_161 : i1
        scf.condition(%and3A) %while3A_155, %while3A_156, %while3A_157, %while3A_158, %while3A_159 : i32, i32, i32, i32, i32
      } do {
      ^bb0(%while3A_155: i32, %while3A_156: i32, %while3A_157: i32, %while3A_158: i32, %while3A_159: i32):
        %mul3A_160 = arith.constant 16 : i32
        %mul3A_161 = arith.muli %while3A_155, %mul3A_160 : i32
        %get3A_162 = arith.index_cast %mul3A_161 : i32 to index
        %get3A_163 = tpu.vector_load %arg17[%get3A_162] {strides = array<i32>} : memref<256xi32, #tpu.memory_space<vmem>>, vector<16xi32>,
        %rev3A = arith.constant 15 : i32
        %rev3A_164 = vector.broadcast %rev3A : i32 to vector<16xi32>
        %rev3A_165 = tpu.iota {dimensions = array<i32: 0>} : vector<16xi32>
        %rev3A_166 = arith.subi %rev3A_164, %rev3A_165 : vector<16xi32>
        %rev3A_167 = tpu.dynamic_gather %get3A_163[%rev3A_166] in [0] : vector<16xi32>, vector<16xi32> -> vector<16xi32>
        %cumsum3A = arith.constant true
        %cumsum3A_168 = vector.broadcast %cumsum3A : i1 to vector<16xi1>
        %cumsum3A_169 = tpu.scan <sum>, %rev3A_167 masked %cumsum3A_168 : vector<16xi32>, vector<16xi1> -> vector<16xi32>
        %add3A_170 = vector.broadcast %while3A_156 : i32 to vector<16xi32>
        %add3A_171 = arith.addi %add3A_170, %cumsum3A_169 : vector<16xi32>
        %ge3A = vector.broadcast %while3A_113#3 : i32 to vector<16xi32>
        %ge3A_172 = arith.cmpi sge, %add3A_171, %ge3A : vector<16xi32>
        %jit3A_173 = arith.constant 16 : i32
        %broadcast_in_dim3A_174 = vector.broadcast %jit3A_173 : i32 to vector<16xi32>
        %select_n3A_175 = arith.select %ge3A_172, %iota3A, %broadcast_in_dim3A_174 : vector<16xi1>, vector<16xi32>
        %reduce_min3A = arith.constant true
        %reduce_min3A_176 = vector.broadcast %reduce_min3A : i1 to vector<16xi1>
        %reduce_min3A_177 = arith.constant -2147483648 : i32
        %reduce_min3A_178 = vector.broadcast %reduce_min3A_177 : i32 to vector<16xi32>
        %reduce_min3A_179 = arith.xori %select_n3A_175, %reduce_min3A_178 : vector<16xi32>
        %reduce_min3A_180 = tpu.scan <min>, %reduce_min3A_179 masked %reduce_min3A_176 : vector<16xi32>, vector<16xi1> -> vector<16xi32>
        %reduce_min3A_181 = arith.xori %reduce_min3A_180, %reduce_min3A_178 : vector<16xi32>
        %reduce_min3A_182 = vector.extract %reduce_min3A_181[15] : i32 from vector<16xi32>
        %lt3A = arith.constant 16 : i32
        %lt3A_183 = arith.cmpi slt, %reduce_min3A_182, %lt3A : i32
        %eq3A_184 = vector.broadcast %reduce_min3A_182 : i32 to vector<16xi32>
        %eq3A_185 = arith.cmpi eq, %iota3A, %eq3A_184 : vector<16xi32>
        %jit3A_186 = arith.constant 0 : i32
        %broadcast_in_dim3A_187 = vector.broadcast %jit3A_186 : i32 to vector<16xi32>
        %select_n3A_188 = arith.select %eq3A_185, %cumsum3A_169, %broadcast_in_dim3A_187 : vector<16xi1>, vector<16xi32>
        %reduce_sum3A = arith.constant true
        %reduce_sum3A_189 = vector.broadcast %reduce_sum3A : i1 to vector<16xi1>
        %reduce_sum3A_190 = tpu.scan <sum>, %select_n3A_188 masked %reduce_sum3A_189 : vector<16xi32>, vector<16xi1> -> vector<16xi32>
        %reduce_sum3A_191 = vector.extract %reduce_sum3A_190[15] : i32 from vector<16xi32>
        %eq3A_192 = vector.broadcast %reduce_min3A_182 : i32 to vector<16xi32>
        %eq3A_193 = arith.cmpi eq, %iota3A, %eq3A_192 : vector<16xi32>
        %jit3A_194 = arith.constant 0 : i32
        %broadcast_in_dim3A_195 = vector.broadcast %jit3A_194 : i32 to vector<16xi32>
        %select_n3A_196 = arith.select %eq3A_193, %rev3A_167, %broadcast_in_dim3A_195 : vector<16xi1>, vector<16xi32>
        %reduce_sum3A_197 = arith.constant true
        %reduce_sum3A_198 = vector.broadcast %reduce_sum3A_197 : i1 to vector<16xi1>
        %reduce_sum3A_199 = tpu.scan <sum>, %select_n3A_196 masked %reduce_sum3A_198 : vector<16xi32>, vector<16xi1> -> vector<16xi32>
        %reduce_sum3A_200 = vector.extract %reduce_sum3A_199[15] : i32 from vector<16xi32>
        %mul3A_201 = arith.constant 16 : i32
        %mul3A_202 = arith.muli %while3A_155, %mul3A_201 : i32
        %add3A_203 = arith.constant 15 : i32
        %add3A_204 = arith.addi %mul3A_202, %add3A_203 : i32
        %sub3A_205 = arith.subi %add3A_204, %reduce_min3A_182 : i32
        %select_n3A_206 = arith.select %lt3A_183, %sub3A_205, %while3A_157 : i32
        %add3A_207 = arith.addi %while3A_156, %reduce_sum3A_191 : i32
        %sub3A_208 = arith.subi %add3A_207, %reduce_sum3A_200 : i32
        %sub3A_209 = arith.subi %while3A_113#3, %sub3A_208 : i32
        %select_n3A_210 = arith.select %lt3A_183, %sub3A_209, %while3A_158 : i32
        %select_n3A_211 = arith.select %lt3A_183, %reduce_sum3A_200, %while3A_159 : i32
        %sub3A_212 = arith.constant 1 : i32
        %sub3A_213 = arith.subi %while3A_155, %sub3A_212 : i32
        %reduce_sum3A_214 = arith.constant true
        %reduce_sum3A_215 = vector.broadcast %reduce_sum3A_214 : i1 to vector<16xi1>
        %reduce_sum3A_216 = tpu.scan <sum>, %get3A_163 masked %reduce_sum3A_215 : vector<16xi32>, vector<16xi1> -> vector<16xi32>
        %reduce_sum3A_217 = vector.extract %reduce_sum3A_216[15] : i32 from vector<16xi32>
        %add3A_218 = arith.addi %while3A_156, %reduce_sum3A_217 : i32
        scf.yield %sub3A_213, %add3A_218, %select_n3A_206, %select_n3A_210, %select_n3A_211 : i32, i32, i32, i32, i32
      }
      %shift_left3A_137 = arith.constant 8 : i32
      %shift_left3A_138 = arith.shli %or3A, %shift_left3A_137 : i32
      %or3A_139 = arith.ori %shift_left3A_138, %while3A_136#2 : i32
      %sub3A = arith.subi %while3A_136#4, %while3A_136#3 : i32
      %parallel_loop3A_140 = arith.constant 0 : i32
      %parallel_loop3A_141 = arith.constant 512 : i32
      %parallel_loop3A_142 = arith.constant 1 : i32
      scf.for %parallel_loop3A_155 = %parallel_loop3A_140 to %parallel_loop3A_141 step %parallel_loop3A_142  : i32 {
        %parallel_loop3A_156 = arith.constant 16 : i32
        %parallel_loop3A_157 = arith.muli %parallel_loop3A_155, %parallel_loop3A_156 : i32
        %parallel_loop3A_158 = arith.index_cast %parallel_loop3A_157 : i32 to index
        %parallel_loop3A_159 = tpu.vector_load %arg8[%parallel_loop3A_158] {strides = array<i32>} : memref<8192xf32, #tpu.memory_space<vmem>>, vector<16xf32>,
        %parallel_loop3A_160 = tpu.bitcast %parallel_loop3A_159 : vector<16xf32> -> vector<16xi32>
        %parallel_loop3A_161 = arith.constant 2147483647 : i32
        %parallel_loop3A_162 = vector.broadcast %parallel_loop3A_161 : i32 to vector<16xi32>
        %parallel_loop3A_163 = arith.andi %parallel_loop3A_160, %parallel_loop3A_162 : vector<16xi32>
        %parallel_loop3A_164 = arith.constant 16 : i32
        %parallel_loop3A_165 = arith.muli %parallel_loop3A_155, %parallel_loop3A_164 : i32
        %parallel_loop3A_166 = arith.index_cast %parallel_loop3A_165 : i32 to index
        %parallel_loop3A_167 = tpu.vector_load %arg11[%parallel_loop3A_166] {strides = array<i32>} : memref<8192xf32, #tpu.memory_space<vmem>>, vector<16xf32>,
        %parallel_loop3A_168 = vector.broadcast %or3A_139 : i32 to vector<16xi32>
        %parallel_loop3A_169 = arith.cmpi sge, %parallel_loop3A_163, %parallel_loop3A_168 : vector<16xi32>
        %parallel_loop3A_170 = arith.select %parallel_loop3A_169, %get3A_22, %broadcast_in_dim3A_23 : vector<16xi1>, vector<16xf32>
        %parallel_loop3A_171 = arith.addf %parallel_loop3A_167, %parallel_loop3A_170 : vector<16xf32>
        %parallel_loop3A_172 = arith.constant 16 : i32
        %parallel_loop3A_173 = arith.muli %parallel_loop3A_155, %parallel_loop3A_172 : i32
        %parallel_loop3A_174 = arith.index_cast %parallel_loop3A_173 : i32 to index
        %parallel_loop3A_175 = tpu.vector_load %arg14[%parallel_loop3A_174] {strides = array<i32>} : memref<8192xf32, #tpu.memory_space<vmem>>, vector<16xf32>,
        tpu.vector_store %arg14[%parallel_loop3A_174], %parallel_loop3A_171 {strides = array<i32>} : memref<8192xf32, #tpu.memory_space<vmem>>, vector<16xf32>,
      } {sc.loop_unroll_factor = 8 : i64, sc.parallel_access}
      %gt3A_143 = arith.constant 0 : i32
      %gt3A_144 = arith.cmpi sgt, %sub3A, %gt3A_143 : i32
      %convert_element_type3A_145 = arith.extui %gt3A_144 : i1 to i32
      %cond3A_146 = arith.constant 0 : i32
      %cond3A_147 = arith.cmpi ne, %convert_element_type3A_145, %cond3A_146 : i32
      scf.if %cond3A_147 {
        %scan3A = arith.constant 0 : i32
        %scan3A_155 = arith.constant 0 : i32
        %scan3A_156 = arith.constant 512 : i32
        %scan3A_157 = arith.addi %scan3A_155, %scan3A_156 : i32
        %scan3A_158 = arith.constant 1 : i32
        %scan3A_159 = scf.for %scan3A_161 = %scan3A_155 to %scan3A_157 step %scan3A_158 iter_args(%scan3A_162 = %scan3A) -> (i32)  : i32 {
          %sub3A_163 = arith.constant 511 : i32
          %sub3A_164 = arith.subi %sub3A_163, %scan3A_161 : i32
          %mul3A_165 = arith.constant 16 : i32
          %mul3A_166 = arith.muli %sub3A_164, %mul3A_165 : i32
          %get3A_167 = arith.index_cast %mul3A_166 : i32 to index
          %get3A_168 = tpu.vector_load %arg8[%get3A_167] {strides = array<i32>} : memref<8192xf32, #tpu.memory_space<vmem>>, vector<16xf32>,
          %bitcast_convert_type3A = tpu.bitcast %get3A_168 : vector<16xf32> -> vector<16xi32>
          %and3A = arith.constant 2147483647 : i32
          %and3A_169 = vector.broadcast %and3A : i32 to vector<16xi32>
          %and3A_170 = arith.andi %bitcast_convert_type3A, %and3A_169 : vector<16xi32>
          %eq3A_171 = vector.broadcast %or3A_139 : i32 to vector<16xi32>
          %eq3A_172 = arith.cmpi eq, %and3A_170, %eq3A_171 : vector<16xi32>
          %convert_element_type3A_173 = arith.extui %eq3A_172 : vector<16xi1> to vector<16xi32>
          %rev3A = arith.constant 15 : i32
          %rev3A_174 = vector.broadcast %rev3A : i32 to vector<16xi32>
          %rev3A_175 = tpu.iota {dimensions = array<i32: 0>} : vector<16xi32>
          %rev3A_176 = arith.subi %rev3A_174, %rev3A_175 : vector<16xi32>
          %rev3A_177 = tpu.dynamic_gather %convert_element_type3A_173[%rev3A_176] in [0] : vector<16xi32>, vector<16xi32> -> vector<16xi32>
          %cumsum3A = arith.constant true
          %cumsum3A_178 = vector.broadcast %cumsum3A : i1 to vector<16xi1>
          %cumsum3A_179 = tpu.scan <sum>, %rev3A_177 masked %cumsum3A_178 : vector<16xi32>, vector<16xi1> -> vector<16xi32>
          %rev3A_180 = arith.constant 15 : i32
          %rev3A_181 = vector.broadcast %rev3A_180 : i32 to vector<16xi32>
          %rev3A_182 = tpu.iota {dimensions = array<i32: 0>} : vector<16xi32>
          %rev3A_183 = arith.subi %rev3A_181, %rev3A_182 : vector<16xi32>
          %rev3A_184 = tpu.dynamic_gather %cumsum3A_179[%rev3A_183] in [0] : vector<16xi32>, vector<16xi32> -> vector<16xi32>
          %add3A_185 = vector.broadcast %scan3A_162 : i32 to vector<16xi32>
          %add3A_186 = arith.addi %add3A_185, %rev3A_184 : vector<16xi32>
          %le3A = vector.broadcast %sub3A : i32 to vector<16xi32>
          %le3A_187 = arith.cmpi sle, %add3A_186, %le3A : vector<16xi32>
          %and3A_188 = arith.andi %eq3A_172, %le3A_187 : vector<16xi1>
          %mul3A_189 = arith.constant 16 : i32
          %mul3A_190 = arith.muli %sub3A_164, %mul3A_189 : i32
          %get3A_191 = arith.index_cast %mul3A_190 : i32 to index
          %get3A_192 = tpu.vector_load %arg14[%get3A_191] {strides = array<i32>} : memref<8192xf32, #tpu.memory_space<vmem>>, vector<16xf32>,
          %select_n3A_193 = arith.select %and3A_188, %get3A_22, %broadcast_in_dim3A_23 : vector<16xi1>, vector<16xf32>
          %sub3A_194 = arith.subf %get3A_192, %select_n3A_193 : vector<16xf32>
          %mul3A_195 = arith.constant 16 : i32
          %mul3A_196 = arith.muli %sub3A_164, %mul3A_195 : i32
          %swap3A = arith.index_cast %mul3A_196 : i32 to index
          %swap3A_197 = tpu.vector_load %arg14[%swap3A] {strides = array<i32>} : memref<8192xf32, #tpu.memory_space<vmem>>, vector<16xf32>,
          tpu.vector_store %arg14[%swap3A], %sub3A_194 {strides = array<i32>} : memref<8192xf32, #tpu.memory_space<vmem>>, vector<16xf32>,
          %reduce_sum3A = arith.constant true
          %reduce_sum3A_198 = vector.broadcast %reduce_sum3A : i1 to vector<16xi1>
          %reduce_sum3A_199 = tpu.scan <sum>, %convert_element_type3A_173 masked %reduce_sum3A_198 : vector<16xi32>, vector<16xi1> -> vector<16xi32>
          %reduce_sum3A_200 = vector.extract %reduce_sum3A_199[15] : i32 from vector<16xi32>
          %add3A_201 = arith.addi %scan3A_162, %reduce_sum3A_200 : i32
          scf.yield %add3A_201 : i32
        }
        %scan3A_160 = arith.constant 512 : i32
      } else {
      }
      %add3A_148 = arith.constant 2 : i32
      %add3A_149 = arith.addi %select_n3A_9, %add3A_148 : i32
      %dma_start3A = arith.constant 0 : i32
      %dma_start3A_150 = tpu.memref_slice %arg5[%add3A_149, %dma_start3A] : memref<64x8192xf32, #tpu.memory_space<hbm>> -> memref<1x8192xf32, #tpu.memory_space<hbm>>
      %dma_start3A_151 = tpu.memref_squeeze %dma_start3A_150 : memref<1x8192xf32, #tpu.memory_space<hbm>> -> memref<8192xf32, #tpu.memory_space<hbm>>
      %dma_start3A_152 = arith.constant 0 : i32
      %dma_start3A_153 = tpu.memref_slice %arg5[%add3A_149, %dma_start3A_152] : memref<64x8192xf32, #tpu.memory_space<hbm>> -> memref<1x8192xf32, #tpu.memory_space<hbm>>
      %dma_start3A_154 = tpu.memref_squeeze %dma_start3A_153 : memref<1x8192xf32, #tpu.memory_space<hbm>> -> memref<8192xf32, #tpu.memory_space<hbm>>
      tpu.enqueue_dma source(%arg14 : memref<8192xf32, #tpu.memory_space<vmem>>) target(%dma_start3A_154 : memref<8192xf32, #tpu.memory_space<hbm>>) target_semaphore(%arg21 : memref<!tpu.dma_semaphore, #tpu.memory_space<semaphore_mem>>)
    } else {
    }
    %gt3A_43 = arith.constant 0 : i32
    %gt3A_44 = arith.cmpi sgt, %select_n3A, %gt3A_43 : i32
    %convert_element_type3A_45 = arith.extui %gt3A_44 : i1 to i32
    %cond3A_46 = arith.constant 0 : i32
    %cond3A_47 = arith.cmpi ne, %convert_element_type3A_45, %cond3A_46 : i32
    scf.if %cond3A_47 {
      %add3A_58 = arith.constant 0 : i32
      %add3A_59 = arith.addi %select_n3A_9, %add3A_58 : i32
      %dma_wait3A = arith.constant 0 : i32
      %dma_wait3A_60 = tpu.memref_slice %arg5[%add3A_59, %dma_wait3A] : memref<64x8192xf32, #tpu.memory_space<hbm>> -> memref<1x8192xf32, #tpu.memory_space<hbm>>
      %dma_wait3A_61 = tpu.memref_squeeze %dma_wait3A_60 : memref<1x8192xf32, #tpu.memory_space<hbm>> -> memref<8192xf32, #tpu.memory_space<hbm>>
      %dma_wait3A_62 = arith.constant 0 : i32
      %dma_wait3A_63 = tpu.memref_slice %arg5[%add3A_59, %dma_wait3A_62] : memref<64x8192xf32, #tpu.memory_space<hbm>> -> memref<1x8192xf32, #tpu.memory_space<hbm>>
      %dma_wait3A_64 = tpu.memref_squeeze %dma_wait3A_63 : memref<1x8192xf32, #tpu.memory_space<hbm>> -> memref<8192xf32, #tpu.memory_space<hbm>>
      tpu.wait_dma2 semaphore(%arg21 : memref<!tpu.dma_semaphore, #tpu.memory_space<semaphore_mem>>) src(%arg12 : memref<8192xf32, #tpu.memory_space<vmem>>) dst(%dma_wait3A_64 : memref<8192xf32, #tpu.memory_space<hbm>>)
    } else {
    }
    %gt3A_48 = arith.constant 1 : i32
    %gt3A_49 = arith.cmpi sgt, %select_n3A, %gt3A_48 : i32
    %convert_element_type3A_50 = arith.extui %gt3A_49 : i1 to i32
    %cond3A_51 = arith.constant 0 : i32
    %cond3A_52 = arith.cmpi ne, %convert_element_type3A_50, %cond3A_51 : i32
    scf.if %cond3A_52 {
      %add3A_58 = arith.constant 1 : i32
      %add3A_59 = arith.addi %select_n3A_9, %add3A_58 : i32
      %dma_wait3A = arith.constant 0 : i32
      %dma_wait3A_60 = tpu.memref_slice %arg5[%add3A_59, %dma_wait3A] : memref<64x8192xf32, #tpu.memory_space<hbm>> -> memref<1x8192xf32, #tpu.memory_space<hbm>>
      %dma_wait3A_61 = tpu.memref_squeeze %dma_wait3A_60 : memref<1x8192xf32, #tpu.memory_space<hbm>> -> memref<8192xf32, #tpu.memory_space<hbm>>
      %dma_wait3A_62 = arith.constant 0 : i32
      %dma_wait3A_63 = tpu.memref_slice %arg5[%add3A_59, %dma_wait3A_62] : memref<64x8192xf32, #tpu.memory_space<hbm>> -> memref<1x8192xf32, #tpu.memory_space<hbm>>
      %dma_wait3A_64 = tpu.memref_squeeze %dma_wait3A_63 : memref<1x8192xf32, #tpu.memory_space<hbm>> -> memref<8192xf32, #tpu.memory_space<hbm>>
      tpu.wait_dma2 semaphore(%arg21 : memref<!tpu.dma_semaphore, #tpu.memory_space<semaphore_mem>>) src(%arg13 : memref<8192xf32, #tpu.memory_space<vmem>>) dst(%dma_wait3A_64 : memref<8192xf32, #tpu.memory_space<hbm>>)
    } else {
    }
    %gt3A_53 = arith.constant 2 : i32
    %gt3A_54 = arith.cmpi sgt, %select_n3A, %gt3A_53 : i32
    %convert_element_type3A_55 = arith.extui %gt3A_54 : i1 to i32
    %cond3A_56 = arith.constant 0 : i32
    %cond3A_57 = arith.cmpi ne, %convert_element_type3A_55, %cond3A_56 : i32
    scf.if %cond3A_57 {
      %add3A_58 = arith.constant 2 : i32
      %add3A_59 = arith.addi %select_n3A_9, %add3A_58 : i32
      %dma_wait3A = arith.constant 0 : i32
      %dma_wait3A_60 = tpu.memref_slice %arg5[%add3A_59, %dma_wait3A] : memref<64x8192xf32, #tpu.memory_space<hbm>> -> memref<1x8192xf32, #tpu.memory_space<hbm>>
      %dma_wait3A_61 = tpu.memref_squeeze %dma_wait3A_60 : memref<1x8192xf32, #tpu.memory_space<hbm>> -> memref<8192xf32, #tpu.memory_space<hbm>>
      %dma_wait3A_62 = arith.constant 0 : i32
      %dma_wait3A_63 = tpu.memref_slice %arg5[%add3A_59, %dma_wait3A_62] : memref<64x8192xf32, #tpu.memory_space<hbm>> -> memref<1x8192xf32, #tpu.memory_space<hbm>>
      %dma_wait3A_64 = tpu.memref_squeeze %dma_wait3A_63 : memref<1x8192xf32, #tpu.memory_space<hbm>> -> memref<8192xf32, #tpu.memory_space<hbm>>
      tpu.wait_dma2 semaphore(%arg21 : memref<!tpu.dma_semaphore, #tpu.memory_space<semaphore_mem>>) src(%arg14 : memref<8192xf32, #tpu.memory_space<vmem>>) dst(%dma_wait3A_64 : memref<8192xf32, #tpu.memory_space<hbm>>)
    } else {
    }
    return
  }
}

</mosaic_0001>

<sc_bundles>
// kernel: kernel.3.cloned.1.call-start
scs
__scs_entry_jumppad:
0x0: {  	(pc) =	sbr.rel $0x88, $3  }
0x1: {  	(tag) =	ssettag $0x0;
	lr =	simm.s32 $0x1  }
0x2: {  	[smem:$0x3F9E] =	sst lr;
	_ =	strace $0xD0000000  }
0x3: {  	_ = 	snop  }
0x4: {  	_ = 	snop  }
0x5: {  	_ = 	snop  }
0x6: {  	_ = 	snop  }
0x7: {  	_ = 	snop  }
__scs_overlays_trampoline_lowered:
0x8: {  	[smem:$0x3FAD] =	sst s0  }
0x9: {  	[smem:$0x3FAE] =	sst s1  }
0xa: {  	[smem:$0x3FAF] =	sst s2  }
0xb: {  	[smem:$0x3FB0] =	sst s3  }
0xc: {  	[smem:$0x3FB1] =	sst s4  }
0xd: {  	[smem:$0x3FB2] =	sst s5  }
0xe: {  	[smem:$0x3FB3] =	sst s6  }
0xf: {  	[smem:$0x3FB4] =	sst s7  }
0x10: {  	[smem:$0x3FB5] =	sst s8  }
0x11: {  	[smem:$0x3FB6] =	sst s9;
	s0 =	simm.s32 @!p0 $0x0  }
0x12: {  	s1 =	sld [smem:$0x3F9C];
	s0 =	simm.s32 @p0 $0x1  }
0x13: {  	[smem:$0x3FB7] =	sst s0;
	s0 =	simm.s32 @!p1 $0x0  }
0x14: {  	s2 =	sld [smem:$0x3F9B];
	s0 =	simm.s32 @p1 $0x1  }
0x15: {  	[smem:$0x3FB8] =	sst s0;
	s0 =	simm.s32 @!p2 $0x0  }
0x16: {  	s3 =	sld [smem:$0x3FDB];
	s0 =	simm.s32 @p2 $0x1  }
0x17: {  	s4 =	simm.s32 $0x1BF5;
	[smem:$0x3FBA] =	sst s0  }
0x18: {  	s0 =	sld [smem:$0x3F9D];
	_ =	swait.ge [sflag:s4], $0x0  }
0x19: {  	s7 =	sld [smem:$0x3F9E]  }
0x1a: {  	s8 =	sadd.s32 $0xFFFFE003, lr  }
0x1b: {  	s9 =	sadd.s32 $0xFFFFFEF7, lr;
	s5 =	simm.s32 $0xFFFFFFFF;
	p2 =	slt.u32 s8, $0xFFFFF086  }
0x1c: {  	p1 =	slt.u32 s9, $0xF7A;
	s5 =	simm.s32 @!p2 $0x0  }
0x1d: {  	s5 =	simm.s32 @p1 $0x1;
	p0 =	seq.s32 s7, s2  }
0x1e: {  	s7 =	smul.u32 @!p0 $0xF7A, s2;
	p2 =	seq.s32 @!p0 s5, $0x0  }
0x1f: {  	s9 =	smul.u32 $0xF7A, s1;
	s8 =	simm.s32 @!p0 $0x1BF5;
	p2 =	por !p2, p0  }
0x20: {  	[sflag:s8] =	ssyncset.s32 @!p0 $0xFFFFF086;
	s6 =	sadd.s32 @!p0 s3, s7;
	s7 =	simm.s32 @!p0 $0x108  }
0x21: {  	s3 =	sadd.s32 s3, s9;
	s6 =	sadd.s32 @!p0 $0x88, s6;
	s7 =	simm.s32 @p2 $0x1082  }
0x22: {  	[simem:s7], [sflag:s8] =	dma.local @!p0 [hbm:s6], $0xF7A  }
0x23: {  	s9 =	sor.u32 $0xD0000000, s2;
	s6 =	simm.s32 $0x108;
	_ =	swait.ge @!p0 [sflag:s8], $0x0  }
0x24: {  	s3 =	sadd.s32 $0x88, s3;
	s6 =	simm.s32 @!p1 $0x1082;
	[sflag:s4] =	ssyncset.s32 $0xFFFFF086  }
0x25: {  	[simem:s6], [sflag:s4] =	dma.local [hbm:s3], $0xF7A  }
0x26: {  	[smem:$0x3F9E] =	sst s1;
	(tag) =	ssettag s2;
	_ =	strace s9  }
0x27: {  	s1 =	sld [smem:$0x3FAE]  }
0x28: {  	s2 =	sld [smem:$0x3FAF]  }
0x29: {  	s4 =	sld [smem:$0x3FB1]  }
0x2a: {  	p0 =	seq.s32 s5, $0x0;
	s5 =	sld [smem:$0x3FB2]  }
0x2b: {  	s6 =	sld [smem:$0x3FB3]  }
0x2c: {  	s7 =	sld [smem:$0x3FB4]  }
0x2d: {  	s3 =	simm.s32 $0x108;
	s8 =	sld [smem:$0x3FB5]  }
0x2e: {  	s3 =	simm.s32 @!p0 $0x1082;
	s9 =	sld [smem:$0x3FB6]  }
0x2f: {  	lr =	sadd.s32 s0, s3;
	s0 =	sld [smem:$0x3FAD]  }
0x30: {  	s3 =	sld [smem:$0x3FB0]  }
0x31: {  	[smem:$0x3FB9] =	sst s10  }
0x32: {  	s10 =	sld [smem:$0x3FB7];
	_ =	sdelay $0x3  }
0x33: {  	p0 =	seq.s32 s10, $0x1;
	s10 =	sld [smem:$0x3FB9];
	_ =	sdelay $0x3  }
0x34: {  	[smem:$0x3FB9] =	sst s10  }
0x35: {  	s10 =	sld [smem:$0x3FB8];
	_ =	sdelay $0x3  }
0x36: {  	p1 =	seq.s32 s10, $0x1;
	s10 =	sld [smem:$0x3FB9];
	_ =	sdelay $0x3  }
0x37: {  	[smem:$0x3FB9] =	sst s10  }
0x38: {  	s10 =	sld [smem:$0x3FBA]  }
0x39: {  	_ = 	snop;
	(pc) =	sbr.ind lr, $3  }
0x3a: {  	_ = 	snop  }
0x3b: {  	_ = 	snop  }
0x3c: {  	p2 =	seq.s32 s10, $0x1;
	s10 =	sld [smem:$0x3FB9]  }
0x3d: {  	_ =	shalt  }
0x3e: {  	_ =	shalt  }
0x3f: {  	_ =	shalt  }
0x40: {  	_ =	shalt  }
0x41: {  	_ =	shalt  }
0x42: {  	_ =	shalt  }
0x43: {  	_ =	shalt  }
0x44: {  	_ =	shalt  }
0x45: {  	_ =	shalt  }
0x46: {  	_ =	shalt  }
0x47: {  	_ =	shalt  }
0x48: {  	_ =	shalt  }
0x49: {  	_ =	shalt  }
0x4a: {  	_ =	shalt  }
0x4b: {  	_ =	shalt  }
0x4c: {  	_ =	shalt  }
0x4d: {  	_ =	shalt  }
0x4e: {  	_ =	shalt  }
0x4f: {  	_ =	shalt  }
0x50: {  	_ =	shalt  }
0x51: {  	_ =	shalt  }
0x52: {  	_ =	shalt  }
0x53: {  	_ =	shalt  }
0x54: {  	_ =	shalt  }
0x55: {  	_ =	shalt  }
0x56: {  	_ =	shalt  }
0x57: {  	_ =	shalt  }
0x58: {  	_ =	shalt  }
0x59: {  	_ =	shalt  }
0x5a: {  	_ =	shalt  }
0x5b: {  	_ =	shalt  }
0x5c: {  	_ =	shalt  }
0x5d: {  	_ =	shalt  }
0x5e: {  	_ =	shalt  }
0x5f: {  	_ =	shalt  }
0x60: {  	_ =	shalt  }
0x61: {  	_ =	shalt  }
0x62: {  	_ =	shalt  }
0x63: {  	_ =	shalt  }
0x64: {  	_ =	shalt  }
0x65: {  	_ =	shalt  }
0x66: {  	_ =	shalt  }
0x67: {  	_ =	shalt  }
0x68: {  	_ =	shalt  }
0x69: {  	_ =	shalt  }
0x6a: {  	_ =	shalt  }
0x6b: {  	_ =	shalt  }
0x6c: {  	_ =	shalt  }
0x6d: {  	_ =	shalt  }
0x6e: {  	_ =	shalt  }
0x6f: {  	_ =	shalt  }
0x70: {  	_ =	shalt  }
0x71: {  	_ =	shalt  }
0x72: {  	_ =	shalt  }
0x73: {  	_ =	shalt  }
0x74: {  	_ =	shalt  }
0x75: {  	_ =	shalt  }
0x76: {  	_ =	shalt  }
0x77: {  	_ =	shalt  }
0x78: {  	_ =	shalt  }
0x79: {  	_ =	shalt  }
0x7a: {  	_ =	shalt  }
0x7b: {  	_ =	shalt  }
0x7c: {  	_ =	shalt  }
0x7d: {  	_ =	shalt  }
0x7e: {  	_ =	shalt  }
0x7f: {  	_ =	shalt  }
0x80: {  	_ =	shalt  }
0x81: {  	_ =	shalt  }
0x82: {  	_ =	shalt  }
0x83: {  	_ =	shalt  }
0x84: {  	_ =	shalt  }
0x85: {  	_ =	shalt  }
0x86: {  	_ =	shalt  }
0x87: {  	_ =	shalt  }
.Lfunc_end0:
.L_simem_size_0:
called_computation_lowered:
.L_overlay_start_0:
0x88: {  	s2 =	sld [smem:$0x3FD9]  }
0x89: {  	s3 =	sld [smem:$0x3FFE];
	_ =	sdelay $0x1  }
0x8a: {  	s1 =	srdreg.scid  }
0x8b: {  	s0 =	sand.u32 $0x1, s1  }
0x8c: {  	s17 =	sshll.u32 s0, $0xA;
	s2 =	sadd.s32 s3, s2  }
0x8d: {  	s2 =	sadd.s32 s2, s17  }
0x8e: {  	[smem:$0x3FC5] =	sst s2  }
0x8f: {  	_ = 	snop  }
0x90: {  	s2 =	sld [smem:$0x3FC9]  }
0x91: {  	s18 =	sld [smem:$0x3FC8]  }
0x92: {  	s4 =	sld [smem:$0x3FD0];
	(tm) =	ssettm $0x1  }
0x93: {  	s5 =	sld [smem:$0x3FFB];
	_ =	sdelay $0x3  }
0x94: {  	_ =	strace s5  }
0x95: {  	s5 =	sld [smem:$0x3FFC];
	_ =	sdelay $0x3  }
0x96: {  	_ =	strace s5  }
0x97: {  	s5 =	sld [smem:$0x3FFD];
	_ =	sdelay $0x3  }
0x98: {  	_ =	strace s5  }
0x99: {  	_ =	strace $0x8FFFFFFF  }
0x9a: {  	s19 =	sld [smem:$0x3FDB];
	_ =	sdelay $0x1  }
0x9b: {  	s6 =	simm.s32 $_scs_section_size  }
0x9c: {  	s7 =	simm.s32 $_size__tile_overlayer_lowered;
	s8 =	simm.s32 $_tile_overlayer_lowered  }
0x9d: {  	s22 =	simm.s32 $0x1BFF;
	s21 =	sshll.u32 s8, $0x1;
	s5 =	sadd.s32 s6, s19  }
0x9e: {  	s9 =	simm.s32 $0x0;
	s20 =	sshll.u32 s7, $0x1;
	s7 =	sadd.s32 s21, s5  }
0x9f: {  	[timem:s9], [sflag:s22] =	dma.local [hbm:s7], s20  }
0xa0: {  	_ =	swait.ge [sflag:s22], s20  }
0xa1: {  	s6 =	ssub.s32 $0x0, s20;
	[sflag:s22] =	ssyncset.done $0x0  }
0xa2: {  	[sflag:s22] =	ssyncadd.s32 s6;
	_ =	sdelay $0x1  }
0xa3: {  	s23 =	simm.s32 $0x1B8B  }
0xa4: {  	_ =	swait.ge [sflag:s23], $0x1  }
0xa5: {  	[sflag:s23] =	ssyncset.done $0x0  }
0xa6: {  	s25 =	simm.s32 $0x1B8E;
	s24 =	sld [smem:$0x3FFE];
	[sflag:s23] =	ssyncadd.s32 $0xFFFFFFFF  }
0xa7: {  	s26 =	simm.s32 $execute0_lowered;
	[smem:$0x3FD2] =	sst s25  }
0xa8: {  	s7 =	sshll.u32 s26, $0x1;
	_ =	strace $0x80000046;
	[dreg:$0x1] =	wrdreg $0xFFFFFFFF  }
0xa9: {  	s28 =	simm.s32 $_size_execute0_lowered;
	s5 =	sadd.s32 s5, s7;
	[dreg:$0x0] =	wrdreg $0x0  }
0xaa: {  	s7 =	sshll.u32 s28, $0x1;
	[dreg:$0x2] =	wrdreg s5  }
0xab: {  	[dreg:$0x3] =	wrdreg s7  }
0xac: {  	[dreg:$0x4] =	wrdreg $0xC0  }
0xad: {  	_ =	task [dreg:s9], $0x5FFFF  }
0xae: {  	[dreg:$0x1] =	wrdreg $0xFFFFFFFF  }
0xaf: {  	[dreg:$0x0] =	wrdreg $0x60  }
0xb0: {  	[dreg:$0x2] =	wrdreg s2  }
0xb1: {  	[dreg:$0x3] =	wrdreg s24  }
0xb2: {  	[dreg:$0x4] =	wrdreg s18  }
0xb3: {  	[dreg:$0x5] =	wrdreg s4  }
0xb4: {  	[dreg:$0x6] =	wrdreg $0x9  }
0xb5: {  	_ =	task.clear_ibuf [dreg:s9], $0x7FFFF;
	_ =	strace $0x90000046  }
0xb6: {  	s29 =	simm.s32 $0x9;
	_ =	strace $0x80000048  }
0xb7: {  	_ =	swait.ge [sflag:s29], $0x1  }
0xb8: {  	[sflag:s29] =	ssyncadd.s32 $0xFFFFFFFF  }
0xb9: {  	_ =	strace $0x90000048  }
0xba: {  	_ =	sfence  }
0xbb: {  	s30 =	sld [smem:$0x0];
	_ =	sdelay $0x2  }
0xbc: {  	s31 =	sshll.u32 s1, $0xD;
	s1 =	sshrl.u32 s1, $0x2  }
0xbd: {  	s3 =	sand.u32 $0x4000, s31;
	s1 =	sadd.s32 s1, s30  }
0xbe: {  	s0 =	sor.u32 s3, s0;
	s1 =	sshll.u32 s1, $0x11  }
0xbf: {  	s0 =	sor.u32 s1, s0  }
0xc0: {  	s0 =	sadd.s32 $0x8F2B, s0  }
0xc1: {  	[sflag:s0] =	ssyncadd.remote.s32 $0x1  }
0xc2: {  	_ =	sfence.sel $0xFFFF  }
0xc3: {  	[dreg:$0x0] =	wrdreg $0xFFFFFFFF;
	(pc) =	sbr.abs _section_cstart, $3  }
0xc4: {  	[dreg:$0x1] =	wrdreg $0xFFFFFFFF  }
0xc5: {  	_ =	task.clear_ibuf [dreg:s9], $0x2FFFF;
	_ =	strace $0x9FFFFFFF  }
0xc6: {  	(tm) =	ssettm $0x7FFFFFFF  }
0xc7: {  	_ =	shalt  }
tec
execute0_lowered:
.L_overlay_start_1:
0x0: {  	(tag) =	ssettag $0x1  }
0x1: {  	s0 =	rddreg [dreg:$0x0]  }
0x2: {  	s1 =	rddreg [dreg:$0x1]  }
0x3: {  	s8 =	rddreg [dreg:$0x2]  }
0x4: {  	s12 =	rddreg [dreg:$0x3];
	s4 =	simm.s32 $0x0  }
0x5: {  	s2 =	stileid.u32;
	s3 =	srdreg.scid;
	s28 =	simm.s32 $0x3  }
0x6: {  	s29 =	simm.s32 $0x0;
	[smem:$0x7FF] =	sst s4;
	s14 =	sand.u32 $0x1, s3  }
0x7: {  	s3 =	smul.u32 $0x3, s2;
	s16 =	sshll.u32 s2, $0x4;
	s9 =	sor.u32 $0x30, s2  }
0x8: {  	p0 =	seq.s32 s14, $0x0;
	_ =	strace $0x80000047;
	s1 =	sadd.s32 s16, s1  }
0x9: {  	s17 =	ssub.s32 $0x2, s14;
	s25 =	sshll.u32 s14, $0x8;
	s9 =	smov.u32 @p0 s3  }
0xa: {  	s7 =	sshrl.u32 s17, $0x1;
	s18 =	sadd.s32 $0x1, s3;
	s3 =	sadd.s32 $0x2, s3  }
0xb: {  	p0 =	sne.s32 s14, $0x0;
	s14 =	simm.s32 $0x80;
	s5 =	sshll.u32 s9, $0xA  }
0xc: {  	s6 =	sshll.u32 s9, $0x4;
	s13 =	ssub.s32 s17, s7;
	s19 =	sshll.u32 s18, $0xA  }
0xd: {  	s20 =	sshll.u32 s18, $0x4;
	s21 =	sshll.u32 s3, $0xA;
	s22 =	sshll.u32 s3, $0x4  }
0xe: {  	s26 =	sadd.s32 $0x2, s9;
	s18 =	simm.s32 $0x4;
	s5 =	sor.u32 s6, s5  }
0xf: {  	s11 =	sand.u32 $0x1E000, s19;
	s15 =	sand.u32 $0x70, s20;
	s24 =	sor.u32 s22, s21  }
0x10: {  	s30 =	sshll.u32 s26, $0x4;
	s13 =	smax.u32 s13, $0x1;
	s19 =	simm.s32 $0x1  }
0x11: {  	s20 =	simm.s32 $0x2;
	s21 =	simm.s32 $0x12000;
	s22 =	simm.s32 $0x14000  }
0x12: {  	s10 =	sand.u32 $0xE070, s5;
	s23 =	sor.u32 s15, s11;
	s16 =	sand.u32 $0x1E070, s24  }
0x13: {  	s15 =	sadd.s32 s12, s15;
	s3 =	sadd.s32 s0, s10;
	s4 =	sadd.s32 s8, s10  }
0x14: {  	s5 =	sadd.s32 s0, s23;
	s6 =	sadd.s32 s8, s23;
	s7 =	sadd.s32 s0, s16  }
.Ltmp0:
0x15: {  	s8 =	sadd.s32 s8, s16;
	s0 =	sadd.s32 s25, s1;
	(pc) =	sbr.rel .LBB2_1-.Ltmp0, $4  }
0x16: {  	v0 =	vlaneseq.u32;
	s1 =	sshll.u32 s26, $0xA;
	s9 =	sadd.s32 $0x400, s0;
	s0 =	sand.u32 $0x70, s30  }
0x17: {  	v2 =	vmul.u32 $0xFFFFFFFF, v0;
	s31 =	sadd.s32 s11, s15;
	s1 =	sand.u32 $0x1E000, s1;
	s0 =	sadd.s32 s12, s0  }
0x18: {  	v1 =	vimm.s32 $0x1;
	s10 =	sadd.s32 s12, s10;
	[dreg:$0x5] =	wrdreg s31;
	s0 =	sadd.s32 s1, s0  }
0x19: {  	v4 =	vimm.s32 $0x0;
	v3 =	vor.u32 $0x80000000, v0;
	v2 =	vadd.s32 $0xF, v2;
	s15 =	simm.s32 $0x400;
	s23 =	simm.s32 $0x14400;
	[dreg:$0x6] =	wrdreg s0  }
.LBB2_97:
0x1a: {  	s26 =	sshra.s32 s17, $0x2;
	v11 =	vsel vm1, $0x1, v4;
	(xrf0) =	vadd.scan.msk.s32 $0xffff, v9;
	(v2sf) =	vpush v10, $0xF;
	v50 =	vld [tilespmem:s30+$0x10000];
	s2 =	sadd.s32 s25, s24  }
0x1b: {  	v51 =	vld [tilespmem:s26+$0x4000];
	(xrf0) =	vadd.scan.msk.s32 $0xffff, v11;
	v8 =	vadd.s32 s2, v8  }
0x1c: {  	vm3 =	vle.s32 v8, v7  }
0x1d: {  	vm2 =	vmand vm2, vm3  }
0x1e: {  	v52 =	vnsel vm2, $0x0, v5  }
0x1f: {  	v8 =	vsub.f32 v50, v52  }
0x20: {  	v54 =	vperm.xlane v11, v2;
	v53 =	vand.u32 $0x7FFFFFFF, v51;
	v55, _, _ =	vpop (xrf0)  }
0x21: {  	s11 =	spop (v2sf);
	vm10 =	veq.s32 v53, v6;
	v6, _, _ =	vpop (xrf0);
	v56 =	vperm.xlane v55, v2;
	[tilespmem:s30+$0x10000] =	vst v8  }
0x22: {  	s2 =	sadd.s32 s2, s11;
	(xrf0) =	vadd.scan.msk.s32 $0xffff, v54;
	v57 =	vsel vm10, $0x1, v4;
	(v2sf) =	vpush v6, $0xF;
	v6 =	vld [tilespmem:s1+$0x10000]  }
0x23: {  	(xrf0) =	vadd.scan.msk.s32 $0xffff, v57;
	v9 =	vadd.s32 s2, v56  }
0x24: {  	vm0 =	vmmov vm0;
	vm11 =	vle.s32 v9, v7  }
0x25: {  	vm0 =	vmand vm0, vm11  }
0x26: {  	v58 =	vnsel vm0, $0x0, v5  }
0x27: {  	v6 =	vsub.f32 v6, v58  }
0x28: {  	v8 =	vperm.xlane v57, v2;
	v59, _, _ =	vpop (xrf0)  }
0x29: {  	v9 =	vperm.xlane v59, v2;
	v60, _, _ =	vpop (xrf0);
	[tilespmem:s1+$0x10000] =	vst v6;
	s25 =	spop (v2sf)  }
0x2a: {  	(xrf0) =	vadd.scan.msk.s32 $0xffff, v8;
	(v2sf) =	vpush v60, $0xF;
	v6 =	vld [tilespmem:s0+$0x10000];
	s1 =	sadd.s32 s2, s25  }
0x2b: {  	vm12 =	vmmov vm1;
	v61 =	vadd.s32 s1, v9  }
0x2c: {  	vm0 =	vmmov vm12;
	vm13 =	vle.s32 v61, v7  }
0x2d: {  	vm0 =	vmand vm0, vm13  }
0x2e: {  	v62 =	vnsel vm0, $0x0, v5  }
0x2f: {  	v6 =	vsub.f32 v6, v62  }
0x30: {  	v63, _, _ =	vpop (xrf0)  }
0x31: {  	v8 =	vperm.xlane v63, v2;
	[tilespmem:s0+$0x10000] =	vst v6;
	s30 =	spop (v2sf)  }
0x32: {  	v6 =	vld [tilespmem:s26+$0x10000];
	s0 =	sadd.s32 s1, s30  }
0x33: {  	vm14 =	vmmov vm10;
	v8 =	vadd.s32 s0, v8  }
0x34: {  	vm0 =	vmmov vm14;
	vm15 =	vle.s32 v8, v7  }
0x35: {  	vm0 =	vmand vm0, vm15  }
0x36: {  	v5 =	vnsel vm0, $0x0, v5  }
0x37: {  	v5 =	vsub.f32 v6, v5;
	_ =	sdelay $0x1  }
0x38: {  	[tilespmem:s26+$0x10000] =	vst v5;
	s31 =	spop (v2sf)  }
.LBB2_98:
0x39: {  	s0 =	rddreg [dreg:$0x6];
	s1 =	simm.s32 $0x10000  }
0x3a: {  	[hbm4b:s0+s14] =	stream.strided.scatter [tilespmem:s1], [sflag:$0x3], $0x2000, s15, s14, $0x38;
	[tilespmem:$0x14580] =	vst v63  }
0x3b: {  	_ =	swait.ge [sflag:s28], $0x2000  }
0x3c: {  	[sflag:s28] =	ssyncset.done $0x0  }
0x3d: {  	[sflag:s28] =	ssyncadd.s32 $0xFFFFE000  }
0x3e: {  	_ =	swait.ge [sflag:s28], $0x2000  }
0x3f: {  	[sflag:s28] =	ssyncset.done $0x0  }
0x40: {  	[sflag:s28] =	ssyncadd.s32 $0xFFFFE000  }
.LBB2_99:
0x41: {  	s29 =	sadd.s32 $0x1, s29  }
0x42: {  	p1 =	sne.s32 s29, s13  }
.Ltmp1:
0x43: {  	_ = 	snop;
	(pc) =	sbr.rel @!p1 .LBB2_100-.Ltmp1, $4  }
0x44: {  	_ = 	snop  }
0x45: {  	_ =	swait.ge [sflag:s28], $0x2000  }
0x46: {  	[sflag:s28] =	ssyncset.done $0x0  }
0x47: {  	[sflag:s28] =	ssyncadd.s32 $0xFFFFE000  }
.LBB2_1:
0x48: {  	s2 =	simm.s32 $0x0  }
0x49: {  	[tilespmem:s2], [sflag:$0x1] =	stream.strided.gather [hbm4b:s3+s14], $0x2000, s15, s14, $0x38;
	[tilespmem:$0x14580] =	vst v63  }
0x4a: {  	s0 =	simm.s32 $0x6000  }
0x4b: {  	[tilespmem:s0], [sflag:$0x2] =	stream.strided.gather [hbm4b:s4+s14], $0x2000, s15, s14, $0x38;
	[tilespmem:$0x14580] =	vst v63  }
0x4c: {  	s1 =	simm.s32 @!p0 $0x400;
	s16 =	simm.s32 @!p0 $0x2000;
	s0 =	simm.s32 @!p0 $0x80  }
0x4d: {  	[tilespmem:s16], [sflag:$0x1] =	stream.strided.gather @!p0 [hbm4b:s5+s0], $0x2000, s1, s0, $0x38;
	[tilespmem:$0x14580] =	vst v63  }
0x4e: {  	s16 =	simm.s32 @!p0 $0x8000  }
0x4f: {  	[tilespmem:s16], [sflag:$0x2] =	stream.strided.gather @!p0 [hbm4b:s6+s0], $0x2000, s1, s0, $0x38;
	[tilespmem:$0x14580] =	vst v63  }
0x50: {  	s16 =	simm.s32 @!p0 $0x4000  }
0x51: {  	[tilespmem:s16], [sflag:$0x1] =	stream.strided.gather @!p0 [hbm4b:s7+s0], $0x2000, s1, s0, $0x38;
	[tilespmem:$0x14580] =	vst v63  }
0x52: {  	s16 =	simm.s32 @!p0 $0xA000  }
0x53: {  	[tilespmem:s16], [sflag:$0x2] =	stream.strided.gather @!p0 [hbm4b:s8+s0], $0x2000, s1, s0, $0x38;
	[tilespmem:$0x14580] =	vst v63  }
0x54: {  	s31 =	simm.s32 $0x14500  }
0x55: {  	[tilespmem:s31], [sflag:$0x4] =	stream.linear.gather [hbm4b:s9+s2], $0x80, $0x38;
	[tilespmem:$0x14580] =	vst v63  }
0x56: {  	_ =	swait.ge [sflag:s18], $0x80  }
0x57: {  	[sflag:s18] =	ssyncset.done $0x0  }
0x58: {  	[sflag:s18] =	ssyncadd.s32 $0xFFFFFF80  }
0x59: {  	v5 =	vld [tilespmem:$0x14500];
	_ =	swait.ge [sflag:s19], $0x2000  }
0x5a: {  	[sflag:s19] =	ssyncset.done $0x0  }
0x5b: {  	[sflag:s19] =	ssyncadd.s32 $0xFFFFE000  }
0x5c: {  	_ =	swait.ge [sflag:s20], $0x2000  }
0x5d: {  	[sflag:s20] =	ssyncset.done $0x0  }
0x5e: {  	s1 =	simm.s32 $0x12040;
	[sflag:s20] =	ssyncadd.s32 $0xFFFFE000  }
0x5f: {  	[tilespmem:s1+$0x30] =	vst v4  }
0x60: {  	[tilespmem:s1+$0xFFFFFFC0] =	vst v4  }
0x61: {  	[tilespmem:s1+$0xFFFFFFD0] =	vst v4  }
0x62: {  	[tilespmem:s1+$0xFFFFFFE0] =	vst v4  }
0x63: {  	[tilespmem:s1+$0xFFFFFFF0] =	vst v4  }
0x64: {  	[tilespmem:s1+$0x0] =	vst v4  }
0x65: {  	v6 =	vimm.s32 $0x0;
	s16 =	simm.s32 $0x0;
	s0 =	simm.s32 $0x40;
	[tilespmem:s1+$0x10] =	vst v4  }
.LBB2_2:
0x66: {  	s16 =	sadd.s32 $0x8, s16;
	[tilespmem:s1+$0x20] =	vst v6;
	v6 =	vimm.s32 $0x0;
	s1 =	sadd.s32 $0x80, s1  }
0x67: {  	[tilespmem:s1+$0x30] =	vst v6;
	p1 =	slt.u32 s16, $0x1F8  }
0x68: {  	[tilespmem:s1+$0xFFFFFFC0] =	vst v6  }
.Ltmp2:
0x69: {  	[tilespmem:s1+$0xFFFFFFD0] =	vst v6;
	(pc) =	sbr.rel @p1 .LBB2_2-.Ltmp2, $4  }
0x6a: {  	[tilespmem:s1+$0xFFFFFFE0] =	vst v6  }
0x6b: {  	[tilespmem:s1+$0xFFFFFFF0] =	vst v6  }
0x6c: {  	[tilespmem:s1+$0x0] =	vst v6  }
0x6d: {  	[tilespmem:s1+$0x10] =	vst v6  }
0x6e: {  	[tilespmem:s1+$0x20] =	vst v6  }
0x6f: {  	v7 =	vld [tilespmem:s0+$0xFFFFFFC0];
	_ =	sdelay $0x1  }
0x70: {  	v8 =	vld [tilespmem:s0+$0xFFFFFFD0]  }
0x71: {  	v9 =	vld [tilespmem:s0+$0xFFFFFFE0]  }
0x72: {  	v10 =	vld [tilespmem:s0+$0xFFFFFFF0]  }
0x73: {  	v11 =	vld [tilespmem:s0+$0x0];
	v7 =	vshrl.u32 v7, $0x12  }
0x74: {  	v12 =	vld [tilespmem:s0+$0x10];
	v7 =	vand.u32 $0x1FFF, v7  }
0x75: {  	v13 =	vld [tilespmem:s0+$0x20];
	v8 =	vshrl.u32 v8, $0x12;
	vm0 =	vgt.s32 v6, v7  }
0x76: {  	v14 =	vld [tilespmem:s0+$0x30];
	v9 =	vshrl.u32 v9, $0x12;
	v8 =	vand.u32 $0x1FFF, v8;
	v6 =	vsel vm0, v6, v7  }
0x77: {  	v15 =	vand.u32 $0x1FFF, v9;
	v9 =	vshrl.u32 v10, $0x12;
	v6 =	vmax.u32 v6, v8  }
0x78: {  	v10 =	vand.u32 $0x1FFF, v9;
	v9 =	vshrl.u32 v11, $0x12;
	v6 =	vmax.u32 v6, v15  }
0x79: {  	v11 =	vshrl.u32 v12, $0x12;
	v9 =	vand.u32 $0x1FFF, v9;
	v6 =	vmax.u32 v6, v10  }
0x7a: {  	[tilespmem:v7+s21+$0x0] =	vst.idx.add.s32.msk $0xffff, v1;
	v7 =	vmax.u32 v6, v9;
	v6 =	vand.u32 $0x1FFF, v11;
	v11 =	vshrl.u32 v13, $0x12  }
0x7b: {  	[tilespmem:v8+s21+$0x0] =	vst.idx.add.s32.msk $0xffff, v1;
	v7 =	vmax.u32 v7, v6;
	v8 =	vand.u32 $0x1FFF, v11;
	v11 =	vshrl.u32 v14, $0x12  }
0x7c: {  	[tilespmem:v15+s21+$0x0] =	vst.idx.add.s32.msk $0xffff, v1;
	v63 =	vmax.u32 v7, v8;
	v7 =	vand.u32 $0x1FFF, v11  }
0x7d: {  	s1 =	simm.s32 $0xC0;
	s0 =	simm.s32 $0x0;
	[tilespmem:v10+s21+$0x0] =	vst.idx.add.s32.msk $0xffff, v1;
	v10 =	vmax.u32 v63, v7  }
.LBB2_4:
0x7e: {  	v11 =	vld [tilespmem:s1+$0xFFFFFFC0];
	s0 =	sadd.s32 $0x8, s0  }
0x7f: {  	p1 =	slt.u32 s0, $0x1F8;
	[tilespmem:v9+s21+$0x0] =	vst.idx.add.s32.msk $0xffff, v1  }
0x80: {  	v9 =	vld [tilespmem:s1+$0xFFFFFFD0]  }
0x81: {  	v12 =	vld [tilespmem:s1+$0xFFFFFFE0]  }
0x82: {  	v13 =	vld [tilespmem:s1+$0xFFFFFFF0]  }
0x83: {  	v11 =	vshrl.u32 v11, $0x12;
	v14 =	vld [tilespmem:s1+$0x0]  }
0x84: {  	v11 =	vand.u32 $0x1FFF, v11;
	v15 =	vld [tilespmem:s1+$0x10]  }
0x85: {  	vm0 =	vgt.s32 v10, v11;
	v9 =	vshrl.u32 v9, $0x12;
	v16 =	vld [tilespmem:s1+$0x20]  }
0x86: {  	v10 =	vsel vm0, v10, v11;
	v17 =	vand.u32 $0x1FFF, v9;
	v9 =	vshrl.u32 v12, $0x12;
	v12 =	vld [tilespmem:s1+$0x30]  }
0x87: {  	v10 =	vmax.u32 v10, v17;
	v18 =	vand.u32 $0x1FFF, v9;
	v9 =	vshrl.u32 v13, $0x12;
	[tilespmem:v6+s21+$0x0] =	vst.idx.add.s32.msk $0xffff, v1  }
0x88: {  	v6 =	vmax.u32 v10, v18;
	v10 =	vand.u32 $0x1FFF, v9;
	v9 =	vshrl.u32 v14, $0x12;
	[tilespmem:v8+s21+$0x0] =	vst.idx.add.s32.msk $0xffff, v1  }
.Ltmp3:
0x89: {  	[tilespmem:v11+s21+$0x0] =	vst.idx.add.s32.msk $0xffff, v1;
	v6 =	vmax.u32 v6, v10;
	v9 =	vand.u32 $0x1FFF, v9;
	v8 =	vshrl.u32 v15, $0x12;
	(pc) =	sbr.rel @p1 .LBB2_4-.Ltmp3, $4  }
0x8a: {  	v11 =	vmax.u32 v6, v9;
	v6 =	vand.u32 $0x1FFF, v8;
	v8 =	vshrl.u32 v16, $0x12;
	[tilespmem:v7+s21+$0x0] =	vst.idx.add.s32.msk $0xffff, v1  }
0x8b: {  	[tilespmem:v17+s21+$0x0] =	vst.idx.add.s32.msk $0xffff, v1;
	v7 =	vmax.u32 v11, v6;
	v8 =	vand.u32 $0x1FFF, v8;
	v11 =	vshrl.u32 v12, $0x12  }
0x8c: {  	[tilespmem:v18+s21+$0x0] =	vst.idx.add.s32.msk $0xffff, v1;
	v12 =	vmax.u32 v7, v8;
	v7 =	vand.u32 $0x1FFF, v11  }
0x8d: {  	s1 =	sadd.s32 $0x80, s1;
	[tilespmem:v10+s21+$0x0] =	vst.idx.add.s32.msk $0xffff, v1;
	v10 =	vmax.u32 v12, v7  }
0x8e: {  	v10 =	vxor.u32 $0x80000000, v10  }
0x8f: {  	(xrf0) =	vmax.scan.msk.u32 $0xffff, v10;
	_ =	sdelay $0x5  }
0x90: {  	v10, _, _ =	vpop (xrf0)  }
0x91: {  	(v2sf) =	vpush v10, $0xF;
	_ =	sdelay $0xe  }
0x92: {  	s0 =	spop (v2sf)  }
0x93: {  	s0 =	sshra.s32 s0, $0x4  }
0x94: {  	p1 =	sgt.s32 s0, $0xFFFFFFFF  }
.Ltmp4:
0x95: {  	_ = 	snop;
	(pc) =	sbr.rel @!p1 .LBB2_21-.Ltmp4, $4  }
0x96: {  	[tilespmem:v9+s21+$0x0] =	vst.idx.add.s32.msk $0xffff, v1  }
0x97: {  	[tilespmem:v6+s21+$0x0] =	vst.idx.add.s32.msk $0xffff, v1  }
0x98: {  	[tilespmem:v8+s21+$0x0] =	vst.idx.add.s32.msk $0xffff, v1  }
0x99: {  	[tilespmem:v7+s21+$0x0] =	vst.idx.add.s32.msk $0xffff, v1  }
.Ltmp5:
0x9a: {  	(pc) =	sbr.rel .LBB2_7-.Ltmp5, $2  }
0x9b: {  	_ =	sdelay $0x2  }
0x9c: {  	s31 =	simm.s32 $0x0;
	s30 =	simm.s32 $0xFFFFFFFF  }
.LBB2_21:
0x9d: {  	s1 =	sxor.u32 $0xF8000000, s0  }
0x9e: {  	s26 =	sshll.u32 s0, $0x6;
	s30 =	simm.s32 $0xFFFFFFFF;
	s31 =	simm.s32 $0x0  }
0x9f: {  	s16 =	sshll.u32 s1, $0x4;
	s17 =	sshra.s32 s26, $0x2;
	s0 =	ssub.s32 $0x0, s1  }
0xa0: {  	s1 =	sadd.s32 $0x8000000F, s16;
	s16 =	sadd.s32 $0x12000, s17;
	s17 =	simm.s32 $0x0  }
.LBB2_22:
0xa1: {  	v6 =	vld [tilespmem:s16+$0x0];
	_ =	sdelay $0x4  }
0xa2: {  	v7 =	vperm.xlane v6, v2;
	_ =	sdelay $0x1  }
0xa3: {  	(xrf0) =	vadd.scan.msk.s32 $0xffff, v7;
	_ =	sdelay $0x5  }
0xa4: {  	v8, _, _ =	vpop (xrf0)  }
0xa5: {  	v9 =	vadd.s32 s17, v8  }
0xa6: {  	vm0 =	vgt.s32 v9, $0x1F3  }
0xa7: {  	v9 =	vnsel vm0, $0x80000010, v3  }
0xa8: {  	(xrf0) =	vmin.scan.msk.u32 $0xffff, v9;
	_ =	sdelay $0x5  }
0xa9: {  	v9, _, _ =	vpop (xrf0)  }
0xaa: {  	(v2sf) =	vpush v9, $0xF;
	_ =	sdelay $0xe  }
0xab: {  	s24 =	spop (v2sf)  }
0xac: {  	s25 =	sxor.u32 $0x80000000, s24  }
0xad: {  	v63 =	vmov s25  }
0xae: {  	vm15 =	veq.s32 v63, v0  }
0xaf: {  	v8 =	vnsel vm15, $0x0, v8  }
0xb0: {  	v7 =	vnsel vm15, $0x0, v7;
	(xrf0) =	vadd.scan.msk.s32 $0xffff, v8  }
0xb1: {  	(xrf0) =	vadd.scan.msk.s32 $0xffff, v7;
	_ =	sdelay $0x4  }
0xb2: {  	(xrf0) =	vadd.scan.msk.s32 $0xffff, v6;
	v6, _, _ =	vpop (xrf0)  }
0xb3: {  	v7, _, _ =	vpop (xrf0);
	(v2sf) =	vpush v6, $0xF  }
0xb4: {  	(v2sf) =	vpush v7, $0xF;
	_ =	sdelay $0x5  }
0xb5: {  	v6, _, _ =	vpop (xrf0)  }
0xb6: {  	(v2sf) =	vpush v6, $0xF;
	_ =	sdelay $0x6  }
0xb7: {  	s24 =	ssub.s32 s1, s24;
	s26 =	spop (v2sf)  }
0xb8: {  	p2 =	slt.s32 s25, $0x10;
	s12 =	spop (v2sf);
	s26 =	sadd.s32 s26, s17  }
0xb9: {  	p1 =	seq.s32 s0, $0x0;
	s30 =	smov.u32 @p2 s24;
	s25 =	ssub.s32 s12, s26  }
0xba: {  	p3 =	slt.s32 @!p1 s30, $0x0;
	s24 =	sadd.s32 $0x1F4, s25  }
0xbb: {  	s31 =	smov.u32 @p2 s24;
	p2 =	por p1, !p3  }
.Ltmp6:
0xbc: {  	_ = 	snop;
	(pc) =	sbr.rel @!p2 .LBB2_22-.Ltmp6, $3  }
0xbd: {  	_ =	sdelay $0x1  }
0xbe: {  	s0 =	sadd.s32 $0x1, s0;
	s26 =	spop (v2sf)  }
0xbf: {  	s16 =	sadd.s32 $0xFFFFFFF0, s16;
	s1 =	sadd.s32 $0xFFFFFFF0, s1;
	s17 =	sadd.s32 s17, s26  }
0xc0: {  	s30 =	smov.u32 @p1 s30;
	s31 =	smov.u32 @p1 s31  }
.LBB2_7:
0xc1: {  	s0 =	simm.s32 $0x14040  }
0xc2: {  	[tilespmem:s0+$0xFFFFFFC0] =	vst v4  }
0xc3: {  	[tilespmem:s0+$0x30] =	vst v4  }
0xc4: {  	[tilespmem:s0+$0x20] =	vst v4  }
0xc5: {  	[tilespmem:s0+$0x10] =	vst v4  }
0xc6: {  	[tilespmem:s0+$0x0] =	vst v4  }
0xc7: {  	[tilespmem:s0+$0xFFFFFFF0] =	vst v4  }
0xc8: {  	s1 =	simm.s32 $0x0;
	[tilespmem:s0+$0xFFFFFFE0] =	vst v4  }
.LBB2_8:
0xc9: {  	s1 =	sadd.s32 $0x8, s1;
	[tilespmem:s0+$0xFFFFFFD0] =	vst v4;
	s0 =	sadd.s32 $0x80, s0  }
0xca: {  	[tilespmem:s0+$0xFFFFFFC0] =	vst v4;
	p1 =	slt.u32 s1, $0x38  }
0xcb: {  	[tilespmem:s0+$0x30] =	vst v4  }
.Ltmp7:
0xcc: {  	[tilespmem:s0+$0x20] =	vst v4;
	(pc) =	sbr.rel @p1 .LBB2_8-.Ltmp7, $4  }
0xcd: {  	[tilespmem:s0+$0x10] =	vst v4  }
0xce: {  	[tilespmem:s0+$0x0] =	vst v4  }
0xcf: {  	[tilespmem:s0+$0xFFFFFFF0] =	vst v4  }
0xd0: {  	[tilespmem:s0+$0xFFFFFFE0] =	vst v4  }
0xd1: {  	[tilespmem:s0+$0xFFFFFFD0] =	vst v4;
	s26 =	simm.s32 $0x40  }
0xd2: {  	v10 =	vld [tilespmem:s26+$0x20]  }
0xd3: {  	v8 =	vld [tilespmem:s26+$0x30]  }
0xd4: {  	v12 =	vld [tilespmem:s26+$0xFFFFFFC0]  }
0xd5: {  	v13 =	vld [tilespmem:s26+$0xFFFFFFF0]  }
0xd6: {  	v15 =	vld [tilespmem:s26+$0xFFFFFFE0]  }
0xd7: {  	v14 =	vld [tilespmem:s26+$0xFFFFFFD0]  }
0xd8: {  	v6 =	vmov s30;
	v11 =	vimm.s32 $0x0  }
0xd9: {  	v9 =	vshrl.u32 v10, $0x8;
	v16 =	vshrl.u32 v12, $0x8;
	v7 =	vshrl.u32 v8, $0x8  }
0xda: {  	v12 =	vshrl.u32 v12, $0x12;
	v17 =	vshrl.u32 v13, $0x8;
	v16 =	vand.u32 $0x3FF, v16  }
0xdb: {  	v18 =	vshrl.u32 v15, $0x12;
	v12 =	vand.u32 $0x1FFF, v12;
	vm0 =	vgt.s32 v11, v16  }
0xdc: {  	v19 =	vshrl.u32 v14, $0x8;
	vm2 =	veq.s32 v12, v6;
	v12 =	vsel vm0, v11, v16  }
0xdd: {  	v19 =	vand.u32 $0x3FF, v19;
	v11 =	vsel vm2, v12, v11;
	v12 =	vshrl.u32 v14, $0x12  }
0xde: {  	v20 =	vld [tilespmem:s26+$0x0];
	v13 =	vshrl.u32 v13, $0x12;
	v12 =	vand.u32 $0x1FFF, v12;
	vm0 =	vgt.s32 v11, v19  }
0xdf: {  	v15 =	vshrl.u32 v15, $0x8;
	v14 =	vld [tilespmem:s26+$0x10];
	vm3 =	veq.s32 v12, v6;
	v12 =	vsel vm0, v11, v19  }
0xe0: {  	v13 =	vand.u32 $0x1FFF, v13;
	v21 =	vsel vm3, v12, v11;
	v12 =	vand.u32 $0x3FF, v15  }
0xe1: {  	v11 =	vand.u32 $0x3FF, v17;
	v15 =	vand.u32 $0x1FFF, v18;
	vm0 =	vgt.s32 v21, v12  }
0xe2: {  	vm1 =	veq.s32 v15, v6;
	v15 =	vsel vm0, v21, v12;
	vm0 =	veq.s32 v13, v6  }
0xe3: {  	v18 =	vshrl.u32 v20, $0x12;
	v13 =	vsel vm1, v15, v21;
	v17 =	vnsel vm0, $0x0, v11  }
0xe4: {  	v20 =	vshrl.u32 v20, $0x8;
	[tilespmem:v16+s22+$0x0] =	vst.idx.add.s32.msk vm2, v1;
	v15 =	vshrl.u32 v14, $0x8;
	vm2 =	vgt.s32 v13, v17  }
0xe5: {  	s0 =	simm.s32 $0x0;
	s1 =	simm.s32 $0xC0;
	[tilespmem:v19+s22+$0x0] =	vst.idx.add.s32.msk vm3, v1;
	v16 =	vsel vm2, v13, v17;
	v17 =	vand.u32 $0x1FFF, v18;
	v13 =	vand.u32 $0x3FF, v20  }
.LBB2_10:
0xe6: {  	v18 =	vld [tilespmem:s1+$0x20];
	vm2 =	veq.s32 v17, v6;
	v17 =	vmax.u32 v16, v13;
	v14 =	vshrl.u32 v14, $0x12  }
0xe7: {  	v15 =	vand.u32 $0x3FF, v15;
	v19 =	vld [tilespmem:s1+$0x30];
	v16 =	vsel vm2, v17, v16;
	v14 =	vand.u32 $0x1FFF, v14  }
0xe8: {  	s0 =	sadd.s32 $0x8, s0;
	v10 =	vshrl.u32 v10, $0x12;
	v17 =	vld [tilespmem:s1+$0xFFFFFFC0];
	vm3 =	veq.s32 v14, v6;
	v14 =	vmax.u32 v16, v15  }
0xe9: {  	p1 =	slt.u32 s0, $0x1F8;
	v24 =	vand.u32 $0x1FFF, v10;
	v20 =	vld [tilespmem:s1+$0xFFFFFFF0];
	v14 =	vsel vm3, v14, v16;
	v16 =	vand.u32 $0x3FF, v9  }
0xea: {  	v8 =	vshrl.u32 v8, $0x12;
	vm4 =	veq.s32 v24, v6;
	v21 =	vld [tilespmem:s1+$0xFFFFFFE0];
	v9 =	vmax.u32 v14, v16  }
0xeb: {  	v23 =	vand.u32 $0x3FF, v7;
	v24 =	vand.u32 $0x1FFF, v8;
	v22 =	vld [tilespmem:s1+$0xFFFFFFD0];
	v14 =	vsel vm4, v9, v14;
	v10 =	vmovc v18  }
0xec: {  	v9 =	vshrl.u32 v10, $0x8;
	[tilespmem:v12+s22+$0x0] =	vst.idx.add.s32.msk vm1, v1;
	vm1 =	veq.s32 v24, v6;
	v18 =	vmax.u32 v14, v23  }
0xed: {  	v7 =	vshrl.u32 v19, $0x8;
	v8 =	vmovc v19;
	v12 =	vshrl.u32 v17, $0x8;
	[tilespmem:v11+s22+$0x0] =	vst.idx.add.s32.msk vm0, v1;
	v11 =	vsel vm1, v18, v14  }
0xee: {  	v14 =	vshrl.u32 v17, $0x12;
	v17 =	vand.u32 $0x3FF, v12;
	v18 =	vshrl.u32 v20, $0x8;
	[tilespmem:v13+s22+$0x0] =	vst.idx.add.s32.msk vm2, v1  }
0xef: {  	v12 =	vand.u32 $0x1FFF, v14;
	vm0 =	vgt.s32 v11, v17;
	v13 =	vshrl.u32 v21, $0x12;
	[tilespmem:v15+s22+$0x0] =	vst.idx.add.s32.msk vm3, v1  }
0xf0: {  	vm2 =	veq.s32 v12, v6;
	v12 =	vsel vm0, v11, v17;
	v14 =	vshrl.u32 v22, $0x8;
	[tilespmem:v16+s22+$0x0] =	vst.idx.add.s32.msk vm4, v1  }
0xf1: {  	v11 =	vsel vm2, v12, v11;
	v12 =	vshrl.u32 v22, $0x12;
	v16 =	vand.u32 $0x3FF, v14  }
0xf2: {  	v15 =	vshrl.u32 v20, $0x12;
	v12 =	vand.u32 $0x1FFF, v12;
	vm0 =	vgt.s32 v11, v16;
	v14 =	vld [tilespmem:s1+$0x10]  }
0xf3: {  	v19 =	vshrl.u32 v21, $0x8;
	vm3 =	veq.s32 v12, v6;
	v12 =	vsel vm0, v11, v16;
	v20 =	vld [tilespmem:s1+$0x0]  }
0xf4: {  	v21 =	vsel vm3, v12, v11;
	v12 =	vand.u32 $0x3FF, v19;
	v11 =	vand.u32 $0x3FF, v18;
	[tilespmem:v23+s22+$0x0] =	vst.idx.add.s32.msk vm1, v1  }
.Ltmp8:
0xf5: {  	v13 =	vand.u32 $0x1FFF, v13;
	v15 =	vand.u32 $0x1FFF, v15;
	vm0 =	vgt.s32 v21, v12;
	(pc) =	sbr.rel @p1 .LBB2_10-.Ltmp8, $4  }
0xf6: {  	vm1 =	veq.s32 v13, v6;
	v13 =	vsel vm0, v21, v12;
	vm0 =	veq.s32 v15, v6  }
0xf7: {  	[tilespmem:v17+s22+$0x0] =	vst.idx.add.s32.msk vm2, v1;
	v13 =	vsel vm1, v13, v21;
	v17 =	vnsel vm0, $0x0, v11;
	v15 =	vshrl.u32 v14, $0x8  }
0xf8: {  	vm2 =	vgt.s32 v13, v17;
	v18 =	vshrl.u32 v20, $0x12;
	v19 =	vshrl.u32 v20, $0x8  }
0xf9: {  	s1 =	sadd.s32 $0x80, s1;
	[tilespmem:v16+s22+$0x0] =	vst.idx.add.s32.msk vm3, v1;
	v16 =	vsel vm2, v13, v17;
	v17 =	vand.u32 $0x1FFF, v18;
	v13 =	vand.u32 $0x3FF, v19  }
0xfa: {  	vm2 =	veq.s32 v17, v6;
	v61 =	vmax.u32 v16, v13;
	v14 =	vshrl.u32 v14, $0x12  }
0xfb: {  	v15 =	vand.u32 $0x3FF, v15;
	v16 =	vsel vm2, v61, v16;
	v14 =	vand.u32 $0x1FFF, v14  }
0xfc: {  	v10 =	vshrl.u32 v10, $0x12;
	vm3 =	veq.s32 v14, v6;
	v62 =	vmax.u32 v16, v15  }
0xfd: {  	v9 =	vand.u32 $0x3FF, v9;
	v10 =	vand.u32 $0x1FFF, v10;
	v14 =	vsel vm3, v62, v16  }
0xfe: {  	v8 =	vshrl.u32 v8, $0x12;
	vm4 =	veq.s32 v10, v6;
	v63 =	vmax.u32 v14, v9  }
0xff: {  	v7 =	vand.u32 $0x3FF, v7;
	v8 =	vand.u32 $0x1FFF, v8;
	v10 =	vsel vm4, v63, v14  }
0x100: {  	vm5 =	veq.s32 v8, v6;
	v6 =	vmax.u32 v10, v7  }
0x101: {  	v6 =	vsel vm5, v6, v10  }
0x102: {  	v6 =	vxor.u32 $0x80000000, v6  }
0x103: {  	(xrf0) =	vmax.scan.msk.u32 $0xffff, v6;
	_ =	sdelay $0x5  }
0x104: {  	v6, _, _ =	vpop (xrf0)  }
0x105: {  	(v2sf) =	vpush v6, $0xF;
	_ =	sdelay $0xe  }
0x106: {  	s0 =	spop (v2sf)  }
0x107: {  	s16 =	sshra.s32 s0, $0x4  }
0x108: {  	[tilespmem:v12+s22+$0x0] =	vst.idx.add.s32.msk vm1, v1;
	p1 =	sgt.s32 s16, $0xFFFFFFFF  }
.Ltmp9:
0x109: {  	[tilespmem:v11+s22+$0x0] =	vst.idx.add.s32.msk vm0, v1;
	(pc) =	sbr.rel @p1 .LBB2_15-.Ltmp9, $4  }
0x10a: {  	[tilespmem:v13+s22+$0x0] =	vst.idx.add.s32.msk vm2, v1  }
0x10b: {  	[tilespmem:v15+s22+$0x0] =	vst.idx.add.s32.msk vm3, v1  }
0x10c: {  	[tilespmem:v9+s22+$0x0] =	vst.idx.add.s32.msk vm4, v1  }
0x10d: {  	s25 =	simm.s32 $0x0;
	s1 =	simm.s32 $0xFFFFFFFF;
	[tilespmem:v7+s22+$0x0] =	vst.idx.add.s32.msk vm5, v1;
	s0 =	simm.s32 $0x0  }
0x10e: {  	s0 =	sxor.u32 $0xF8000000, s16  }
0x10f: {  	s1 =	sshll.u32 s16, $0x6;
	s24 =	simm.s32 $0x0;
	s17 =	sshll.u32 s0, $0x4  }
0x110: {  	s1 =	sshra.s32 s1, $0x2;
	s16 =	ssub.s32 $0x0, s0;
	s0 =	simm.s32 $0x0  }
0x111: {  	v6 =	vmov s31;
	s17 =	sadd.s32 $0x8000000F, s17;
	s26 =	sadd.s32 $0x14000, s1;
	s1 =	simm.s32 $0xFFFFFFFF  }
.LBB2_13:
0x112: {  	v7 =	vld [tilespmem:s26+$0x0];
	_ =	sdelay $0x4  }
0x113: {  	v8 =	vperm.xlane v7, v2;
	_ =	sdelay $0x1  }
0x114: {  	(xrf0) =	vadd.scan.msk.s32 $0xffff, v8;
	_ =	sdelay $0x5  }
0x115: {  	v9, _, _ =	vpop (xrf0)  }
0x116: {  	v10 =	vadd.s32 s24, v9  }
0x117: {  	vm0 =	vlt.s32 v10, v6  }
0x118: {  	v10 =	vsel vm0, $0x80000010, v3  }
0x119: {  	(xrf0) =	vmin.scan.msk.u32 $0xffff, v10;
	_ =	sdelay $0x5  }
0x11a: {  	v10, _, _ =	vpop (xrf0)  }
0x11b: {  	(v2sf) =	vpush v10, $0xF;
	_ =	sdelay $0xe  }
0x11c: {  	s11 =	spop (v2sf)  }
0x11d: {  	s12 =	sxor.u32 $0x80000000, s11  }
0x11e: {  	v63 =	vmov s12  }
0x11f: {  	vm15 =	veq.s32 v63, v0  }
0x120: {  	v9 =	vnsel vm15, $0x0, v9  }
0x121: {  	(xrf0) =	vadd.scan.msk.s32 $0xffff, v9  }
0x122: {  	v8 =	vnsel vm15, $0x0, v8  }
0x123: {  	(xrf0) =	vadd.scan.msk.s32 $0xffff, v8;
	_ =	sdelay $0x3  }
0x124: {  	(xrf0) =	vadd.scan.msk.s32 $0xffff, v7;
	v7, _, _ =	vpop (xrf0)  }
0x125: {  	(v2sf) =	vpush v7, $0xF  }
0x126: {  	v8, _, _ =	vpop (xrf0)  }
0x127: {  	(v2sf) =	vpush v8, $0xF;
	_ =	sdelay $0x4  }
0x128: {  	v7, _, _ =	vpop (xrf0)  }
0x129: {  	(v2sf) =	vpush v7, $0xF;
	_ =	sdelay $0x6  }
0x12a: {  	p1 =	seq.s32 s16, $0x0;
	s2 =	spop (v2sf)  }
0x12b: {  	s11 =	ssub.s32 s17, s11;
	p2 =	slt.s32 s12, $0x10;
	s2 =	sadd.s32 s2, s24  }
0x12c: {  	s1 =	smov.u32 @p2 s11;
	s12 =	spop (v2sf);
	s2 =	ssub.s32 s31, s2  }
0x12d: {  	p3 =	slt.s32 @!p1 s1, $0x0;
	s2 =	sadd.s32 s12, s2  }
0x12e: {  	s0 =	smov.u32 @p2 s2;
	p2 =	por p1, !p3  }
.Ltmp10:
0x12f: {  	_ = 	snop;
	(pc) =	sbr.rel @!p2 .LBB2_13-.Ltmp10, $3  }
0x130: {  	_ =	sdelay $0x1  }
0x131: {  	s16 =	sadd.s32 $0x1, s16;
	s12 =	spop (v2sf)  }
0x132: {  	s26 =	sadd.s32 $0xFFFFFFF0, s26;
	s17 =	sadd.s32 $0xFFFFFFF0, s17;
	s24 =	sadd.s32 s24, s12  }
0x133: {  	s1 =	smov.u32 @p1 s1;
	s0 =	smov.u32 @p1 s0  }
.LBB2_15:
0x134: {  	p1 =	por $0x1, $0x1  }
.LBB2_16:
0x135: {  	s2 =	sshra.s32 s25, $0x2  }
0x136: {  	[tilespmem:s2+$0x14400] =	vst v4  }
0x137: {  	[tilespmem:s2+$0x14410] =	vst v4  }
0x138: {  	p2 =	por p1, p1;
	[tilespmem:s2+$0x14420] =	vst v4  }
.Ltmp11:
0x139: {  	[tilespmem:s2+$0x14430] =	vst v4;
	(pc) =	sbr.rel @p2 .LBB2_16-.Ltmp11, $4  }
0x13a: {  	[tilespmem:s2+$0x14440] =	vst v4  }
0x13b: {  	[tilespmem:s2+$0x14450] =	vst v4  }
0x13c: {  	[tilespmem:s2+$0x14460] =	vst v4  }
0x13d: {  	s25 =	simm.s32 $0x200;
	p1 =	por $0x0, $0x0;
	[tilespmem:s2+$0x14470] =	vst v4  }
0x13e: {  	s16 =	simm.s32 $0x40  }
0x13f: {  	v8 =	vld [tilespmem:s16+$0xFFFFFFC0];
	_ =	sdelay $0x2  }
0x140: {  	v9 =	vld [tilespmem:s16+$0xFFFFFFD0]  }
0x141: {  	s2 =	sshll.u32 s30, $0xA  }
0x142: {  	v7 =	vimm.s32 $0x0;
	s30 =	sor.u32 s2, s1;
	v10 =	vld [tilespmem:s16+$0xFFFFFFF0];
	v11 =	vshrl.u32 v8, $0x8;
	v12 =	vand.u32 $0xFF, v8  }
0x143: {  	v6 =	vmov s30;
	v8 =	vld [tilespmem:s16+$0xFFFFFFE0];
	v11 =	vand.u32 $0x7FFFFF, v11;
	vm0 =	vgt.s32 v7, v12  }
0x144: {  	vm2 =	veq.s32 v11, v6;
	v11 =	vsel vm0, v7, v12  }
0x145: {  	v11 =	vsel vm2, v11, v7;
	v7 =	vshrl.u32 v9, $0x8  }
0x146: {  	v13 =	vand.u32 $0xFF, v9;
	v9 =	vand.u32 $0x7FFFFF, v7  }
0x147: {  	v15 =	vld [tilespmem:s16+$0x0];
	vm0 =	vgt.s32 v11, v13;
	v7 =	vand.u32 $0xFF, v10;
	v10 =	vshrl.u32 v10, $0x8  }
0x148: {  	vm3 =	veq.s32 v9, v6;
	v9 =	vsel vm0, v11, v13;
	v14 =	vshrl.u32 v8, $0x8  }
0x149: {  	v8 =	vand.u32 $0xFF, v8;
	v9 =	vsel vm3, v9, v11;
	v11 =	vand.u32 $0x7FFFFF, v14  }
0x14a: {  	v16 =	vld [tilespmem:s16+$0x10];
	v10 =	vand.u32 $0x7FFFFF, v10;
	vm0 =	vgt.s32 v9, v8;
	vm1 =	veq.s32 v11, v6  }
0x14b: {  	v11 =	vsel vm0, v9, v8;
	vm0 =	veq.s32 v10, v6;
	[tilespmem:v12+s23+$0x0] =	vst.idx.add.s32.msk vm2, v1  }
0x14c: {  	v12 =	vshrl.u32 v15, $0x8;
	v9 =	vsel vm1, v11, v9;
	v10 =	vnsel vm0, $0x0, v7;
	v11 =	vld [tilespmem:s16+$0x20]  }
0x14d: {  	v12 =	vand.u32 $0x7FFFFF, v12;
	vm2 =	vgt.s32 v9, v10  }
0x14e: {  	v10 =	vsel vm2, v9, v10;
	v9 =	vand.u32 $0xFF, v15;
	vm2 =	veq.s32 v12, v6;
	v12 =	vld [tilespmem:s16+$0x30]  }
0x14f: {  	v14 =	vshrl.u32 v16, $0x8;
	[tilespmem:v13+s23+$0x0] =	vst.idx.add.s32.msk vm3, v1;
	v13 =	vmax.u32 v10, v9  }
0x150: {  	s31 =	simm.s32 $0xC0;
	s1 =	simm.s32 $0x0;
	v14 =	vand.u32 $0x7FFFFF, v14;
	v13 =	vsel vm2, v13, v10;
	v10 =	vand.u32 $0xFF, v16  }
.LBB2_18:
0x151: {  	v15 =	vld [tilespmem:s31+$0xFFFFFFC0];
	s1 =	sadd.s32 $0x8, s1;
	vm3 =	veq.s32 v14, v6;
	v14 =	vmax.u32 v13, v10;
	v16 =	vshrl.u32 v11, $0x8  }
0x152: {  	v11 =	vand.u32 $0xFF, v11;
	p1 =	slt.u32 s1, $0x1F8;
	[tilespmem:v8+s23+$0x0] =	vst.idx.add.s32.msk vm1, v1;
	v8 =	vsel vm3, v14, v13;
	v13 =	vand.u32 $0x7FFFFF, v16  }
0x153: {  	[tilespmem:v7+s23+$0x0] =	vst.idx.add.s32.msk vm0, v1;
	vm1 =	veq.s32 v13, v6;
	v7 =	vmax.u32 v8, v11;
	v13 =	vshrl.u32 v12, $0x8  }
0x154: {  	v12 =	vand.u32 $0xFF, v12;
	v14 =	vld [tilespmem:s31+$0xFFFFFFD0];
	v7 =	vsel vm1, v7, v8;
	v8 =	vand.u32 $0x7FFFFF, v13  }
0x155: {  	v13 =	vld [tilespmem:s31+$0xFFFFFFF0];
	vm0 =	veq.s32 v8, v6;
	v8 =	vmax.u32 v7, v12  }
0x156: {  	v16 =	vshrl.u32 v15, $0x8;
	v15 =	vand.u32 $0xFF, v15;
	v17 =	vld [tilespmem:s31+$0xFFFFFFE0];
	v7 =	vsel vm0, v8, v7  }
0x157: {  	v8 =	vand.u32 $0x7FFFFF, v16;
	vm4 =	vgt.s32 v7, v15;
	[tilespmem:v9+s23+$0x0] =	vst.idx.add.s32.msk vm2, v1  }
0x158: {  	vm2 =	veq.s32 v8, v6;
	v8 =	vsel vm4, v7, v15;
	[tilespmem:v10+s23+$0x0] =	vst.idx.add.s32.msk vm3, v1  }
0x159: {  	v8 =	vsel vm2, v8, v7;
	v7 =	vshrl.u32 v14, $0x8;
	v10 =	vand.u32 $0xFF, v14;
	[tilespmem:v11+s23+$0x0] =	vst.idx.add.s32.msk vm1, v1  }
0x15a: {  	v9 =	vand.u32 $0x7FFFFF, v7;
	vm1 =	vgt.s32 v8, v10;
	v7 =	vand.u32 $0xFF, v13  }
0x15b: {  	vm3 =	veq.s32 v9, v6;
	v9 =	vsel vm1, v8, v10;
	v11 =	vshrl.u32 v17, $0x8;
	v14 =	vld [tilespmem:s31+$0x0]  }
0x15c: {  	v13 =	vshrl.u32 v13, $0x8;
	v9 =	vsel vm3, v9, v8;
	v8 =	vand.u32 $0xFF, v17;
	[tilespmem:v12+s23+$0x0] =	vst.idx.add.s32.msk vm0, v1  }
0x15d: {  	v11 =	vand.u32 $0x7FFFFF, v11;
	v12 =	vand.u32 $0x7FFFFF, v13;
	vm0 =	vgt.s32 v9, v8;
	v16 =	vld [tilespmem:s31+$0x10]  }
0x15e: {  	vm1 =	veq.s32 v11, v6;
	v11 =	vsel vm0, v9, v8;
	vm0 =	veq.s32 v12, v6  }
.Ltmp12:
0x15f: {  	v9 =	vsel vm1, v11, v9;
	v12 =	vnsel vm0, $0x0, v7;
	v11 =	vld [tilespmem:s31+$0x20];
	(pc) =	sbr.rel @p1 .LBB2_18-.Ltmp12, $4  }
0x160: {  	[tilespmem:v15+s23+$0x0] =	vst.idx.add.s32.msk vm2, v1;
	vm2 =	vgt.s32 v9, v12;
	v13 =	vshrl.u32 v14, $0x8  }
0x161: {  	v15 =	vsel vm2, v9, v12;
	v13 =	vand.u32 $0x7FFFFF, v13;
	v9 =	vand.u32 $0xFF, v14;
	v12 =	vld [tilespmem:s31+$0x30]  }
0x162: {  	[tilespmem:v10+s23+$0x0] =	vst.idx.add.s32.msk vm3, v1;
	vm2 =	veq.s32 v13, v6;
	v10 =	vmax.u32 v15, v9;
	v14 =	vshrl.u32 v16, $0x8  }
0x163: {  	s31 =	sadd.s32 $0x80, s31;
	v13 =	vsel vm2, v10, v15;
	v14 =	vand.u32 $0x7FFFFF, v14;
	v10 =	vand.u32 $0xFF, v16  }
0x164: {  	vm3 =	veq.s32 v14, v6;
	v57 =	vmax.u32 v13, v10;
	v15 =	vshrl.u32 v11, $0x8  }
0x165: {  	v59 =	vand.u32 $0xFF, v11;
	v13 =	vsel vm3, v57, v13;
	v58 =	vand.u32 $0x7FFFFF, v15  }
0x166: {  	vm4 =	veq.s32 v58, v6;
	v60 =	vmax.u32 v13, v59;
	v61 =	vshrl.u32 v12, $0x8  }
0x167: {  	v63 =	vand.u32 $0xFF, v12;
	v13 =	vsel vm4, v60, v13;
	v62 =	vand.u32 $0x7FFFFF, v61  }
0x168: {  	vm5 =	veq.s32 v62, v6;
	v6 =	vmax.u32 v13, v63  }
0x169: {  	v6 =	vsel vm5, v6, v13  }
0x16a: {  	v6 =	vxor.u32 $0x80000000, v6  }
0x16b: {  	(xrf0) =	vmax.scan.msk.u32 $0xffff, v6;
	_ =	sdelay $0x5  }
0x16c: {  	v6, _, _ =	vpop (xrf0)  }
0x16d: {  	(v2sf) =	vpush v6, $0xF;
	_ =	sdelay $0xe  }
0x16e: {  	s1 =	spop (v2sf)  }
0x16f: {  	s1 =	sshra.s32 s1, $0x4  }
0x170: {  	[tilespmem:v8+s23+$0x0] =	vst.idx.add.s32.msk vm1, v1;
	p1 =	sgt.s32 s1, $0xFFFFFFFF  }
.Ltmp13:
0x171: {  	[tilespmem:v7+s23+$0x0] =	vst.idx.add.s32.msk vm0, v1;
	(pc) =	sbr.rel @!p1 .LBB2_24-.Ltmp13, $4  }
0x172: {  	[tilespmem:v9+s23+$0x0] =	vst.idx.add.s32.msk vm2, v1  }
0x173: {  	[tilespmem:v10+s23+$0x0] =	vst.idx.add.s32.msk vm3, v1  }
0x174: {  	[tilespmem:v59+s23+$0x0] =	vst.idx.add.s32.msk vm4, v1  }
0x175: {  	[tilespmem:v63+s23+$0x0] =	vst.idx.add.s32.msk vm5, v1  }
.Ltmp14:
0x176: {  	(pc) =	sbr.rel .LBB2_27-.Ltmp14, $2  }
0x177: {  	_ =	sdelay $0x2  }
0x178: {  	s31 =	simm.s32 $0x0;
	s25 =	simm.s32 $0xFFFFFFFF;
	s1 =	simm.s32 $0x0  }
.LBB2_24:
0x179: {  	s2 =	sxor.u32 $0xF8000000, s1;
	s25 =	sshll.u32 s1, $0x6  }
0x17a: {  	s31 =	simm.s32 $0x0;
	s24 =	simm.s32 $0x0;
	s26 =	ssub.s32 $0x0, s2  }
0x17b: {  	s2 =	sshll.u32 s2, $0x4;
	s1 =	sshra.s32 s25, $0x2;
	s25 =	simm.s32 $0xFFFFFFFF  }
0x17c: {  	v6 =	vmov s0;
	s16 =	sadd.s32 $0x8000000F, s2;
	s17 =	sadd.s32 $0x14400, s1;
	s1 =	simm.s32 $0x0  }
.LBB2_25:
0x17d: {  	v7 =	vld [tilespmem:s17+$0x0];
	_ =	sdelay $0x4  }
0x17e: {  	v8 =	vperm.xlane v7, v2;
	_ =	sdelay $0x1  }
0x17f: {  	(xrf0) =	vadd.scan.msk.s32 $0xffff, v8;
	_ =	sdelay $0x5  }
0x180: {  	v9, _, _ =	vpop (xrf0)  }
0x181: {  	v10 =	vadd.s32 s24, v9  }
0x182: {  	vm0 =	vlt.s32 v10, v6  }
0x183: {  	v10 =	vsel vm0, $0x80000010, v3  }
0x184: {  	(xrf0) =	vmin.scan.msk.u32 $0xffff, v10;
	_ =	sdelay $0x5  }
0x185: {  	v10, _, _ =	vpop (xrf0)  }
0x186: {  	(v2sf) =	vpush v10, $0xF;
	_ =	sdelay $0xe  }
0x187: {  	s2 =	spop (v2sf)  }
0x188: {  	s11 =	sxor.u32 $0x80000000, s2  }
0x189: {  	v63 =	vmov s11  }
0x18a: {  	vm15 =	veq.s32 v63, v0  }
0x18b: {  	v9 =	vnsel vm15, $0x0, v9  }
0x18c: {  	(xrf0) =	vadd.scan.msk.s32 $0xffff, v9  }
0x18d: {  	v8 =	vnsel vm15, $0x0, v8  }
0x18e: {  	(xrf0) =	vadd.scan.msk.s32 $0xffff, v8;
	_ =	sdelay $0x3  }
0x18f: {  	(xrf0) =	vadd.scan.msk.s32 $0xffff, v7;
	v7, _, _ =	vpop (xrf0)  }
0x190: {  	(v2sf) =	vpush v7, $0xF  }
0x191: {  	v7, _, _ =	vpop (xrf0)  }
0x192: {  	(v2sf) =	vpush v7, $0xF;
	_ =	sdelay $0x4  }
0x193: {  	v7, _, _ =	vpop (xrf0)  }
0x194: {  	(v2sf) =	vpush v7, $0xF;
	_ =	sdelay $0x6  }
0x195: {  	p1 =	seq.s32 s26, $0x0;
	s12 =	spop (v2sf)  }
0x196: {  	s2 =	ssub.s32 s16, s2;
	p2 =	slt.s32 s11, $0x10;
	s11 =	sadd.s32 s12, s24  }
0x197: {  	s25 =	smov.u32 @p2 s2;
	s12 =	spop (v2sf);
	s11 =	ssub.s32 s0, s11  }
0x198: {  	p3 =	slt.s32 @!p1 s25, $0x0;
	s2 =	sadd.s32 s12, s11  }
0x199: {  	s1 =	smov.u32 @p2 s12;
	s31 =	smov.u32 @p2 s2;
	p2 =	por p1, !p3  }
.Ltmp15:
0x19a: {  	_ = 	snop;
	(pc) =	sbr.rel @!p2 .LBB2_25-.Ltmp15, $3  }
0x19b: {  	_ =	sdelay $0x1  }
0x19c: {  	s26 =	sadd.s32 $0x1, s26;
	s11 =	spop (v2sf)  }
0x19d: {  	s17 =	sadd.s32 $0xFFFFFFF0, s17;
	s16 =	sadd.s32 $0xFFFFFFF0, s16;
	s24 =	sadd.s32 s24, s11  }
0x19e: {  	s25 =	smov.u32 @p1 s25;
	s31 =	smov.u32 @p1 s31;
	s1 =	smov.u32 @p1 s1  }
.LBB2_27:
0x19f: {  	s2 =	simm.s32 $0x40  }
0x1a0: {  	v7 =	vld [tilespmem:s2+$0x30]  }
0x1a1: {  	v8 =	vld [tilespmem:s2+$0xFFFFFFD0]  }
0x1a2: {  	v13 =	vld [tilespmem:s2+$0x10]  }
0x1a3: {  	v14 =	vld [tilespmem:s2+$0x20]  }
0x1a4: {  	v15 =	vld [tilespmem:s2+$0xFFFFFFC0]  }
0x1a5: {  	v9 =	vld [tilespmem:s2+$0xFFFFFFE0]  }
0x1a6: {  	s0 =	simm.s32 $0x6040;
	s11 =	sshll.u32 s30, $0x8;
	v11 =	vld [tilespmem:s2+$0xFFFFFFF0]  }
0x1a7: {  	v10 =	vld [tilespmem:s0+$0x30];
	s11 =	sor.u32 s11, s25  }
0x1a8: {  	v12 =	vld [tilespmem:s2+$0x0];
	v6 =	vmov s11;
	v7 =	vand.u32 $0x7FFFFFFF, v7;
	v8 =	vand.u32 $0x7FFFFFFF, v8  }
0x1a9: {  	v13 =	vand.u32 $0x7FFFFFFF, v13;
	v16 =	vand.u32 $0x7FFFFFFF, v14;
	v15 =	vand.u32 $0x7FFFFFFF, v15  }
0x1aa: {  	v20 =	vld [tilespmem:s0+$0xFFFFFFD0];
	vm0 =	vlt.s32 v7, v6;
	vm1 =	vlt.s32 v8, v6;
	v7 =	vand.u32 $0x7FFFFFFF, v9  }
0x1ab: {  	v9 =	vand.u32 $0x7FFFFFFF, v11;
	v11 =	vld [tilespmem:s0+$0xFFFFFFE0];
	vm13 =	vlt.s32 v13, v6;
	vm14 =	vlt.s32 v16, v6  }
0x1ac: {  	vm15 =	vlt.s32 v15, v6;
	v8 =	vsel vm0, $0x0, v5;
	vm10 =	vlt.s32 v7, v6;
	v7 =	vld [tilespmem:s0+$0xFFFFFFC0]  }
0x1ad: {  	v17 =	vsel vm1, $0x0, v5;
	v18 =	vadd.f32 v8, v10;
	v10 =	vand.u32 $0x7FFFFFFF, v12;
	v12 =	vld [tilespmem:s0+$0xFFFFFFF0]  }
0x1ae: {  	v14 =	vld [tilespmem:s0+$0x0];
	vm11 =	vlt.s32 v9, v6;
	v13 =	vsel vm13, $0x0, v5;
	v15 =	vsel vm14, $0x0, v5  }
0x1af: {  	s30 =	simm.s32 $0xC040;
	v16 =	vld [tilespmem:s0+$0x10];
	v19 =	vsel vm15, $0x0, v5;
	v8 =	vsel vm10, $0x0, v5;
	vm12 =	vlt.s32 v10, v6  }
0x1b0: {  	s26 =	simm.s32 $0xC0;
	s25 =	simm.s32 $0x0;
	v9 =	vsel vm11, $0x0, v5;
	v10 =	vsel vm12, $0x0, v5;
	[tilespmem:s30+$0x30] =	vst v18;
	v18 =	vadd.f32 v17, v20;
	v17 =	vld [tilespmem:s0+$0x20]  }
.LBB2_28:
0x1b1: {  	v20 =	vld [tilespmem:s26+$0x30];
	s25 =	sadd.s32 $0x8, s25;
	v7 =	vadd.f32 v19, v7;
	v8 =	vadd.f32 v8, v11  }
0x1b2: {  	v11 =	vld [tilespmem:s26+$0xFFFFFFD0];
	p1 =	slt.u32 s25, $0x1F8;
	[tilespmem:s30+$0xFFFFFFD0] =	vst v18;
	v9 =	vadd.f32 v9, v12  }
0x1b3: {  	s0 =	sadd.s32 $0x80, s0;
	v12 =	vld [tilespmem:s26+$0xFFFFFFE0];
	[tilespmem:s30+$0xFFFFFFC0] =	vst v7;
	v7 =	vadd.f32 v10, v14  }
0x1b4: {  	v10 =	vld [tilespmem:s0+$0x30];
	[tilespmem:s30+$0xFFFFFFE0] =	vst v8;
	v8 =	vadd.f32 v13, v16  }
0x1b5: {  	v13 =	vld [tilespmem:s26+$0xFFFFFFF0];
	[tilespmem:s30+$0xFFFFFFF0] =	vst v9;
	v9 =	vadd.f32 v15, v17  }
0x1b6: {  	v14 =	vld [tilespmem:s26+$0x0];
	v15 =	vand.u32 $0x7FFFFFFF, v20;
	[tilespmem:s30+$0x0] =	vst v7  }
0x1b7: {  	v7 =	vand.u32 $0x7FFFFFFF, v11;
	v16 =	vld [tilespmem:s26+$0x10];
	vm0 =	vlt.s32 v15, v6;
	[tilespmem:s30+$0x10] =	vst v8  }
0x1b8: {  	vm1 =	vlt.s32 v7, v6;
	v7 =	vand.u32 $0x7FFFFFFF, v12;
	v15 =	vld [tilespmem:s26+$0x20];
	v8 =	vsel vm0, $0x0, v5;
	[tilespmem:s30+$0x20] =	vst v9  }
0x1b9: {  	v17 =	vld [tilespmem:s26+$0xFFFFFFC0];
	v18 =	vsel vm1, $0x0, v5;
	vm0 =	vlt.s32 v7, v6;
	v9 =	vadd.f32 v8, v10  }
0x1ba: {  	s30 =	sadd.s32 $0x80, s30;
	v7 =	vld [tilespmem:s0+$0xFFFFFFC0];
	v8 =	vsel vm0, $0x0, v5;
	v10 =	vand.u32 $0x7FFFFFFF, v13  }
0x1bb: {  	v20 =	vld [tilespmem:s0+$0xFFFFFFD0];
	vm0 =	vlt.s32 v10, v6;
	v10 =	vand.u32 $0x7FFFFFFF, v14;
	[tilespmem:s30+$0x30] =	vst v9  }
.Ltmp16:
0x1bc: {  	v11 =	vld [tilespmem:s0+$0xFFFFFFE0];
	v9 =	vsel vm0, $0x0, v5;
	vm0 =	vlt.s32 v10, v6;
	v13 =	vand.u32 $0x7FFFFFFF, v16;
	(pc) =	sbr.rel @p1 .LBB2_28-.Ltmp16, $4  }
0x1bd: {  	v12 =	vld [tilespmem:s0+$0xFFFFFFF0];
	v10 =	vsel vm0, $0x0, v5;
	vm0 =	vlt.s32 v13, v6;
	v15 =	vand.u32 $0x7FFFFFFF, v15  }
0x1be: {  	v16 =	vand.u32 $0x7FFFFFFF, v17;
	v14 =	vld [tilespmem:s0+$0x0];
	v13 =	vsel vm0, $0x0, v5;
	vm0 =	vlt.s32 v15, v6  }
0x1bf: {  	vm1 =	vlt.s32 v16, v6;
	v16 =	vld [tilespmem:s0+$0x10];
	v15 =	vsel vm0, $0x0, v5  }
0x1c0: {  	s26 =	sadd.s32 $0x80, s26;
	v19 =	vsel vm1, $0x0, v5;
	v18 =	vadd.f32 v18, v20;
	v17 =	vld [tilespmem:s0+$0x20]  }
0x1c1: {  	v7 =	vadd.f32 v19, v7  }
0x1c2: {  	v8 =	vadd.f32 v8, v11;
	s16 =	ssub.s32 s1, s31;
	[tilespmem:s30+$0xFFFFFFD0] =	vst v18  }
0x1c3: {  	v9 =	vadd.f32 v9, v12;
	p1 =	slt.s32 s16, $0x1;
	[tilespmem:s30+$0xFFFFFFC0] =	vst v7  }
.Ltmp17:
0x1c4: {  	v7 =	vadd.f32 v10, v14;
	[tilespmem:s30+$0xFFFFFFE0] =	vst v8;
	(pc) =	sbr.rel @p1 .LBB2_33-.Ltmp17, $4  }
0x1c5: {  	v8 =	vadd.f32 v13, v16;
	[tilespmem:s30+$0xFFFFFFF0] =	vst v9  }
0x1c6: {  	v63 =	vadd.f32 v15, v17;
	[tilespmem:s30+$0x0] =	vst v7  }
0x1c7: {  	[tilespmem:s30+$0x10] =	vst v8  }
0x1c8: {  	[tilespmem:s30+$0x20] =	vst v63  }
0x1c9: {  	s2 =	simm.s32 $0x1FF0  }
0x1ca: {  	v7 =	vld [tilespmem:s2+$0x0];
	_ =	sdelay $0x4  }
0x1cb: {  	v7 =	vand.u32 $0x7FFFFFFF, v7  }
0x1cc: {  	vm0 =	veq.s32 v7, v6  }
0x1cd: {  	s30 =	simm.s32 $0x1FE0;
	v7 =	vsel vm0, $0x1, v4  }
0x1ce: {  	v8 =	vld [tilespmem:s30+$0x0];
	(xrf0) =	vadd.scan.msk.s32 $0xffff, v7;
	v7 =	vperm.xlane v7, v2;
	_ =	sdelay $0x1  }
0x1cf: {  	(xrf0) =	vadd.scan.msk.s32 $0xffff, v7;
	_ =	sdelay $0x2  }
0x1d0: {  	v8 =	vand.u32 $0x7FFFFFFF, v8  }
0x1d1: {  	s1 =	simm.s32 $0x1FD0;
	vm1 =	veq.s32 v8, v6;
	v9, _, _ =	vpop (xrf0)  }
0x1d2: {  	v8 =	vsel vm1, $0x1, v4;
	v7 =	vld [tilespmem:s1+$0x0];
	(v2sf) =	vpush v9, $0xF  }
0x1d3: {  	(xrf0) =	vadd.scan.msk.s32 $0xffff, v8;
	v9, _, _ =	vpop (xrf0)  }
0x1d4: {  	v9 =	vperm.xlane v9, v2  }
0x1d5: {  	s25 =	simm.s32 $0x0  }
0x1d6: {  	v9 =	vadd.s32 s25, v9  }
0x1d7: {  	v7 =	vand.u32 $0x7FFFFFFF, v7  }
0x1d8: {  	v8 =	vperm.xlane v8, v2;
	vm3 =	veq.s32 v7, v6;
	v7 =	vmov s16  }
0x1d9: {  	vm2 =	vle.s32 v9, v7;
	v9, _, _ =	vpop (xrf0)  }
0x1da: {  	s0 =	simm.s32 $0x1FC0;
	(xrf0) =	vadd.scan.msk.s32 $0xffff, v8;
	v8 =	vld [tilespmem:s2+$0xC000];
	v10 =	vsel vm3, $0x1, v4;
	(v2sf) =	vpush v9, $0xF  }
0x1db: {  	v11 =	vld [tilespmem:s0+$0x0];
	vm0 =	vmmov vm0;
	(xrf0) =	vadd.scan.msk.s32 $0xffff, v10  }
0x1dc: {  	vm0 =	vmmov vm0  }
0x1dd: {  	vm0 =	vmand vm0, vm2  }
0x1de: {  	v12 =	vnsel vm0, $0x0, v5  }
0x1df: {  	vm0 =	vmmov vm1;
	v12 =	vsub.f32 v8, v12  }
0x1e0: {  	vm2 =	vmmov vm0;
	v8 =	vand.u32 $0x7FFFFFFF, v11;
	v11, _, _ =	vpop (xrf0);
	v9 =	vperm.xlane v10, v2  }
0x1e1: {  	s17 =	simm.s32 $0x7EC0;
	s16 =	simm.s32 $0x7E80;
	vm0 =	vmmov vm3;
	vm1 =	veq.s32 v8, v6;
	v10, _, _ =	vpop (xrf0);
	v8 =	vperm.xlane v11, v2;
	[tilespmem:s2+$0xC000] =	vst v12;
	s24 =	spop (v2sf)  }
.LBB2_31:
0x1e2: {  	p1 =	sne.s32 s16, $0x0;
	s2 =	sshra.s32 s17, $0x2;
	v11 =	vsel vm1, $0x1, v4;
	(xrf0) =	vadd.scan.msk.s32 $0xffff, v9;
	(v2sf) =	vpush v10, $0xF;
	v9 =	vld [tilespmem:s30+$0xC000];
	s25 =	sadd.s32 s25, s24  }
0x1e3: {  	s11 =	smov.u32 s1;
	s1 =	smov.u32 s0;
	v10 =	vld [tilespmem:s2+$0x0];
	(xrf0) =	vadd.scan.msk.s32 $0xffff, v11;
	v8 =	vadd.s32 s25, v8;
	s0 =	smov.u32 s2  }
0x1e4: {  	s17 =	smov.u32 s16;
	vm3 =	vle.s32 v8, v7  }
.Ltmp18:
0x1e5: {  	vm3 =	vmand vm2, vm3;
	vm2 =	vmmov vm0;
	vm0 =	vmmov vm1;
	(pc) =	sbr.rel @p1 .LBB2_31-.Ltmp18, $4  }
0x1e6: {  	v8 =	vnsel vm3, $0x0, v5  }
0x1e7: {  	v12 =	vsub.f32 v9, v8  }
0x1e8: {  	v9 =	vperm.xlane v11, v2;
	v8 =	vand.u32 $0x7FFFFFFF, v10;
	v11, _, _ =	vpop (xrf0)  }
0x1e9: {  	s16 =	sadd.s32 $0xFFFFFFC0, s16;
	vm1 =	veq.s32 v8, v6;
	v10, _, _ =	vpop (xrf0);
	v8 =	vperm.xlane v11, v2;
	[tilespmem:s30+$0xC000] =	vst v12;
	s24 =	spop (v2sf);
	s30 =	smov.u32 s11  }
0x1ea: {  	s26 =	sshra.s32 s17, $0x2;
	v11 =	vsel vm1, $0x1, v4;
	(xrf0) =	vadd.scan.msk.s32 $0xffff, v9;
	(v2sf) =	vpush v10, $0xF;
	v50 =	vld [tilespmem:s30+$0xC000];
	s2 =	sadd.s32 s25, s24  }
0x1eb: {  	v51 =	vld [tilespmem:s26+$0x0];
	(xrf0) =	vadd.scan.msk.s32 $0xffff, v11;
	v8 =	vadd.s32 s2, v8  }
0x1ec: {  	vm3 =	vle.s32 v8, v7  }
0x1ed: {  	vm2 =	vmand vm2, vm3  }
0x1ee: {  	v52 =	vnsel vm2, $0x0, v5  }
0x1ef: {  	v8 =	vsub.f32 v50, v52  }
0x1f0: {  	v54 =	vperm.xlane v11, v2;
	v53 =	vand.u32 $0x7FFFFFFF, v51;
	v55, _, _ =	vpop (xrf0)  }
0x1f1: {  	vm10 =	veq.s32 v53, v6;
	v6, _, _ =	vpop (xrf0);
	v56 =	vperm.xlane v55, v2;
	[tilespmem:s30+$0xC000] =	vst v8;
	s11 =	spop (v2sf)  }
0x1f2: {  	(xrf0) =	vadd.scan.msk.s32 $0xffff, v54;
	v57 =	vsel vm10, $0x1, v4;
	(v2sf) =	vpush v6, $0xF;
	v6 =	vld [tilespmem:s1+$0xC000];
	s2 =	sadd.s32 s2, s11  }
0x1f3: {  	(xrf0) =	vadd.scan.msk.s32 $0xffff, v57;
	v9 =	vadd.s32 s2, v56  }
0x1f4: {  	vm0 =	vmmov vm0;
	vm11 =	vle.s32 v9, v7  }
0x1f5: {  	vm0 =	vmand vm0, vm11  }
0x1f6: {  	v58 =	vnsel vm0, $0x0, v5  }
0x1f7: {  	v6 =	vsub.f32 v6, v58  }
0x1f8: {  	v8 =	vperm.xlane v57, v2;
	v59, _, _ =	vpop (xrf0)  }
0x1f9: {  	v9 =	vperm.xlane v59, v2;
	v60, _, _ =	vpop (xrf0);
	[tilespmem:s1+$0xC000] =	vst v6;
	s25 =	spop (v2sf)  }
0x1fa: {  	(xrf0) =	vadd.scan.msk.s32 $0xffff, v8;
	(v2sf) =	vpush v60, $0xF;
	v6 =	vld [tilespmem:s0+$0xC000];
	s1 =	sadd.s32 s2, s25  }
0x1fb: {  	vm12 =	vmmov vm1;
	v61 =	vadd.s32 s1, v9  }
0x1fc: {  	vm0 =	vmmov vm12;
	vm13 =	vle.s32 v61, v7  }
0x1fd: {  	vm0 =	vmand vm0, vm13  }
0x1fe: {  	v62 =	vnsel vm0, $0x0, v5  }
0x1ff: {  	v6 =	vsub.f32 v6, v62  }
0x200: {  	v63, _, _ =	vpop (xrf0)  }
0x201: {  	v8 =	vperm.xlane v63, v2;
	[tilespmem:s0+$0xC000] =	vst v6;
	s30 =	spop (v2sf)  }
0x202: {  	v6 =	vld [tilespmem:s26+$0xC000];
	s0 =	sadd.s32 s1, s30  }
0x203: {  	vm14 =	vmmov vm10;
	v8 =	vadd.s32 s0, v8  }
0x204: {  	vm0 =	vmmov vm14;
	vm15 =	vle.s32 v8, v7  }
0x205: {  	vm0 =	vmand vm0, vm15  }
0x206: {  	v7 =	vnsel vm0, $0x0, v5  }
0x207: {  	v6 =	vsub.f32 v6, v7;
	_ =	sdelay $0x1  }
0x208: {  	[tilespmem:s26+$0xC000] =	vst v6;
	s31 =	spop (v2sf)  }
.LBB2_33:
.Ltmp19:
0x209: {  	(pc) =	sbr.rel @p0 .LBB2_99-.Ltmp19, $3  }
0x20a: {  	_ =	sdelay $0x1  }
0x20b: {  	s0 =	simm.s32 $0xC000  }
0x20c: {  	[hbm4b:s10+s14] =	stream.strided.scatter [tilespmem:s0], [sflag:$0x3], $0x2000, s15, s14, $0x38;
	[tilespmem:$0x14580] =	vst v63  }
0x20d: {  	_ =	swait.ge [sflag:s19], $0x2000  }
0x20e: {  	[sflag:s19] =	ssyncset.done $0x0  }
0x20f: {  	[sflag:s19] =	ssyncadd.s32 $0xFFFFE000  }
0x210: {  	_ =	swait.ge [sflag:s20], $0x2000  }
0x211: {  	[sflag:s20] =	ssyncset.done $0x0  }
0x212: {  	s1 =	simm.s32 $0x12040;
	v6 =	vimm.s32 $0x0;
	[sflag:s20] =	ssyncadd.s32 $0xFFFFE000  }
0x213: {  	[tilespmem:s1+$0x30] =	vst v6  }
0x214: {  	[tilespmem:s1+$0xFFFFFFC0] =	vst v6  }
0x215: {  	[tilespmem:s1+$0xFFFFFFD0] =	vst v6  }
0x216: {  	[tilespmem:s1+$0xFFFFFFE0] =	vst v6  }
0x217: {  	[tilespmem:s1+$0xFFFFFFF0] =	vst v6  }
0x218: {  	[tilespmem:s1+$0x0] =	vst v6  }
0x219: {  	s16 =	simm.s32 $0x0;
	s0 =	simm.s32 $0x2040;
	[tilespmem:s1+$0x10] =	vst v6  }
.LBB2_35:
0x21a: {  	s16 =	sadd.s32 $0x8, s16;
	[tilespmem:s1+$0x20] =	vst v6;
	s1 =	sadd.s32 $0x80, s1  }
0x21b: {  	[tilespmem:s1+$0x30] =	vst v6;
	p1 =	slt.u32 s16, $0x1F8  }
0x21c: {  	[tilespmem:s1+$0xFFFFFFC0] =	vst v6  }
.Ltmp20:
0x21d: {  	[tilespmem:s1+$0xFFFFFFD0] =	vst v6;
	(pc) =	sbr.rel @p1 .LBB2_35-.Ltmp20, $4  }
0x21e: {  	[tilespmem:s1+$0xFFFFFFE0] =	vst v6  }
0x21f: {  	[tilespmem:s1+$0xFFFFFFF0] =	vst v6  }
0x220: {  	[tilespmem:s1+$0x0] =	vst v6  }
0x221: {  	[tilespmem:s1+$0x10] =	vst v6  }
0x222: {  	[tilespmem:s1+$0x20] =	vst v6  }
0x223: {  	v7 =	vld [tilespmem:s0+$0xFFFFFFC0];
	_ =	sdelay $0x1  }
0x224: {  	v8 =	vld [tilespmem:s0+$0xFFFFFFD0]  }
0x225: {  	v9 =	vld [tilespmem:s0+$0xFFFFFFE0]  }
0x226: {  	v10 =	vld [tilespmem:s0+$0xFFFFFFF0]  }
0x227: {  	v11 =	vld [tilespmem:s0+$0x0];
	v7 =	vshrl.u32 v7, $0x12  }
0x228: {  	v12 =	vld [tilespmem:s0+$0x10];
	v7 =	vand.u32 $0x1FFF, v7  }
0x229: {  	v13 =	vld [tilespmem:s0+$0x20];
	v8 =	vshrl.u32 v8, $0x12;
	vm0 =	vgt.s32 v6, v7  }
0x22a: {  	v14 =	vld [tilespmem:s0+$0x30];
	v9 =	vshrl.u32 v9, $0x12;
	v8 =	vand.u32 $0x1FFF, v8;
	v6 =	vsel vm0, v6, v7  }
0x22b: {  	v15 =	vand.u32 $0x1FFF, v9;
	v9 =	vshrl.u32 v10, $0x12;
	v6 =	vmax.u32 v6, v8  }
0x22c: {  	v10 =	vand.u32 $0x1FFF, v9;
	v9 =	vshrl.u32 v11, $0x12;
	v6 =	vmax.u32 v6, v15  }
0x22d: {  	v11 =	vshrl.u32 v12, $0x12;
	v9 =	vand.u32 $0x1FFF, v9;
	v6 =	vmax.u32 v6, v10  }
0x22e: {  	[tilespmem:v7+s21+$0x0] =	vst.idx.add.s32.msk $0xffff, v1;
	v7 =	vmax.u32 v6, v9;
	v6 =	vand.u32 $0x1FFF, v11;
	v11 =	vshrl.u32 v13, $0x12  }
0x22f: {  	[tilespmem:v8+s21+$0x0] =	vst.idx.add.s32.msk $0xffff, v1;
	v7 =	vmax.u32 v7, v6;
	v8 =	vand.u32 $0x1FFF, v11;
	v11 =	vshrl.u32 v14, $0x12  }
0x230: {  	[tilespmem:v15+s21+$0x0] =	vst.idx.add.s32.msk $0xffff, v1;
	v63 =	vmax.u32 v7, v8;
	v7 =	vand.u32 $0x1FFF, v11  }
0x231: {  	s1 =	simm.s32 $0x20C0;
	s0 =	simm.s32 $0x0;
	[tilespmem:v10+s21+$0x0] =	vst.idx.add.s32.msk $0xffff, v1;
	v10 =	vmax.u32 v63, v7  }
.LBB2_37:
0x232: {  	v11 =	vld [tilespmem:s1+$0xFFFFFFC0];
	s0 =	sadd.s32 $0x8, s0  }
0x233: {  	p1 =	slt.u32 s0, $0x1F8;
	[tilespmem:v9+s21+$0x0] =	vst.idx.add.s32.msk $0xffff, v1  }
0x234: {  	v9 =	vld [tilespmem:s1+$0xFFFFFFD0]  }
0x235: {  	v12 =	vld [tilespmem:s1+$0xFFFFFFE0]  }
0x236: {  	v13 =	vld [tilespmem:s1+$0xFFFFFFF0]  }
0x237: {  	v11 =	vshrl.u32 v11, $0x12;
	v14 =	vld [tilespmem:s1+$0x0]  }
0x238: {  	v11 =	vand.u32 $0x1FFF, v11;
	v15 =	vld [tilespmem:s1+$0x10]  }
0x239: {  	vm0 =	vgt.s32 v10, v11;
	v9 =	vshrl.u32 v9, $0x12;
	v16 =	vld [tilespmem:s1+$0x20]  }
0x23a: {  	v10 =	vsel vm0, v10, v11;
	v17 =	vand.u32 $0x1FFF, v9;
	v9 =	vshrl.u32 v12, $0x12;
	v12 =	vld [tilespmem:s1+$0x30]  }
0x23b: {  	v10 =	vmax.u32 v10, v17;
	v18 =	vand.u32 $0x1FFF, v9;
	v9 =	vshrl.u32 v13, $0x12;
	[tilespmem:v6+s21+$0x0] =	vst.idx.add.s32.msk $0xffff, v1  }
0x23c: {  	v6 =	vmax.u32 v10, v18;
	v10 =	vand.u32 $0x1FFF, v9;
	v9 =	vshrl.u32 v14, $0x12;
	[tilespmem:v8+s21+$0x0] =	vst.idx.add.s32.msk $0xffff, v1  }
.Ltmp21:
0x23d: {  	[tilespmem:v11+s21+$0x0] =	vst.idx.add.s32.msk $0xffff, v1;
	v6 =	vmax.u32 v6, v10;
	v9 =	vand.u32 $0x1FFF, v9;
	v8 =	vshrl.u32 v15, $0x12;
	(pc) =	sbr.rel @p1 .LBB2_37-.Ltmp21, $4  }
0x23e: {  	v11 =	vmax.u32 v6, v9;
	v6 =	vand.u32 $0x1FFF, v8;
	v8 =	vshrl.u32 v16, $0x12;
	[tilespmem:v7+s21+$0x0] =	vst.idx.add.s32.msk $0xffff, v1  }
0x23f: {  	[tilespmem:v17+s21+$0x0] =	vst.idx.add.s32.msk $0xffff, v1;
	v7 =	vmax.u32 v11, v6;
	v8 =	vand.u32 $0x1FFF, v8;
	v11 =	vshrl.u32 v12, $0x12  }
0x240: {  	[tilespmem:v18+s21+$0x0] =	vst.idx.add.s32.msk $0xffff, v1;
	v12 =	vmax.u32 v7, v8;
	v7 =	vand.u32 $0x1FFF, v11  }
0x241: {  	s1 =	sadd.s32 $0x80, s1;
	[tilespmem:v10+s21+$0x0] =	vst.idx.add.s32.msk $0xffff, v1;
	v10 =	vmax.u32 v12, v7  }
0x242: {  	v10 =	vxor.u32 $0x80000000, v10  }
0x243: {  	(xrf0) =	vmax.scan.msk.u32 $0xffff, v10;
	_ =	sdelay $0x5  }
0x244: {  	v10, _, _ =	vpop (xrf0)  }
0x245: {  	(v2sf) =	vpush v10, $0xF;
	_ =	sdelay $0xe  }
0x246: {  	s0 =	spop (v2sf)  }
0x247: {  	s0 =	sshra.s32 s0, $0x4  }
0x248: {  	p1 =	sgt.s32 s0, $0xFFFFFFFF  }
.Ltmp22:
0x249: {  	_ = 	snop;
	(pc) =	sbr.rel @!p1 .LBB2_54-.Ltmp22, $4  }
0x24a: {  	[tilespmem:v9+s21+$0x0] =	vst.idx.add.s32.msk $0xffff, v1  }
0x24b: {  	[tilespmem:v6+s21+$0x0] =	vst.idx.add.s32.msk $0xffff, v1  }
0x24c: {  	[tilespmem:v8+s21+$0x0] =	vst.idx.add.s32.msk $0xffff, v1  }
0x24d: {  	[tilespmem:v7+s21+$0x0] =	vst.idx.add.s32.msk $0xffff, v1  }
.Ltmp23:
0x24e: {  	(pc) =	sbr.rel .LBB2_40-.Ltmp23, $2  }
0x24f: {  	_ =	sdelay $0x2  }
0x250: {  	s31 =	simm.s32 $0x0;
	s30 =	simm.s32 $0xFFFFFFFF  }
.LBB2_54:
0x251: {  	s1 =	sxor.u32 $0xF8000000, s0  }
0x252: {  	s26 =	sshll.u32 s0, $0x6;
	s30 =	simm.s32 $0xFFFFFFFF;
	s31 =	simm.s32 $0x0  }
0x253: {  	s17 =	simm.s32 $0x0;
	s2 =	sshll.u32 s1, $0x4;
	s11 =	sshra.s32 s26, $0x2  }
0x254: {  	s0 =	ssub.s32 $0x0, s1;
	s1 =	sadd.s32 $0x8000000F, s2;
	s16 =	sadd.s32 $0x12000, s11  }
.LBB2_55:
0x255: {  	v6 =	vld [tilespmem:s16+$0x0];
	_ =	sdelay $0x4  }
0x256: {  	v7 =	vperm.xlane v6, v2;
	_ =	sdelay $0x1  }
0x257: {  	(xrf0) =	vadd.scan.msk.s32 $0xffff, v7;
	_ =	sdelay $0x5  }
0x258: {  	v8, _, _ =	vpop (xrf0)  }
0x259: {  	v9 =	vadd.s32 s17, v8  }
0x25a: {  	vm0 =	vgt.s32 v9, $0x1F3  }
0x25b: {  	v9 =	vnsel vm0, $0x80000010, v3  }
0x25c: {  	(xrf0) =	vmin.scan.msk.u32 $0xffff, v9;
	_ =	sdelay $0x5  }
0x25d: {  	v9, _, _ =	vpop (xrf0)  }
0x25e: {  	(v2sf) =	vpush v9, $0xF;
	_ =	sdelay $0xe  }
0x25f: {  	s2 =	spop (v2sf)  }
0x260: {  	s11 =	sxor.u32 $0x80000000, s2  }
0x261: {  	v63 =	vmov s11  }
0x262: {  	vm15 =	veq.s32 v63, v0  }
0x263: {  	v8 =	vnsel vm15, $0x0, v8  }
0x264: {  	v7 =	vnsel vm15, $0x0, v7;
	(xrf0) =	vadd.scan.msk.s32 $0xffff, v8  }
0x265: {  	(xrf0) =	vadd.scan.msk.s32 $0xffff, v7;
	_ =	sdelay $0x4  }
0x266: {  	(xrf0) =	vadd.scan.msk.s32 $0xffff, v6;
	v6, _, _ =	vpop (xrf0)  }
0x267: {  	v7, _, _ =	vpop (xrf0);
	(v2sf) =	vpush v6, $0xF  }
0x268: {  	(v2sf) =	vpush v7, $0xF;
	_ =	sdelay $0x5  }
0x269: {  	v6, _, _ =	vpop (xrf0)  }
0x26a: {  	(v2sf) =	vpush v6, $0xF;
	_ =	sdelay $0x6  }
0x26b: {  	s2 =	ssub.s32 s1, s2;
	s12 =	spop (v2sf)  }
0x26c: {  	p2 =	slt.s32 s11, $0x10;
	s24 =	spop (v2sf);
	s12 =	sadd.s32 s12, s17  }
0x26d: {  	p1 =	seq.s32 s0, $0x0;
	s30 =	smov.u32 @p2 s2;
	s25 =	ssub.s32 s24, s12  }
0x26e: {  	p3 =	slt.s32 @!p1 s30, $0x0;
	s2 =	sadd.s32 $0x1F4, s25  }
0x26f: {  	s31 =	smov.u32 @p2 s2;
	p2 =	por p1, !p3  }
.Ltmp24:
0x270: {  	_ = 	snop;
	(pc) =	sbr.rel @!p2 .LBB2_55-.Ltmp24, $3  }
0x271: {  	_ =	sdelay $0x1  }
0x272: {  	s0 =	sadd.s32 $0x1, s0;
	s26 =	spop (v2sf)  }
0x273: {  	s16 =	sadd.s32 $0xFFFFFFF0, s16;
	s1 =	sadd.s32 $0xFFFFFFF0, s1;
	s17 =	sadd.s32 s17, s26  }
0x274: {  	s30 =	smov.u32 @p1 s30;
	s31 =	smov.u32 @p1 s31  }
.LBB2_40:
0x275: {  	s0 =	simm.s32 $0x14040  }
0x276: {  	[tilespmem:s0+$0xFFFFFFC0] =	vst v4  }
0x277: {  	[tilespmem:s0+$0x30] =	vst v4  }
0x278: {  	[tilespmem:s0+$0x20] =	vst v4  }
0x279: {  	[tilespmem:s0+$0x10] =	vst v4  }
0x27a: {  	[tilespmem:s0+$0x0] =	vst v4  }
0x27b: {  	[tilespmem:s0+$0xFFFFFFF0] =	vst v4  }
0x27c: {  	s1 =	simm.s32 $0x0;
	[tilespmem:s0+$0xFFFFFFE0] =	vst v4  }
.LBB2_41:
0x27d: {  	s1 =	sadd.s32 $0x8, s1;
	[tilespmem:s0+$0xFFFFFFD0] =	vst v4;
	s0 =	sadd.s32 $0x80, s0  }
0x27e: {  	[tilespmem:s0+$0xFFFFFFC0] =	vst v4;
	p1 =	slt.u32 s1, $0x38  }
0x27f: {  	[tilespmem:s0+$0x30] =	vst v4  }
.Ltmp25:
0x280: {  	[tilespmem:s0+$0x20] =	vst v4;
	(pc) =	sbr.rel @p1 .LBB2_41-.Ltmp25, $4  }
0x281: {  	[tilespmem:s0+$0x10] =	vst v4  }
0x282: {  	[tilespmem:s0+$0x0] =	vst v4  }
0x283: {  	[tilespmem:s0+$0xFFFFFFF0] =	vst v4  }
0x284: {  	[tilespmem:s0+$0xFFFFFFE0] =	vst v4  }
0x285: {  	[tilespmem:s0+$0xFFFFFFD0] =	vst v4;
	s26 =	simm.s32 $0x2040  }
0x286: {  	v10 =	vld [tilespmem:s26+$0x20]  }
0x287: {  	v8 =	vld [tilespmem:s26+$0x30]  }
0x288: {  	v12 =	vld [tilespmem:s26+$0xFFFFFFC0]  }
0x289: {  	v13 =	vld [tilespmem:s26+$0xFFFFFFF0]  }
0x28a: {  	v15 =	vld [tilespmem:s26+$0xFFFFFFE0]  }
0x28b: {  	v14 =	vld [tilespmem:s26+$0xFFFFFFD0]  }
0x28c: {  	v6 =	vmov s30;
	v11 =	vimm.s32 $0x0  }
0x28d: {  	v9 =	vshrl.u32 v10, $0x8;
	v16 =	vshrl.u32 v12, $0x8;
	v7 =	vshrl.u32 v8, $0x8  }
0x28e: {  	v12 =	vshrl.u32 v12, $0x12;
	v17 =	vshrl.u32 v13, $0x8;
	v16 =	vand.u32 $0x3FF, v16  }
0x28f: {  	v18 =	vshrl.u32 v15, $0x12;
	v12 =	vand.u32 $0x1FFF, v12;
	vm0 =	vgt.s32 v11, v16  }
0x290: {  	v19 =	vshrl.u32 v14, $0x8;
	vm2 =	veq.s32 v12, v6;
	v12 =	vsel vm0, v11, v16  }
0x291: {  	v19 =	vand.u32 $0x3FF, v19;
	v11 =	vsel vm2, v12, v11;
	v12 =	vshrl.u32 v14, $0x12  }
0x292: {  	v20 =	vld [tilespmem:s26+$0x0];
	v13 =	vshrl.u32 v13, $0x12;
	v12 =	vand.u32 $0x1FFF, v12;
	vm0 =	vgt.s32 v11, v19  }
0x293: {  	v15 =	vshrl.u32 v15, $0x8;
	v14 =	vld [tilespmem:s26+$0x10];
	vm3 =	veq.s32 v12, v6;
	v12 =	vsel vm0, v11, v19  }
0x294: {  	v13 =	vand.u32 $0x1FFF, v13;
	v21 =	vsel vm3, v12, v11;
	v12 =	vand.u32 $0x3FF, v15  }
0x295: {  	v11 =	vand.u32 $0x3FF, v17;
	v15 =	vand.u32 $0x1FFF, v18;
	vm0 =	vgt.s32 v21, v12  }
0x296: {  	vm1 =	veq.s32 v15, v6;
	v15 =	vsel vm0, v21, v12;
	vm0 =	veq.s32 v13, v6  }
0x297: {  	v18 =	vshrl.u32 v20, $0x12;
	v13 =	vsel vm1, v15, v21;
	v17 =	vnsel vm0, $0x0, v11  }
0x298: {  	v20 =	vshrl.u32 v20, $0x8;
	[tilespmem:v16+s22+$0x0] =	vst.idx.add.s32.msk vm2, v1;
	v15 =	vshrl.u32 v14, $0x8;
	vm2 =	vgt.s32 v13, v17  }
0x299: {  	s0 =	simm.s32 $0x0;
	s1 =	simm.s32 $0x20C0;
	[tilespmem:v19+s22+$0x0] =	vst.idx.add.s32.msk vm3, v1;
	v16 =	vsel vm2, v13, v17;
	v17 =	vand.u32 $0x1FFF, v18;
	v13 =	vand.u32 $0x3FF, v20  }
.LBB2_43:
0x29a: {  	v18 =	vld [tilespmem:s1+$0x20];
	vm2 =	veq.s32 v17, v6;
	v17 =	vmax.u32 v16, v13;
	v14 =	vshrl.u32 v14, $0x12  }
0x29b: {  	v15 =	vand.u32 $0x3FF, v15;
	v19 =	vld [tilespmem:s1+$0x30];
	v16 =	vsel vm2, v17, v16;
	v14 =	vand.u32 $0x1FFF, v14  }
0x29c: {  	s0 =	sadd.s32 $0x8, s0;
	v10 =	vshrl.u32 v10, $0x12;
	v17 =	vld [tilespmem:s1+$0xFFFFFFC0];
	vm3 =	veq.s32 v14, v6;
	v14 =	vmax.u32 v16, v15  }
0x29d: {  	p1 =	slt.u32 s0, $0x1F8;
	v24 =	vand.u32 $0x1FFF, v10;
	v20 =	vld [tilespmem:s1+$0xFFFFFFF0];
	v14 =	vsel vm3, v14, v16;
	v16 =	vand.u32 $0x3FF, v9  }
0x29e: {  	v8 =	vshrl.u32 v8, $0x12;
	vm4 =	veq.s32 v24, v6;
	v21 =	vld [tilespmem:s1+$0xFFFFFFE0];
	v9 =	vmax.u32 v14, v16  }
0x29f: {  	v23 =	vand.u32 $0x3FF, v7;
	v24 =	vand.u32 $0x1FFF, v8;
	v22 =	vld [tilespmem:s1+$0xFFFFFFD0];
	v14 =	vsel vm4, v9, v14;
	v10 =	vmovc v18  }
0x2a0: {  	v9 =	vshrl.u32 v10, $0x8;
	[tilespmem:v12+s22+$0x0] =	vst.idx.add.s32.msk vm1, v1;
	vm1 =	veq.s32 v24, v6;
	v18 =	vmax.u32 v14, v23  }
0x2a1: {  	v7 =	vshrl.u32 v19, $0x8;
	v8 =	vmovc v19;
	v12 =	vshrl.u32 v17, $0x8;
	[tilespmem:v11+s22+$0x0] =	vst.idx.add.s32.msk vm0, v1;
	v11 =	vsel vm1, v18, v14  }
0x2a2: {  	v14 =	vshrl.u32 v17, $0x12;
	v17 =	vand.u32 $0x3FF, v12;
	v18 =	vshrl.u32 v20, $0x8;
	[tilespmem:v13+s22+$0x0] =	vst.idx.add.s32.msk vm2, v1  }
0x2a3: {  	v12 =	vand.u32 $0x1FFF, v14;
	vm0 =	vgt.s32 v11, v17;
	v13 =	vshrl.u32 v21, $0x12;
	[tilespmem:v15+s22+$0x0] =	vst.idx.add.s32.msk vm3, v1  }
0x2a4: {  	vm2 =	veq.s32 v12, v6;
	v12 =	vsel vm0, v11, v17;
	v14 =	vshrl.u32 v22, $0x8;
	[tilespmem:v16+s22+$0x0] =	vst.idx.add.s32.msk vm4, v1  }
0x2a5: {  	v11 =	vsel vm2, v12, v11;
	v12 =	vshrl.u32 v22, $0x12;
	v16 =	vand.u32 $0x3FF, v14  }
0x2a6: {  	v15 =	vshrl.u32 v20, $0x12;
	v12 =	vand.u32 $0x1FFF, v12;
	vm0 =	vgt.s32 v11, v16;
	v14 =	vld [tilespmem:s1+$0x10]  }
0x2a7: {  	v19 =	vshrl.u32 v21, $0x8;
	vm3 =	veq.s32 v12, v6;
	v12 =	vsel vm0, v11, v16;
	v20 =	vld [tilespmem:s1+$0x0]  }
0x2a8: {  	v21 =	vsel vm3, v12, v11;
	v12 =	vand.u32 $0x3FF, v19;
	v11 =	vand.u32 $0x3FF, v18;
	[tilespmem:v23+s22+$0x0] =	vst.idx.add.s32.msk vm1, v1  }
.Ltmp26:
0x2a9: {  	v13 =	vand.u32 $0x1FFF, v13;
	v15 =	vand.u32 $0x1FFF, v15;
	vm0 =	vgt.s32 v21, v12;
	(pc) =	sbr.rel @p1 .LBB2_43-.Ltmp26, $4  }
0x2aa: {  	vm1 =	veq.s32 v13, v6;
	v13 =	vsel vm0, v21, v12;
	vm0 =	veq.s32 v15, v6  }
0x2ab: {  	[tilespmem:v17+s22+$0x0] =	vst.idx.add.s32.msk vm2, v1;
	v13 =	vsel vm1, v13, v21;
	v17 =	vnsel vm0, $0x0, v11;
	v15 =	vshrl.u32 v14, $0x8  }
0x2ac: {  	vm2 =	vgt.s32 v13, v17;
	v18 =	vshrl.u32 v20, $0x12;
	v19 =	vshrl.u32 v20, $0x8  }
0x2ad: {  	s1 =	sadd.s32 $0x80, s1;
	[tilespmem:v16+s22+$0x0] =	vst.idx.add.s32.msk vm3, v1;
	v16 =	vsel vm2, v13, v17;
	v17 =	vand.u32 $0x1FFF, v18;
	v13 =	vand.u32 $0x3FF, v19  }
0x2ae: {  	vm2 =	veq.s32 v17, v6;
	v61 =	vmax.u32 v16, v13;
	v14 =	vshrl.u32 v14, $0x12  }
0x2af: {  	v15 =	vand.u32 $0x3FF, v15;
	v16 =	vsel vm2, v61, v16;
	v14 =	vand.u32 $0x1FFF, v14  }
0x2b0: {  	v10 =	vshrl.u32 v10, $0x12;
	vm3 =	veq.s32 v14, v6;
	v62 =	vmax.u32 v16, v15  }
0x2b1: {  	v9 =	vand.u32 $0x3FF, v9;
	v10 =	vand.u32 $0x1FFF, v10;
	v14 =	vsel vm3, v62, v16  }
0x2b2: {  	v8 =	vshrl.u32 v8, $0x12;
	vm4 =	veq.s32 v10, v6;
	v63 =	vmax.u32 v14, v9  }
0x2b3: {  	v7 =	vand.u32 $0x3FF, v7;
	v8 =	vand.u32 $0x1FFF, v8;
	v10 =	vsel vm4, v63, v14  }
0x2b4: {  	vm5 =	veq.s32 v8, v6;
	v6 =	vmax.u32 v10, v7  }
0x2b5: {  	v6 =	vsel vm5, v6, v10  }
0x2b6: {  	v6 =	vxor.u32 $0x80000000, v6  }
0x2b7: {  	(xrf0) =	vmax.scan.msk.u32 $0xffff, v6;
	_ =	sdelay $0x5  }
0x2b8: {  	v6, _, _ =	vpop (xrf0)  }
0x2b9: {  	(v2sf) =	vpush v6, $0xF;
	_ =	sdelay $0xe  }
0x2ba: {  	s0 =	spop (v2sf)  }
0x2bb: {  	s16 =	sshra.s32 s0, $0x4  }
0x2bc: {  	[tilespmem:v12+s22+$0x0] =	vst.idx.add.s32.msk vm1, v1;
	p1 =	sgt.s32 s16, $0xFFFFFFFF  }
.Ltmp27:
0x2bd: {  	[tilespmem:v11+s22+$0x0] =	vst.idx.add.s32.msk vm0, v1;
	(pc) =	sbr.rel @p1 .LBB2_48-.Ltmp27, $4  }
0x2be: {  	[tilespmem:v13+s22+$0x0] =	vst.idx.add.s32.msk vm2, v1  }
0x2bf: {  	[tilespmem:v15+s22+$0x0] =	vst.idx.add.s32.msk vm3, v1  }
0x2c0: {  	[tilespmem:v9+s22+$0x0] =	vst.idx.add.s32.msk vm4, v1  }
0x2c1: {  	s25 =	simm.s32 $0x0;
	s1 =	simm.s32 $0xFFFFFFFF;
	[tilespmem:v7+s22+$0x0] =	vst.idx.add.s32.msk vm5, v1;
	s0 =	simm.s32 $0x0  }
0x2c2: {  	s0 =	sxor.u32 $0xF8000000, s16  }
0x2c3: {  	s1 =	sshll.u32 s16, $0x6;
	s24 =	simm.s32 $0x0;
	s2 =	sshll.u32 s0, $0x4  }
0x2c4: {  	s1 =	sshra.s32 s1, $0x2;
	s16 =	ssub.s32 $0x0, s0;
	s0 =	simm.s32 $0x0  }
0x2c5: {  	v6 =	vmov s31;
	s17 =	sadd.s32 $0x8000000F, s2;
	s26 =	sadd.s32 $0x14000, s1;
	s1 =	simm.s32 $0xFFFFFFFF  }
.LBB2_46:
0x2c6: {  	v7 =	vld [tilespmem:s26+$0x0];
	_ =	sdelay $0x4  }
0x2c7: {  	v8 =	vperm.xlane v7, v2;
	_ =	sdelay $0x1  }
0x2c8: {  	(xrf0) =	vadd.scan.msk.s32 $0xffff, v8;
	_ =	sdelay $0x5  }
0x2c9: {  	v9, _, _ =	vpop (xrf0)  }
0x2ca: {  	v10 =	vadd.s32 s24, v9  }
0x2cb: {  	vm0 =	vlt.s32 v10, v6  }
0x2cc: {  	v10 =	vsel vm0, $0x80000010, v3  }
0x2cd: {  	(xrf0) =	vmin.scan.msk.u32 $0xffff, v10;
	_ =	sdelay $0x5  }
0x2ce: {  	v10, _, _ =	vpop (xrf0)  }
0x2cf: {  	(v2sf) =	vpush v10, $0xF;
	_ =	sdelay $0xe  }
0x2d0: {  	s2 =	spop (v2sf)  }
0x2d1: {  	s11 =	sxor.u32 $0x80000000, s2  }
0x2d2: {  	v63 =	vmov s11  }
0x2d3: {  	vm15 =	veq.s32 v63, v0  }
0x2d4: {  	v9 =	vnsel vm15, $0x0, v9  }
0x2d5: {  	(xrf0) =	vadd.scan.msk.s32 $0xffff, v9  }
0x2d6: {  	v8 =	vnsel vm15, $0x0, v8  }
0x2d7: {  	(xrf0) =	vadd.scan.msk.s32 $0xffff, v8;
	_ =	sdelay $0x3  }
0x2d8: {  	(xrf0) =	vadd.scan.msk.s32 $0xffff, v7;
	v7, _, _ =	vpop (xrf0)  }
0x2d9: {  	(v2sf) =	vpush v7, $0xF  }
0x2da: {  	v8, _, _ =	vpop (xrf0)  }
0x2db: {  	(v2sf) =	vpush v8, $0xF;
	_ =	sdelay $0x4  }
0x2dc: {  	v7, _, _ =	vpop (xrf0)  }
0x2dd: {  	(v2sf) =	vpush v7, $0xF;
	_ =	sdelay $0x6  }
0x2de: {  	p1 =	seq.s32 s16, $0x0;
	s12 =	spop (v2sf)  }
0x2df: {  	s2 =	ssub.s32 s17, s2;
	p2 =	slt.s32 s11, $0x10;
	s12 =	sadd.s32 s12, s24  }
0x2e0: {  	s1 =	smov.u32 @p2 s2;
	s11 =	spop (v2sf);
	s12 =	ssub.s32 s31, s12  }
0x2e1: {  	p3 =	slt.s32 @!p1 s1, $0x0;
	s2 =	sadd.s32 s11, s12  }
0x2e2: {  	s0 =	smov.u32 @p2 s2;
	p2 =	por p1, !p3  }
.Ltmp28:
0x2e3: {  	_ = 	snop;
	(pc) =	sbr.rel @!p2 .LBB2_46-.Ltmp28, $3  }
0x2e4: {  	_ =	sdelay $0x1  }
0x2e5: {  	s16 =	sadd.s32 $0x1, s16;
	s12 =	spop (v2sf)  }
0x2e6: {  	s26 =	sadd.s32 $0xFFFFFFF0, s26;
	s17 =	sadd.s32 $0xFFFFFFF0, s17;
	s24 =	sadd.s32 s24, s12  }
0x2e7: {  	s1 =	smov.u32 @p1 s1;
	s0 =	smov.u32 @p1 s0  }
.LBB2_48:
0x2e8: {  	p1 =	por $0x1, $0x1  }
.LBB2_49:
0x2e9: {  	s2 =	sshra.s32 s25, $0x2  }
0x2ea: {  	[tilespmem:s2+$0x14400] =	vst v4  }
0x2eb: {  	[tilespmem:s2+$0x14410] =	vst v4  }
0x2ec: {  	p2 =	por p1, p1;
	[tilespmem:s2+$0x14420] =	vst v4  }
.Ltmp29:
0x2ed: {  	[tilespmem:s2+$0x14430] =	vst v4;
	(pc) =	sbr.rel @p2 .LBB2_49-.Ltmp29, $4  }
0x2ee: {  	[tilespmem:s2+$0x14440] =	vst v4  }
0x2ef: {  	[tilespmem:s2+$0x14450] =	vst v4  }
0x2f0: {  	[tilespmem:s2+$0x14460] =	vst v4  }
0x2f1: {  	s25 =	simm.s32 $0x200;
	p1 =	por $0x0, $0x0;
	[tilespmem:s2+$0x14470] =	vst v4  }
0x2f2: {  	s16 =	simm.s32 $0x2040  }
0x2f3: {  	v8 =	vld [tilespmem:s16+$0xFFFFFFC0];
	_ =	sdelay $0x2  }
0x2f4: {  	v9 =	vld [tilespmem:s16+$0xFFFFFFD0]  }
0x2f5: {  	s2 =	sshll.u32 s30, $0xA  }
0x2f6: {  	v7 =	vimm.s32 $0x0;
	s30 =	sor.u32 s2, s1;
	v10 =	vld [tilespmem:s16+$0xFFFFFFF0];
	v11 =	vshrl.u32 v8, $0x8;
	v12 =	vand.u32 $0xFF, v8  }
0x2f7: {  	v6 =	vmov s30;
	v8 =	vld [tilespmem:s16+$0xFFFFFFE0];
	v11 =	vand.u32 $0x7FFFFF, v11;
	vm0 =	vgt.s32 v7, v12  }
0x2f8: {  	vm2 =	veq.s32 v11, v6;
	v11 =	vsel vm0, v7, v12  }
0x2f9: {  	v11 =	vsel vm2, v11, v7;
	v7 =	vshrl.u32 v9, $0x8  }
0x2fa: {  	v13 =	vand.u32 $0xFF, v9;
	v9 =	vand.u32 $0x7FFFFF, v7  }
0x2fb: {  	v15 =	vld [tilespmem:s16+$0x0];
	vm0 =	vgt.s32 v11, v13;
	v7 =	vand.u32 $0xFF, v10;
	v10 =	vshrl.u32 v10, $0x8  }
0x2fc: {  	vm3 =	veq.s32 v9, v6;
	v9 =	vsel vm0, v11, v13;
	v14 =	vshrl.u32 v8, $0x8  }
0x2fd: {  	v8 =	vand.u32 $0xFF, v8;
	v9 =	vsel vm3, v9, v11;
	v11 =	vand.u32 $0x7FFFFF, v14  }
0x2fe: {  	v16 =	vld [tilespmem:s16+$0x10];
	v10 =	vand.u32 $0x7FFFFF, v10;
	vm0 =	vgt.s32 v9, v8;
	vm1 =	veq.s32 v11, v6  }
0x2ff: {  	v11 =	vsel vm0, v9, v8;
	vm0 =	veq.s32 v10, v6;
	[tilespmem:v12+s23+$0x0] =	vst.idx.add.s32.msk vm2, v1  }
0x300: {  	v12 =	vshrl.u32 v15, $0x8;
	v9 =	vsel vm1, v11, v9;
	v10 =	vnsel vm0, $0x0, v7;
	v11 =	vld [tilespmem:s16+$0x20]  }
0x301: {  	v12 =	vand.u32 $0x7FFFFF, v12;
	vm2 =	vgt.s32 v9, v10  }
0x302: {  	v10 =	vsel vm2, v9, v10;
	v9 =	vand.u32 $0xFF, v15;
	vm2 =	veq.s32 v12, v6;
	v12 =	vld [tilespmem:s16+$0x30]  }
0x303: {  	v14 =	vshrl.u32 v16, $0x8;
	[tilespmem:v13+s23+$0x0] =	vst.idx.add.s32.msk vm3, v1;
	v13 =	vmax.u32 v10, v9  }
0x304: {  	s31 =	simm.s32 $0x20C0;
	s1 =	simm.s32 $0x0;
	v14 =	vand.u32 $0x7FFFFF, v14;
	v13 =	vsel vm2, v13, v10;
	v10 =	vand.u32 $0xFF, v16  }
.LBB2_51:
0x305: {  	v15 =	vld [tilespmem:s31+$0xFFFFFFC0];
	s1 =	sadd.s32 $0x8, s1;
	vm3 =	veq.s32 v14, v6;
	v14 =	vmax.u32 v13, v10;
	v16 =	vshrl.u32 v11, $0x8  }
0x306: {  	v11 =	vand.u32 $0xFF, v11;
	p1 =	slt.u32 s1, $0x1F8;
	[tilespmem:v8+s23+$0x0] =	vst.idx.add.s32.msk vm1, v1;
	v8 =	vsel vm3, v14, v13;
	v13 =	vand.u32 $0x7FFFFF, v16  }
0x307: {  	[tilespmem:v7+s23+$0x0] =	vst.idx.add.s32.msk vm0, v1;
	vm1 =	veq.s32 v13, v6;
	v7 =	vmax.u32 v8, v11;
	v13 =	vshrl.u32 v12, $0x8  }
0x308: {  	v12 =	vand.u32 $0xFF, v12;
	v14 =	vld [tilespmem:s31+$0xFFFFFFD0];
	v7 =	vsel vm1, v7, v8;
	v8 =	vand.u32 $0x7FFFFF, v13  }
0x309: {  	v13 =	vld [tilespmem:s31+$0xFFFFFFF0];
	vm0 =	veq.s32 v8, v6;
	v8 =	vmax.u32 v7, v12  }
0x30a: {  	v16 =	vshrl.u32 v15, $0x8;
	v15 =	vand.u32 $0xFF, v15;
	v17 =	vld [tilespmem:s31+$0xFFFFFFE0];
	v7 =	vsel vm0, v8, v7  }
0x30b: {  	v8 =	vand.u32 $0x7FFFFF, v16;
	vm4 =	vgt.s32 v7, v15;
	[tilespmem:v9+s23+$0x0] =	vst.idx.add.s32.msk vm2, v1  }
0x30c: {  	vm2 =	veq.s32 v8, v6;
	v8 =	vsel vm4, v7, v15;
	[tilespmem:v10+s23+$0x0] =	vst.idx.add.s32.msk vm3, v1  }
0x30d: {  	v8 =	vsel vm2, v8, v7;
	v7 =	vshrl.u32 v14, $0x8;
	v10 =	vand.u32 $0xFF, v14;
	[tilespmem:v11+s23+$0x0] =	vst.idx.add.s32.msk vm1, v1  }
0x30e: {  	v9 =	vand.u32 $0x7FFFFF, v7;
	vm1 =	vgt.s32 v8, v10;
	v7 =	vand.u32 $0xFF, v13  }
0x30f: {  	vm3 =	veq.s32 v9, v6;
	v9 =	vsel vm1, v8, v10;
	v11 =	vshrl.u32 v17, $0x8;
	v14 =	vld [tilespmem:s31+$0x0]  }
0x310: {  	v13 =	vshrl.u32 v13, $0x8;
	v9 =	vsel vm3, v9, v8;
	v8 =	vand.u32 $0xFF, v17;
	[tilespmem:v12+s23+$0x0] =	vst.idx.add.s32.msk vm0, v1  }
0x311: {  	v11 =	vand.u32 $0x7FFFFF, v11;
	v12 =	vand.u32 $0x7FFFFF, v13;
	vm0 =	vgt.s32 v9, v8;
	v16 =	vld [tilespmem:s31+$0x10]  }
0x312: {  	vm1 =	veq.s32 v11, v6;
	v11 =	vsel vm0, v9, v8;
	vm0 =	veq.s32 v12, v6  }
.Ltmp30:
0x313: {  	v9 =	vsel vm1, v11, v9;
	v12 =	vnsel vm0, $0x0, v7;
	v11 =	vld [tilespmem:s31+$0x20];
	(pc) =	sbr.rel @p1 .LBB2_51-.Ltmp30, $4  }
0x314: {  	[tilespmem:v15+s23+$0x0] =	vst.idx.add.s32.msk vm2, v1;
	vm2 =	vgt.s32 v9, v12;
	v13 =	vshrl.u32 v14, $0x8  }
0x315: {  	v15 =	vsel vm2, v9, v12;
	v13 =	vand.u32 $0x7FFFFF, v13;
	v9 =	vand.u32 $0xFF, v14;
	v12 =	vld [tilespmem:s31+$0x30]  }
0x316: {  	[tilespmem:v10+s23+$0x0] =	vst.idx.add.s32.msk vm3, v1;
	vm2 =	veq.s32 v13, v6;
	v10 =	vmax.u32 v15, v9;
	v14 =	vshrl.u32 v16, $0x8  }
0x317: {  	s31 =	sadd.s32 $0x80, s31;
	v13 =	vsel vm2, v10, v15;
	v14 =	vand.u32 $0x7FFFFF, v14;
	v10 =	vand.u32 $0xFF, v16  }
0x318: {  	vm3 =	veq.s32 v14, v6;
	v57 =	vmax.u32 v13, v10;
	v15 =	vshrl.u32 v11, $0x8  }
0x319: {  	v59 =	vand.u32 $0xFF, v11;
	v13 =	vsel vm3, v57, v13;
	v58 =	vand.u32 $0x7FFFFF, v15  }
0x31a: {  	vm4 =	veq.s32 v58, v6;
	v60 =	vmax.u32 v13, v59;
	v61 =	vshrl.u32 v12, $0x8  }
0x31b: {  	v63 =	vand.u32 $0xFF, v12;
	v13 =	vsel vm4, v60, v13;
	v62 =	vand.u32 $0x7FFFFF, v61  }
0x31c: {  	vm5 =	veq.s32 v62, v6;
	v6 =	vmax.u32 v13, v63  }
0x31d: {  	v6 =	vsel vm5, v6, v13  }
0x31e: {  	v6 =	vxor.u32 $0x80000000, v6  }
0x31f: {  	(xrf0) =	vmax.scan.msk.u32 $0xffff, v6;
	_ =	sdelay $0x5  }
0x320: {  	v6, _, _ =	vpop (xrf0)  }
0x321: {  	(v2sf) =	vpush v6, $0xF;
	_ =	sdelay $0xe  }
0x322: {  	s1 =	spop (v2sf)  }
0x323: {  	s1 =	sshra.s32 s1, $0x4  }
0x324: {  	[tilespmem:v8+s23+$0x0] =	vst.idx.add.s32.msk vm1, v1;
	p1 =	sgt.s32 s1, $0xFFFFFFFF  }
.Ltmp31:
0x325: {  	[tilespmem:v7+s23+$0x0] =	vst.idx.add.s32.msk vm0, v1;
	(pc) =	sbr.rel @!p1 .LBB2_57-.Ltmp31, $4  }
0x326: {  	[tilespmem:v9+s23+$0x0] =	vst.idx.add.s32.msk vm2, v1  }
0x327: {  	[tilespmem:v10+s23+$0x0] =	vst.idx.add.s32.msk vm3, v1  }
0x328: {  	[tilespmem:v59+s23+$0x0] =	vst.idx.add.s32.msk vm4, v1  }
0x329: {  	[tilespmem:v63+s23+$0x0] =	vst.idx.add.s32.msk vm5, v1  }
.Ltmp32:
0x32a: {  	(pc) =	sbr.rel .LBB2_60-.Ltmp32, $2  }
0x32b: {  	_ =	sdelay $0x2  }
0x32c: {  	s31 =	simm.s32 $0x0;
	s25 =	simm.s32 $0xFFFFFFFF;
	s1 =	simm.s32 $0x0  }
.LBB2_57:
0x32d: {  	s2 =	sxor.u32 $0xF8000000, s1;
	s25 =	sshll.u32 s1, $0x6  }
0x32e: {  	s31 =	simm.s32 $0x0;
	s24 =	simm.s32 $0x0;
	s26 =	ssub.s32 $0x0, s2  }
0x32f: {  	s2 =	sshll.u32 s2, $0x4;
	s1 =	sshra.s32 s25, $0x2;
	s25 =	simm.s32 $0xFFFFFFFF  }
0x330: {  	v6 =	vmov s0;
	s16 =	sadd.s32 $0x8000000F, s2;
	s17 =	sadd.s32 $0x14400, s1;
	s1 =	simm.s32 $0x0  }
.LBB2_58:
0x331: {  	v7 =	vld [tilespmem:s17+$0x0];
	_ =	sdelay $0x4  }
0x332: {  	v8 =	vperm.xlane v7, v2;
	_ =	sdelay $0x1  }
0x333: {  	(xrf0) =	vadd.scan.msk.s32 $0xffff, v8;
	_ =	sdelay $0x5  }
0x334: {  	v9, _, _ =	vpop (xrf0)  }
0x335: {  	v10 =	vadd.s32 s24, v9  }
0x336: {  	vm0 =	vlt.s32 v10, v6  }
0x337: {  	v10 =	vsel vm0, $0x80000010, v3  }
0x338: {  	(xrf0) =	vmin.scan.msk.u32 $0xffff, v10;
	_ =	sdelay $0x5  }
0x339: {  	v10, _, _ =	vpop (xrf0)  }
0x33a: {  	(v2sf) =	vpush v10, $0xF;
	_ =	sdelay $0xe  }
0x33b: {  	s2 =	spop (v2sf)  }
0x33c: {  	s11 =	sxor.u32 $0x80000000, s2  }
0x33d: {  	v63 =	vmov s11  }
0x33e: {  	vm15 =	veq.s32 v63, v0  }
0x33f: {  	v9 =	vnsel vm15, $0x0, v9  }
0x340: {  	(xrf0) =	vadd.scan.msk.s32 $0xffff, v9  }
0x341: {  	v8 =	vnsel vm15, $0x0, v8  }
0x342: {  	(xrf0) =	vadd.scan.msk.s32 $0xffff, v8;
	_ =	sdelay $0x3  }
0x343: {  	(xrf0) =	vadd.scan.msk.s32 $0xffff, v7;
	v7, _, _ =	vpop (xrf0)  }
0x344: {  	(v2sf) =	vpush v7, $0xF  }
0x345: {  	v7, _, _ =	vpop (xrf0)  }
0x346: {  	(v2sf) =	vpush v7, $0xF;
	_ =	sdelay $0x4  }
0x347: {  	v7, _, _ =	vpop (xrf0)  }
0x348: {  	(v2sf) =	vpush v7, $0xF;
	_ =	sdelay $0x6  }
0x349: {  	p1 =	seq.s32 s26, $0x0;
	s12 =	spop (v2sf)  }
0x34a: {  	s2 =	ssub.s32 s16, s2;
	p2 =	slt.s32 s11, $0x10;
	s11 =	sadd.s32 s12, s24  }
0x34b: {  	s25 =	smov.u32 @p2 s2;
	s12 =	spop (v2sf);
	s11 =	ssub.s32 s0, s11  }
0x34c: {  	p3 =	slt.s32 @!p1 s25, $0x0;
	s2 =	sadd.s32 s12, s11  }
0x34d: {  	s1 =	smov.u32 @p2 s12;
	s31 =	smov.u32 @p2 s2;
	p2 =	por p1, !p3  }
.Ltmp33:
0x34e: {  	_ = 	snop;
	(pc) =	sbr.rel @!p2 .LBB2_58-.Ltmp33, $3  }
0x34f: {  	_ =	sdelay $0x1  }
0x350: {  	s26 =	sadd.s32 $0x1, s26;
	s11 =	spop (v2sf)  }
0x351: {  	s17 =	sadd.s32 $0xFFFFFFF0, s17;
	s16 =	sadd.s32 $0xFFFFFFF0, s16;
	s24 =	sadd.s32 s24, s11  }
0x352: {  	s25 =	smov.u32 @p1 s25;
	s31 =	smov.u32 @p1 s31;
	s1 =	smov.u32 @p1 s1  }
.LBB2_60:
0x353: {  	s2 =	simm.s32 $0x2040  }
0x354: {  	v7 =	vld [tilespmem:s2+$0x30]  }
0x355: {  	v8 =	vld [tilespmem:s2+$0xFFFFFFD0]  }
0x356: {  	v13 =	vld [tilespmem:s2+$0x10]  }
0x357: {  	v14 =	vld [tilespmem:s2+$0x20]  }
0x358: {  	v15 =	vld [tilespmem:s2+$0xFFFFFFC0]  }
0x359: {  	v9 =	vld [tilespmem:s2+$0xFFFFFFE0]  }
0x35a: {  	s0 =	simm.s32 $0x8040;
	s11 =	sshll.u32 s30, $0x8;
	v11 =	vld [tilespmem:s2+$0xFFFFFFF0]  }
0x35b: {  	v10 =	vld [tilespmem:s0+$0x30];
	s11 =	sor.u32 s11, s25  }
0x35c: {  	v12 =	vld [tilespmem:s2+$0x0];
	v6 =	vmov s11;
	v7 =	vand.u32 $0x7FFFFFFF, v7;
	v8 =	vand.u32 $0x7FFFFFFF, v8  }
0x35d: {  	v13 =	vand.u32 $0x7FFFFFFF, v13;
	v16 =	vand.u32 $0x7FFFFFFF, v14;
	v15 =	vand.u32 $0x7FFFFFFF, v15  }
0x35e: {  	v20 =	vld [tilespmem:s0+$0xFFFFFFD0];
	vm0 =	vlt.s32 v7, v6;
	vm1 =	vlt.s32 v8, v6;
	v7 =	vand.u32 $0x7FFFFFFF, v9  }
0x35f: {  	v9 =	vand.u32 $0x7FFFFFFF, v11;
	v11 =	vld [tilespmem:s0+$0xFFFFFFE0];
	vm13 =	vlt.s32 v13, v6;
	vm14 =	vlt.s32 v16, v6  }
0x360: {  	vm15 =	vlt.s32 v15, v6;
	v8 =	vsel vm0, $0x0, v5;
	vm10 =	vlt.s32 v7, v6;
	v7 =	vld [tilespmem:s0+$0xFFFFFFC0]  }
0x361: {  	v17 =	vsel vm1, $0x0, v5;
	v18 =	vadd.f32 v8, v10;
	v10 =	vand.u32 $0x7FFFFFFF, v12;
	v12 =	vld [tilespmem:s0+$0xFFFFFFF0]  }
0x362: {  	v14 =	vld [tilespmem:s0+$0x0];
	vm11 =	vlt.s32 v9, v6;
	v13 =	vsel vm13, $0x0, v5;
	v15 =	vsel vm14, $0x0, v5  }
0x363: {  	s30 =	simm.s32 $0xE040;
	v16 =	vld [tilespmem:s0+$0x10];
	v19 =	vsel vm15, $0x0, v5;
	v8 =	vsel vm10, $0x0, v5;
	vm12 =	vlt.s32 v10, v6  }
0x364: {  	s26 =	simm.s32 $0x20C0;
	s25 =	simm.s32 $0x0;
	v9 =	vsel vm11, $0x0, v5;
	v10 =	vsel vm12, $0x0, v5;
	[tilespmem:s30+$0x30] =	vst v18;
	v18 =	vadd.f32 v17, v20;
	v17 =	vld [tilespmem:s0+$0x20]  }
.LBB2_61:
0x365: {  	v20 =	vld [tilespmem:s26+$0x30];
	s25 =	sadd.s32 $0x8, s25;
	v7 =	vadd.f32 v19, v7;
	v8 =	vadd.f32 v8, v11  }
0x366: {  	v11 =	vld [tilespmem:s26+$0xFFFFFFD0];
	p1 =	slt.u32 s25, $0x1F8;
	[tilespmem:s30+$0xFFFFFFD0] =	vst v18;
	v9 =	vadd.f32 v9, v12  }
0x367: {  	s0 =	sadd.s32 $0x80, s0;
	v12 =	vld [tilespmem:s26+$0xFFFFFFE0];
	[tilespmem:s30+$0xFFFFFFC0] =	vst v7;
	v7 =	vadd.f32 v10, v14  }
0x368: {  	v10 =	vld [tilespmem:s0+$0x30];
	[tilespmem:s30+$0xFFFFFFE0] =	vst v8;
	v8 =	vadd.f32 v13, v16  }
0x369: {  	v13 =	vld [tilespmem:s26+$0xFFFFFFF0];
	[tilespmem:s30+$0xFFFFFFF0] =	vst v9;
	v9 =	vadd.f32 v15, v17  }
0x36a: {  	v14 =	vld [tilespmem:s26+$0x0];
	v15 =	vand.u32 $0x7FFFFFFF, v20;
	[tilespmem:s30+$0x0] =	vst v7  }
0x36b: {  	v7 =	vand.u32 $0x7FFFFFFF, v11;
	v16 =	vld [tilespmem:s26+$0x10];
	vm0 =	vlt.s32 v15, v6;
	[tilespmem:s30+$0x10] =	vst v8  }
0x36c: {  	vm1 =	vlt.s32 v7, v6;
	v7 =	vand.u32 $0x7FFFFFFF, v12;
	v15 =	vld [tilespmem:s26+$0x20];
	v8 =	vsel vm0, $0x0, v5;
	[tilespmem:s30+$0x20] =	vst v9  }
0x36d: {  	v17 =	vld [tilespmem:s26+$0xFFFFFFC0];
	v18 =	vsel vm1, $0x0, v5;
	vm0 =	vlt.s32 v7, v6;
	v9 =	vadd.f32 v8, v10  }
0x36e: {  	s30 =	sadd.s32 $0x80, s30;
	v7 =	vld [tilespmem:s0+$0xFFFFFFC0];
	v8 =	vsel vm0, $0x0, v5;
	v10 =	vand.u32 $0x7FFFFFFF, v13  }
0x36f: {  	v20 =	vld [tilespmem:s0+$0xFFFFFFD0];
	vm0 =	vlt.s32 v10, v6;
	v10 =	vand.u32 $0x7FFFFFFF, v14;
	[tilespmem:s30+$0x30] =	vst v9  }
.Ltmp34:
0x370: {  	v11 =	vld [tilespmem:s0+$0xFFFFFFE0];
	v9 =	vsel vm0, $0x0, v5;
	vm0 =	vlt.s32 v10, v6;
	v13 =	vand.u32 $0x7FFFFFFF, v16;
	(pc) =	sbr.rel @p1 .LBB2_61-.Ltmp34, $4  }
0x371: {  	v12 =	vld [tilespmem:s0+$0xFFFFFFF0];
	v10 =	vsel vm0, $0x0, v5;
	vm0 =	vlt.s32 v13, v6;
	v15 =	vand.u32 $0x7FFFFFFF, v15  }
0x372: {  	v16 =	vand.u32 $0x7FFFFFFF, v17;
	v14 =	vld [tilespmem:s0+$0x0];
	v13 =	vsel vm0, $0x0, v5;
	vm0 =	vlt.s32 v15, v6  }
0x373: {  	vm1 =	vlt.s32 v16, v6;
	v16 =	vld [tilespmem:s0+$0x10];
	v15 =	vsel vm0, $0x0, v5  }
0x374: {  	s26 =	sadd.s32 $0x80, s26;
	v19 =	vsel vm1, $0x0, v5;
	v18 =	vadd.f32 v18, v20;
	v17 =	vld [tilespmem:s0+$0x20]  }
0x375: {  	v7 =	vadd.f32 v19, v7  }
0x376: {  	v8 =	vadd.f32 v8, v11;
	s16 =	ssub.s32 s1, s31;
	[tilespmem:s30+$0xFFFFFFD0] =	vst v18  }
0x377: {  	v9 =	vadd.f32 v9, v12;
	p1 =	slt.s32 s16, $0x1;
	[tilespmem:s30+$0xFFFFFFC0] =	vst v7  }
.Ltmp35:
0x378: {  	v7 =	vadd.f32 v10, v14;
	[tilespmem:s30+$0xFFFFFFE0] =	vst v8;
	(pc) =	sbr.rel @p1 .LBB2_66-.Ltmp35, $4  }
0x379: {  	v8 =	vadd.f32 v13, v16;
	[tilespmem:s30+$0xFFFFFFF0] =	vst v9  }
0x37a: {  	v63 =	vadd.f32 v15, v17;
	[tilespmem:s30+$0x0] =	vst v7  }
0x37b: {  	[tilespmem:s30+$0x10] =	vst v8  }
0x37c: {  	[tilespmem:s30+$0x20] =	vst v63  }
0x37d: {  	s2 =	simm.s32 $0x1FF0  }
0x37e: {  	v7 =	vld [tilespmem:s2+$0x2000];
	_ =	sdelay $0x4  }
0x37f: {  	v7 =	vand.u32 $0x7FFFFFFF, v7  }
0x380: {  	vm0 =	veq.s32 v7, v6  }
0x381: {  	s30 =	simm.s32 $0x1FE0;
	v7 =	vsel vm0, $0x1, v4  }
0x382: {  	v8 =	vld [tilespmem:s30+$0x2000];
	(xrf0) =	vadd.scan.msk.s32 $0xffff, v7;
	v7 =	vperm.xlane v7, v2;
	_ =	sdelay $0x1  }
0x383: {  	(xrf0) =	vadd.scan.msk.s32 $0xffff, v7;
	_ =	sdelay $0x2  }
0x384: {  	v8 =	vand.u32 $0x7FFFFFFF, v8  }
0x385: {  	s1 =	simm.s32 $0x1FD0;
	vm1 =	veq.s32 v8, v6;
	v9, _, _ =	vpop (xrf0)  }
0x386: {  	v8 =	vsel vm1, $0x1, v4;
	v7 =	vld [tilespmem:s1+$0x2000];
	(v2sf) =	vpush v9, $0xF  }
0x387: {  	(xrf0) =	vadd.scan.msk.s32 $0xffff, v8;
	v9, _, _ =	vpop (xrf0)  }
0x388: {  	v9 =	vperm.xlane v9, v2  }
0x389: {  	s25 =	simm.s32 $0x0  }
0x38a: {  	v9 =	vadd.s32 s25, v9  }
0x38b: {  	v7 =	vand.u32 $0x7FFFFFFF, v7  }
0x38c: {  	v8 =	vperm.xlane v8, v2;
	vm3 =	veq.s32 v7, v6;
	v7 =	vmov s16  }
0x38d: {  	vm2 =	vle.s32 v9, v7;
	v9, _, _ =	vpop (xrf0)  }
0x38e: {  	s0 =	simm.s32 $0x1FC0;
	(xrf0) =	vadd.scan.msk.s32 $0xffff, v8;
	v8 =	vld [tilespmem:s2+$0xE000];
	v10 =	vsel vm3, $0x1, v4;
	(v2sf) =	vpush v9, $0xF  }
0x38f: {  	v11 =	vld [tilespmem:s0+$0x2000];
	vm0 =	vmmov vm0;
	(xrf0) =	vadd.scan.msk.s32 $0xffff, v10  }
0x390: {  	vm0 =	vmmov vm0  }
0x391: {  	vm0 =	vmand vm0, vm2  }
0x392: {  	v12 =	vnsel vm0, $0x0, v5  }
0x393: {  	vm0 =	vmmov vm1;
	v12 =	vsub.f32 v8, v12  }
0x394: {  	vm2 =	vmmov vm0;
	v8 =	vand.u32 $0x7FFFFFFF, v11;
	v11, _, _ =	vpop (xrf0);
	v9 =	vperm.xlane v10, v2  }
0x395: {  	s17 =	simm.s32 $0x7EC0;
	s16 =	simm.s32 $0x7E80;
	vm0 =	vmmov vm3;
	vm1 =	veq.s32 v8, v6;
	v10, _, _ =	vpop (xrf0);
	v8 =	vperm.xlane v11, v2;
	[tilespmem:s2+$0xE000] =	vst v12;
	s24 =	spop (v2sf)  }
.LBB2_64:
0x396: {  	p1 =	sne.s32 s16, $0x0;
	s2 =	sshra.s32 s17, $0x2;
	v11 =	vsel vm1, $0x1, v4;
	(xrf0) =	vadd.scan.msk.s32 $0xffff, v9;
	(v2sf) =	vpush v10, $0xF;
	v9 =	vld [tilespmem:s30+$0xE000];
	s25 =	sadd.s32 s25, s24  }
0x397: {  	s11 =	smov.u32 s1;
	s1 =	smov.u32 s0;
	v10 =	vld [tilespmem:s2+$0x2000];
	(xrf0) =	vadd.scan.msk.s32 $0xffff, v11;
	v8 =	vadd.s32 s25, v8;
	s0 =	smov.u32 s2  }
0x398: {  	s17 =	smov.u32 s16;
	vm3 =	vle.s32 v8, v7  }
.Ltmp36:
0x399: {  	vm3 =	vmand vm2, vm3;
	vm2 =	vmmov vm0;
	vm0 =	vmmov vm1;
	(pc) =	sbr.rel @p1 .LBB2_64-.Ltmp36, $4  }
0x39a: {  	v8 =	vnsel vm3, $0x0, v5  }
0x39b: {  	v12 =	vsub.f32 v9, v8  }
0x39c: {  	v9 =	vperm.xlane v11, v2;
	v8 =	vand.u32 $0x7FFFFFFF, v10;
	v11, _, _ =	vpop (xrf0)  }
0x39d: {  	s16 =	sadd.s32 $0xFFFFFFC0, s16;
	vm1 =	veq.s32 v8, v6;
	v10, _, _ =	vpop (xrf0);
	v8 =	vperm.xlane v11, v2;
	[tilespmem:s30+$0xE000] =	vst v12;
	s24 =	spop (v2sf);
	s30 =	smov.u32 s11  }
0x39e: {  	s26 =	sshra.s32 s17, $0x2;
	v11 =	vsel vm1, $0x1, v4;
	(xrf0) =	vadd.scan.msk.s32 $0xffff, v9;
	(v2sf) =	vpush v10, $0xF;
	v50 =	vld [tilespmem:s30+$0xE000];
	s2 =	sadd.s32 s25, s24  }
0x39f: {  	v51 =	vld [tilespmem:s26+$0x2000];
	(xrf0) =	vadd.scan.msk.s32 $0xffff, v11;
	v8 =	vadd.s32 s2, v8  }
0x3a0: {  	vm3 =	vle.s32 v8, v7  }
0x3a1: {  	vm2 =	vmand vm2, vm3  }
0x3a2: {  	v52 =	vnsel vm2, $0x0, v5  }
0x3a3: {  	v8 =	vsub.f32 v50, v52  }
0x3a4: {  	v54 =	vperm.xlane v11, v2;
	v53 =	vand.u32 $0x7FFFFFFF, v51;
	v55, _, _ =	vpop (xrf0)  }
0x3a5: {  	vm10 =	veq.s32 v53, v6;
	v6, _, _ =	vpop (xrf0);
	v56 =	vperm.xlane v55, v2;
	[tilespmem:s30+$0xE000] =	vst v8;
	s11 =	spop (v2sf)  }
0x3a6: {  	(xrf0) =	vadd.scan.msk.s32 $0xffff, v54;
	v57 =	vsel vm10, $0x1, v4;
	(v2sf) =	vpush v6, $0xF;
	v6 =	vld [tilespmem:s1+$0xE000];
	s2 =	sadd.s32 s2, s11  }
0x3a7: {  	(xrf0) =	vadd.scan.msk.s32 $0xffff, v57;
	v9 =	vadd.s32 s2, v56  }
0x3a8: {  	vm0 =	vmmov vm0;
	vm11 =	vle.s32 v9, v7  }
0x3a9: {  	vm0 =	vmand vm0, vm11  }
0x3aa: {  	v58 =	vnsel vm0, $0x0, v5  }
0x3ab: {  	v6 =	vsub.f32 v6, v58  }
0x3ac: {  	v8 =	vperm.xlane v57, v2;
	v59, _, _ =	vpop (xrf0)  }
0x3ad: {  	v9 =	vperm.xlane v59, v2;
	v60, _, _ =	vpop (xrf0);
	[tilespmem:s1+$0xE000] =	vst v6;
	s25 =	spop (v2sf)  }
0x3ae: {  	(xrf0) =	vadd.scan.msk.s32 $0xffff, v8;
	(v2sf) =	vpush v60, $0xF;
	v6 =	vld [tilespmem:s0+$0xE000];
	s1 =	sadd.s32 s2, s25  }
0x3af: {  	vm12 =	vmmov vm1;
	v61 =	vadd.s32 s1, v9  }
0x3b0: {  	vm0 =	vmmov vm12;
	vm13 =	vle.s32 v61, v7  }
0x3b1: {  	vm0 =	vmand vm0, vm13  }
0x3b2: {  	v62 =	vnsel vm0, $0x0, v5  }
0x3b3: {  	v6 =	vsub.f32 v6, v62  }
0x3b4: {  	v63, _, _ =	vpop (xrf0)  }
0x3b5: {  	v8 =	vperm.xlane v63, v2;
	[tilespmem:s0+$0xE000] =	vst v6;
	s30 =	spop (v2sf)  }
0x3b6: {  	v6 =	vld [tilespmem:s26+$0xE000];
	s0 =	sadd.s32 s1, s30  }
0x3b7: {  	vm14 =	vmmov vm10;
	v8 =	vadd.s32 s0, v8  }
0x3b8: {  	vm0 =	vmmov vm14;
	vm15 =	vle.s32 v8, v7  }
0x3b9: {  	vm0 =	vmand vm0, vm15  }
0x3ba: {  	v7 =	vnsel vm0, $0x0, v5  }
0x3bb: {  	v6 =	vsub.f32 v6, v7;
	_ =	sdelay $0x1  }
0x3bc: {  	[tilespmem:s26+$0xE000] =	vst v6;
	s31 =	spop (v2sf)  }
.LBB2_66:
0x3bd: {  	s0 =	rddreg [dreg:$0x5];
	s1 =	simm.s32 $0xE000  }
0x3be: {  	[hbm4b:s0+s14] =	stream.strided.scatter [tilespmem:s1], [sflag:$0x3], $0x2000, s15, s14, $0x38;
	[tilespmem:$0x14580] =	vst v63  }
0x3bf: {  	_ =	swait.ge [sflag:s19], $0x2000  }
0x3c0: {  	[sflag:s19] =	ssyncset.done $0x0  }
0x3c1: {  	[sflag:s19] =	ssyncadd.s32 $0xFFFFE000  }
0x3c2: {  	_ =	swait.ge [sflag:s20], $0x2000  }
0x3c3: {  	[sflag:s20] =	ssyncset.done $0x0  }
0x3c4: {  	v6 =	vimm.s32 $0x0;
	s1 =	simm.s32 $0x12040;
	[sflag:s20] =	ssyncadd.s32 $0xFFFFE000  }
0x3c5: {  	[tilespmem:s1+$0x30] =	vst v6  }
0x3c6: {  	[tilespmem:s1+$0xFFFFFFC0] =	vst v6  }
0x3c7: {  	[tilespmem:s1+$0xFFFFFFD0] =	vst v6  }
0x3c8: {  	[tilespmem:s1+$0xFFFFFFE0] =	vst v6  }
0x3c9: {  	[tilespmem:s1+$0xFFFFFFF0] =	vst v6  }
0x3ca: {  	[tilespmem:s1+$0x0] =	vst v6  }
0x3cb: {  	s16 =	simm.s32 $0x0;
	s0 =	simm.s32 $0x4040;
	[tilespmem:s1+$0x10] =	vst v6  }
.LBB2_67:
0x3cc: {  	s16 =	sadd.s32 $0x8, s16;
	[tilespmem:s1+$0x20] =	vst v6;
	s1 =	sadd.s32 $0x80, s1  }
0x3cd: {  	[tilespmem:s1+$0x30] =	vst v6;
	p1 =	slt.u32 s16, $0x1F8  }
0x3ce: {  	[tilespmem:s1+$0xFFFFFFC0] =	vst v6  }
.Ltmp37:
0x3cf: {  	[tilespmem:s1+$0xFFFFFFD0] =	vst v6;
	(pc) =	sbr.rel @p1 .LBB2_67-.Ltmp37, $4  }
0x3d0: {  	[tilespmem:s1+$0xFFFFFFE0] =	vst v6  }
0x3d1: {  	[tilespmem:s1+$0xFFFFFFF0] =	vst v6  }
0x3d2: {  	[tilespmem:s1+$0x0] =	vst v6  }
0x3d3: {  	[tilespmem:s1+$0x10] =	vst v6  }
0x3d4: {  	[tilespmem:s1+$0x20] =	vst v6  }
0x3d5: {  	v7 =	vld [tilespmem:s0+$0xFFFFFFC0];
	_ =	sdelay $0x1  }
0x3d6: {  	v8 =	vld [tilespmem:s0+$0xFFFFFFD0]  }
0x3d7: {  	v9 =	vld [tilespmem:s0+$0xFFFFFFE0]  }
0x3d8: {  	v10 =	vld [tilespmem:s0+$0xFFFFFFF0]  }
0x3d9: {  	v11 =	vld [tilespmem:s0+$0x0];
	v7 =	vshrl.u32 v7, $0x12  }
0x3da: {  	v12 =	vld [tilespmem:s0+$0x10];
	v7 =	vand.u32 $0x1FFF, v7  }
0x3db: {  	v13 =	vld [tilespmem:s0+$0x20];
	v8 =	vshrl.u32 v8, $0x12;
	vm0 =	vgt.s32 v6, v7  }
0x3dc: {  	v14 =	vld [tilespmem:s0+$0x30];
	v9 =	vshrl.u32 v9, $0x12;
	v8 =	vand.u32 $0x1FFF, v8;
	v6 =	vsel vm0, v6, v7  }
0x3dd: {  	v15 =	vand.u32 $0x1FFF, v9;
	v9 =	vshrl.u32 v10, $0x12;
	v6 =	vmax.u32 v6, v8  }
0x3de: {  	v10 =	vand.u32 $0x1FFF, v9;
	v9 =	vshrl.u32 v11, $0x12;
	v6 =	vmax.u32 v6, v15  }
0x3df: {  	v11 =	vshrl.u32 v12, $0x12;
	v9 =	vand.u32 $0x1FFF, v9;
	v6 =	vmax.u32 v6, v10  }
0x3e0: {  	[tilespmem:v7+s21+$0x0] =	vst.idx.add.s32.msk $0xffff, v1;
	v7 =	vmax.u32 v6, v9;
	v6 =	vand.u32 $0x1FFF, v11;
	v11 =	vshrl.u32 v13, $0x12  }
0x3e1: {  	[tilespmem:v8+s21+$0x0] =	vst.idx.add.s32.msk $0xffff, v1;
	v7 =	vmax.u32 v7, v6;
	v8 =	vand.u32 $0x1FFF, v11;
	v11 =	vshrl.u32 v14, $0x12  }
0x3e2: {  	[tilespmem:v15+s21+$0x0] =	vst.idx.add.s32.msk $0xffff, v1;
	v63 =	vmax.u32 v7, v8;
	v7 =	vand.u32 $0x1FFF, v11  }
0x3e3: {  	s1 =	simm.s32 $0x40C0;
	s0 =	simm.s32 $0x0;
	[tilespmem:v10+s21+$0x0] =	vst.idx.add.s32.msk $0xffff, v1;
	v10 =	vmax.u32 v63, v7  }
.LBB2_69:
0x3e4: {  	v11 =	vld [tilespmem:s1+$0xFFFFFFC0];
	s0 =	sadd.s32 $0x8, s0  }
0x3e5: {  	p1 =	slt.u32 s0, $0x1F8;
	[tilespmem:v9+s21+$0x0] =	vst.idx.add.s32.msk $0xffff, v1  }
0x3e6: {  	v9 =	vld [tilespmem:s1+$0xFFFFFFD0]  }
0x3e7: {  	v12 =	vld [tilespmem:s1+$0xFFFFFFE0]  }
0x3e8: {  	v13 =	vld [tilespmem:s1+$0xFFFFFFF0]  }
0x3e9: {  	v11 =	vshrl.u32 v11, $0x12;
	v14 =	vld [tilespmem:s1+$0x0]  }
0x3ea: {  	v11 =	vand.u32 $0x1FFF, v11;
	v15 =	vld [tilespmem:s1+$0x10]  }
0x3eb: {  	vm0 =	vgt.s32 v10, v11;
	v9 =	vshrl.u32 v9, $0x12;
	v16 =	vld [tilespmem:s1+$0x20]  }
0x3ec: {  	v10 =	vsel vm0, v10, v11;
	v17 =	vand.u32 $0x1FFF, v9;
	v9 =	vshrl.u32 v12, $0x12;
	v12 =	vld [tilespmem:s1+$0x30]  }
0x3ed: {  	v10 =	vmax.u32 v10, v17;
	v18 =	vand.u32 $0x1FFF, v9;
	v9 =	vshrl.u32 v13, $0x12;
	[tilespmem:v6+s21+$0x0] =	vst.idx.add.s32.msk $0xffff, v1  }
0x3ee: {  	v6 =	vmax.u32 v10, v18;
	v10 =	vand.u32 $0x1FFF, v9;
	v9 =	vshrl.u32 v14, $0x12;
	[tilespmem:v8+s21+$0x0] =	vst.idx.add.s32.msk $0xffff, v1  }
.Ltmp38:
0x3ef: {  	[tilespmem:v11+s21+$0x0] =	vst.idx.add.s32.msk $0xffff, v1;
	v6 =	vmax.u32 v6, v10;
	v9 =	vand.u32 $0x1FFF, v9;
	v8 =	vshrl.u32 v15, $0x12;
	(pc) =	sbr.rel @p1 .LBB2_69-.Ltmp38, $4  }
0x3f0: {  	v11 =	vmax.u32 v6, v9;
	v6 =	vand.u32 $0x1FFF, v8;
	v8 =	vshrl.u32 v16, $0x12;
	[tilespmem:v7+s21+$0x0] =	vst.idx.add.s32.msk $0xffff, v1  }
0x3f1: {  	[tilespmem:v17+s21+$0x0] =	vst.idx.add.s32.msk $0xffff, v1;
	v7 =	vmax.u32 v11, v6;
	v8 =	vand.u32 $0x1FFF, v8;
	v11 =	vshrl.u32 v12, $0x12  }
0x3f2: {  	[tilespmem:v18+s21+$0x0] =	vst.idx.add.s32.msk $0xffff, v1;
	v12 =	vmax.u32 v7, v8;
	v7 =	vand.u32 $0x1FFF, v11  }
0x3f3: {  	s1 =	sadd.s32 $0x80, s1;
	[tilespmem:v10+s21+$0x0] =	vst.idx.add.s32.msk $0xffff, v1;
	v10 =	vmax.u32 v12, v7  }
0x3f4: {  	v10 =	vxor.u32 $0x80000000, v10  }
0x3f5: {  	(xrf0) =	vmax.scan.msk.u32 $0xffff, v10;
	_ =	sdelay $0x5  }
0x3f6: {  	v10, _, _ =	vpop (xrf0)  }
0x3f7: {  	(v2sf) =	vpush v10, $0xF;
	_ =	sdelay $0xe  }
0x3f8: {  	s0 =	spop (v2sf)  }
0x3f9: {  	s0 =	sshra.s32 s0, $0x4  }
0x3fa: {  	p1 =	sgt.s32 s0, $0xFFFFFFFF  }
.Ltmp39:
0x3fb: {  	_ = 	snop;
	(pc) =	sbr.rel @!p1 .LBB2_86-.Ltmp39, $4  }
0x3fc: {  	[tilespmem:v9+s21+$0x0] =	vst.idx.add.s32.msk $0xffff, v1  }
0x3fd: {  	[tilespmem:v6+s21+$0x0] =	vst.idx.add.s32.msk $0xffff, v1  }
0x3fe: {  	[tilespmem:v8+s21+$0x0] =	vst.idx.add.s32.msk $0xffff, v1  }
0x3ff: {  	[tilespmem:v7+s21+$0x0] =	vst.idx.add.s32.msk $0xffff, v1  }
.Ltmp40:
0x400: {  	(pc) =	sbr.rel .LBB2_72-.Ltmp40, $2  }
0x401: {  	_ =	sdelay $0x2  }
0x402: {  	s31 =	simm.s32 $0x0;
	s30 =	simm.s32 $0xFFFFFFFF  }
.LBB2_86:
0x403: {  	s1 =	sxor.u32 $0xF8000000, s0  }
0x404: {  	s26 =	sshll.u32 s0, $0x6;
	s30 =	simm.s32 $0xFFFFFFFF;
	s31 =	simm.s32 $0x0  }
0x405: {  	s17 =	simm.s32 $0x0;
	s2 =	sshll.u32 s1, $0x4;
	s11 =	sshra.s32 s26, $0x2  }
0x406: {  	s0 =	ssub.s32 $0x0, s1;
	s1 =	sadd.s32 $0x8000000F, s2;
	s16 =	sadd.s32 $0x12000, s11  }
.LBB2_87:
0x407: {  	v6 =	vld [tilespmem:s16+$0x0];
	_ =	sdelay $0x4  }
0x408: {  	v7 =	vperm.xlane v6, v2;
	_ =	sdelay $0x1  }
0x409: {  	(xrf0) =	vadd.scan.msk.s32 $0xffff, v7;
	_ =	sdelay $0x5  }
0x40a: {  	v8, _, _ =	vpop (xrf0)  }
0x40b: {  	v9 =	vadd.s32 s17, v8  }
0x40c: {  	vm0 =	vgt.s32 v9, $0x1F3  }
0x40d: {  	v9 =	vnsel vm0, $0x80000010, v3  }
0x40e: {  	(xrf0) =	vmin.scan.msk.u32 $0xffff, v9;
	_ =	sdelay $0x5  }
0x40f: {  	v9, _, _ =	vpop (xrf0)  }
0x410: {  	(v2sf) =	vpush v9, $0xF;
	_ =	sdelay $0xe  }
0x411: {  	s2 =	spop (v2sf)  }
0x412: {  	s11 =	sxor.u32 $0x80000000, s2  }
0x413: {  	v63 =	vmov s11  }
0x414: {  	vm15 =	veq.s32 v63, v0  }
0x415: {  	v8 =	vnsel vm15, $0x0, v8  }
0x416: {  	v7 =	vnsel vm15, $0x0, v7;
	(xrf0) =	vadd.scan.msk.s32 $0xffff, v8  }
0x417: {  	(xrf0) =	vadd.scan.msk.s32 $0xffff, v7;
	_ =	sdelay $0x4  }
0x418: {  	(xrf0) =	vadd.scan.msk.s32 $0xffff, v6;
	v6, _, _ =	vpop (xrf0)  }
0x419: {  	v7, _, _ =	vpop (xrf0);
	(v2sf) =	vpush v6, $0xF  }
0x41a: {  	(v2sf) =	vpush v7, $0xF;
	_ =	sdelay $0x5  }
0x41b: {  	v6, _, _ =	vpop (xrf0)  }
0x41c: {  	(v2sf) =	vpush v6, $0xF;
	_ =	sdelay $0x6  }
0x41d: {  	s2 =	ssub.s32 s1, s2;
	s12 =	spop (v2sf)  }
0x41e: {  	p2 =	slt.s32 s11, $0x10;
	s24 =	spop (v2sf);
	s12 =	sadd.s32 s12, s17  }
0x41f: {  	p1 =	seq.s32 s0, $0x0;
	s30 =	smov.u32 @p2 s2;
	s25 =	ssub.s32 s24, s12  }
0x420: {  	p3 =	slt.s32 @!p1 s30, $0x0;
	s2 =	sadd.s32 $0x1F4, s25  }
0x421: {  	s31 =	smov.u32 @p2 s2;
	p2 =	por p1, !p3  }
.Ltmp41:
0x422: {  	_ = 	snop;
	(pc) =	sbr.rel @!p2 .LBB2_87-.Ltmp41, $3  }
0x423: {  	_ =	sdelay $0x1  }
0x424: {  	s0 =	sadd.s32 $0x1, s0;
	s26 =	spop (v2sf)  }
0x425: {  	s16 =	sadd.s32 $0xFFFFFFF0, s16;
	s1 =	sadd.s32 $0xFFFFFFF0, s1;
	s17 =	sadd.s32 s17, s26  }
0x426: {  	s30 =	smov.u32 @p1 s30;
	s31 =	smov.u32 @p1 s31  }
.LBB2_72:
0x427: {  	s0 =	simm.s32 $0x14040  }
0x428: {  	[tilespmem:s0+$0xFFFFFFC0] =	vst v4  }
0x429: {  	[tilespmem:s0+$0x30] =	vst v4  }
0x42a: {  	[tilespmem:s0+$0x20] =	vst v4  }
0x42b: {  	[tilespmem:s0+$0x10] =	vst v4  }
0x42c: {  	[tilespmem:s0+$0x0] =	vst v4  }
0x42d: {  	[tilespmem:s0+$0xFFFFFFF0] =	vst v4  }
0x42e: {  	s1 =	simm.s32 $0x0;
	[tilespmem:s0+$0xFFFFFFE0] =	vst v4  }
.LBB2_73:
0x42f: {  	s1 =	sadd.s32 $0x8, s1;
	[tilespmem:s0+$0xFFFFFFD0] =	vst v4;
	s0 =	sadd.s32 $0x80, s0  }
0x430: {  	[tilespmem:s0+$0xFFFFFFC0] =	vst v4;
	p1 =	slt.u32 s1, $0x38  }
0x431: {  	[tilespmem:s0+$0x30] =	vst v4  }
.Ltmp42:
0x432: {  	[tilespmem:s0+$0x20] =	vst v4;
	(pc) =	sbr.rel @p1 .LBB2_73-.Ltmp42, $4  }
0x433: {  	[tilespmem:s0+$0x10] =	vst v4  }
0x434: {  	[tilespmem:s0+$0x0] =	vst v4  }
0x435: {  	[tilespmem:s0+$0xFFFFFFF0] =	vst v4  }
0x436: {  	[tilespmem:s0+$0xFFFFFFE0] =	vst v4  }
0x437: {  	[tilespmem:s0+$0xFFFFFFD0] =	vst v4;
	s26 =	simm.s32 $0x4040  }
0x438: {  	v10 =	vld [tilespmem:s26+$0x20]  }
0x439: {  	v8 =	vld [tilespmem:s26+$0x30]  }
0x43a: {  	v12 =	vld [tilespmem:s26+$0xFFFFFFC0]  }
0x43b: {  	v13 =	vld [tilespmem:s26+$0xFFFFFFF0]  }
0x43c: {  	v15 =	vld [tilespmem:s26+$0xFFFFFFE0]  }
0x43d: {  	v14 =	vld [tilespmem:s26+$0xFFFFFFD0]  }
0x43e: {  	v6 =	vmov s30;
	v11 =	vimm.s32 $0x0  }
0x43f: {  	v9 =	vshrl.u32 v10, $0x8;
	v16 =	vshrl.u32 v12, $0x8;
	v7 =	vshrl.u32 v8, $0x8  }
0x440: {  	v12 =	vshrl.u32 v12, $0x12;
	v17 =	vshrl.u32 v13, $0x8;
	v16 =	vand.u32 $0x3FF, v16  }
0x441: {  	v18 =	vshrl.u32 v15, $0x12;
	v12 =	vand.u32 $0x1FFF, v12;
	vm0 =	vgt.s32 v11, v16  }
0x442: {  	v19 =	vshrl.u32 v14, $0x8;
	vm2 =	veq.s32 v12, v6;
	v12 =	vsel vm0, v11, v16  }
0x443: {  	v19 =	vand.u32 $0x3FF, v19;
	v11 =	vsel vm2, v12, v11;
	v12 =	vshrl.u32 v14, $0x12  }
0x444: {  	v20 =	vld [tilespmem:s26+$0x0];
	v13 =	vshrl.u32 v13, $0x12;
	v12 =	vand.u32 $0x1FFF, v12;
	vm0 =	vgt.s32 v11, v19  }
0x445: {  	v15 =	vshrl.u32 v15, $0x8;
	v14 =	vld [tilespmem:s26+$0x10];
	vm3 =	veq.s32 v12, v6;
	v12 =	vsel vm0, v11, v19  }
0x446: {  	v13 =	vand.u32 $0x1FFF, v13;
	v21 =	vsel vm3, v12, v11;
	v12 =	vand.u32 $0x3FF, v15  }
0x447: {  	v11 =	vand.u32 $0x3FF, v17;
	v15 =	vand.u32 $0x1FFF, v18;
	vm0 =	vgt.s32 v21, v12  }
0x448: {  	vm1 =	veq.s32 v15, v6;
	v15 =	vsel vm0, v21, v12;
	vm0 =	veq.s32 v13, v6  }
0x449: {  	v18 =	vshrl.u32 v20, $0x12;
	v13 =	vsel vm1, v15, v21;
	v17 =	vnsel vm0, $0x0, v11  }
0x44a: {  	v20 =	vshrl.u32 v20, $0x8;
	[tilespmem:v16+s22+$0x0] =	vst.idx.add.s32.msk vm2, v1;
	v15 =	vshrl.u32 v14, $0x8;
	vm2 =	vgt.s32 v13, v17  }
0x44b: {  	s0 =	simm.s32 $0x0;
	s1 =	simm.s32 $0x40C0;
	[tilespmem:v19+s22+$0x0] =	vst.idx.add.s32.msk vm3, v1;
	v16 =	vsel vm2, v13, v17;
	v17 =	vand.u32 $0x1FFF, v18;
	v13 =	vand.u32 $0x3FF, v20  }
.LBB2_75:
0x44c: {  	v18 =	vld [tilespmem:s1+$0x20];
	vm2 =	veq.s32 v17, v6;
	v17 =	vmax.u32 v16, v13;
	v14 =	vshrl.u32 v14, $0x12  }
0x44d: {  	v15 =	vand.u32 $0x3FF, v15;
	v19 =	vld [tilespmem:s1+$0x30];
	v16 =	vsel vm2, v17, v16;
	v14 =	vand.u32 $0x1FFF, v14  }
0x44e: {  	s0 =	sadd.s32 $0x8, s0;
	v10 =	vshrl.u32 v10, $0x12;
	v17 =	vld [tilespmem:s1+$0xFFFFFFC0];
	vm3 =	veq.s32 v14, v6;
	v14 =	vmax.u32 v16, v15  }
0x44f: {  	p1 =	slt.u32 s0, $0x1F8;
	v24 =	vand.u32 $0x1FFF, v10;
	v20 =	vld [tilespmem:s1+$0xFFFFFFF0];
	v14 =	vsel vm3, v14, v16;
	v16 =	vand.u32 $0x3FF, v9  }
0x450: {  	v8 =	vshrl.u32 v8, $0x12;
	vm4 =	veq.s32 v24, v6;
	v21 =	vld [tilespmem:s1+$0xFFFFFFE0];
	v9 =	vmax.u32 v14, v16  }
0x451: {  	v23 =	vand.u32 $0x3FF, v7;
	v24 =	vand.u32 $0x1FFF, v8;
	v22 =	vld [tilespmem:s1+$0xFFFFFFD0];
	v14 =	vsel vm4, v9, v14;
	v10 =	vmovc v18  }
0x452: {  	v9 =	vshrl.u32 v10, $0x8;
	[tilespmem:v12+s22+$0x0] =	vst.idx.add.s32.msk vm1, v1;
	vm1 =	veq.s32 v24, v6;
	v18 =	vmax.u32 v14, v23  }
0x453: {  	v7 =	vshrl.u32 v19, $0x8;
	v8 =	vmovc v19;
	v12 =	vshrl.u32 v17, $0x8;
	[tilespmem:v11+s22+$0x0] =	vst.idx.add.s32.msk vm0, v1;
	v11 =	vsel vm1, v18, v14  }
0x454: {  	v14 =	vshrl.u32 v17, $0x12;
	v17 =	vand.u32 $0x3FF, v12;
	v18 =	vshrl.u32 v20, $0x8;
	[tilespmem:v13+s22+$0x0] =	vst.idx.add.s32.msk vm2, v1  }
0x455: {  	v12 =	vand.u32 $0x1FFF, v14;
	vm0 =	vgt.s32 v11, v17;
	v13 =	vshrl.u32 v21, $0x12;
	[tilespmem:v15+s22+$0x0] =	vst.idx.add.s32.msk vm3, v1  }
0x456: {  	vm2 =	veq.s32 v12, v6;
	v12 =	vsel vm0, v11, v17;
	v14 =	vshrl.u32 v22, $0x8;
	[tilespmem:v16+s22+$0x0] =	vst.idx.add.s32.msk vm4, v1  }
0x457: {  	v11 =	vsel vm2, v12, v11;
	v12 =	vshrl.u32 v22, $0x12;
	v16 =	vand.u32 $0x3FF, v14  }
0x458: {  	v15 =	vshrl.u32 v20, $0x12;
	v12 =	vand.u32 $0x1FFF, v12;
	vm0 =	vgt.s32 v11, v16;
	v14 =	vld [tilespmem:s1+$0x10]  }
0x459: {  	v19 =	vshrl.u32 v21, $0x8;
	vm3 =	veq.s32 v12, v6;
	v12 =	vsel vm0, v11, v16;
	v20 =	vld [tilespmem:s1+$0x0]  }
0x45a: {  	v21 =	vsel vm3, v12, v11;
	v12 =	vand.u32 $0x3FF, v19;
	v11 =	vand.u32 $0x3FF, v18;
	[tilespmem:v23+s22+$0x0] =	vst.idx.add.s32.msk vm1, v1  }
.Ltmp43:
0x45b: {  	v13 =	vand.u32 $0x1FFF, v13;
	v15 =	vand.u32 $0x1FFF, v15;
	vm0 =	vgt.s32 v21, v12;
	(pc) =	sbr.rel @p1 .LBB2_75-.Ltmp43, $4  }
0x45c: {  	vm1 =	veq.s32 v13, v6;
	v13 =	vsel vm0, v21, v12;
	vm0 =	veq.s32 v15, v6  }
0x45d: {  	[tilespmem:v17+s22+$0x0] =	vst.idx.add.s32.msk vm2, v1;
	v13 =	vsel vm1, v13, v21;
	v17 =	vnsel vm0, $0x0, v11;
	v15 =	vshrl.u32 v14, $0x8  }
0x45e: {  	vm2 =	vgt.s32 v13, v17;
	v18 =	vshrl.u32 v20, $0x12;
	v19 =	vshrl.u32 v20, $0x8  }
0x45f: {  	s1 =	sadd.s32 $0x80, s1;
	[tilespmem:v16+s22+$0x0] =	vst.idx.add.s32.msk vm3, v1;
	v16 =	vsel vm2, v13, v17;
	v17 =	vand.u32 $0x1FFF, v18;
	v13 =	vand.u32 $0x3FF, v19  }
0x460: {  	vm2 =	veq.s32 v17, v6;
	v61 =	vmax.u32 v16, v13;
	v14 =	vshrl.u32 v14, $0x12  }
0x461: {  	v15 =	vand.u32 $0x3FF, v15;
	v16 =	vsel vm2, v61, v16;
	v14 =	vand.u32 $0x1FFF, v14  }
0x462: {  	v10 =	vshrl.u32 v10, $0x12;
	vm3 =	veq.s32 v14, v6;
	v62 =	vmax.u32 v16, v15  }
0x463: {  	v9 =	vand.u32 $0x3FF, v9;
	v10 =	vand.u32 $0x1FFF, v10;
	v14 =	vsel vm3, v62, v16  }
0x464: {  	v8 =	vshrl.u32 v8, $0x12;
	vm4 =	veq.s32 v10, v6;
	v63 =	vmax.u32 v14, v9  }
0x465: {  	v7 =	vand.u32 $0x3FF, v7;
	v8 =	vand.u32 $0x1FFF, v8;
	v10 =	vsel vm4, v63, v14  }
0x466: {  	vm5 =	veq.s32 v8, v6;
	v6 =	vmax.u32 v10, v7  }
0x467: {  	v6 =	vsel vm5, v6, v10  }
0x468: {  	v6 =	vxor.u32 $0x80000000, v6  }
0x469: {  	(xrf0) =	vmax.scan.msk.u32 $0xffff, v6;
	_ =	sdelay $0x5  }
0x46a: {  	v6, _, _ =	vpop (xrf0)  }
0x46b: {  	(v2sf) =	vpush v6, $0xF;
	_ =	sdelay $0xe  }
0x46c: {  	s0 =	spop (v2sf)  }
0x46d: {  	s16 =	sshra.s32 s0, $0x4  }
0x46e: {  	[tilespmem:v12+s22+$0x0] =	vst.idx.add.s32.msk vm1, v1;
	p1 =	sgt.s32 s16, $0xFFFFFFFF  }
.Ltmp44:
0x46f: {  	[tilespmem:v11+s22+$0x0] =	vst.idx.add.s32.msk vm0, v1;
	(pc) =	sbr.rel @p1 .LBB2_80-.Ltmp44, $4  }
0x470: {  	[tilespmem:v13+s22+$0x0] =	vst.idx.add.s32.msk vm2, v1  }
0x471: {  	[tilespmem:v15+s22+$0x0] =	vst.idx.add.s32.msk vm3, v1  }
0x472: {  	[tilespmem:v9+s22+$0x0] =	vst.idx.add.s32.msk vm4, v1  }
0x473: {  	s25 =	simm.s32 $0x0;
	s1 =	simm.s32 $0xFFFFFFFF;
	[tilespmem:v7+s22+$0x0] =	vst.idx.add.s32.msk vm5, v1;
	s0 =	simm.s32 $0x0  }
0x474: {  	s0 =	sxor.u32 $0xF8000000, s16  }
0x475: {  	s1 =	sshll.u32 s16, $0x6;
	s24 =	simm.s32 $0x0;
	s2 =	sshll.u32 s0, $0x4  }
0x476: {  	s1 =	sshra.s32 s1, $0x2;
	s16 =	ssub.s32 $0x0, s0;
	s0 =	simm.s32 $0x0  }
0x477: {  	v6 =	vmov s31;
	s17 =	sadd.s32 $0x8000000F, s2;
	s26 =	sadd.s32 $0x14000, s1;
	s1 =	simm.s32 $0xFFFFFFFF  }
.LBB2_78:
0x478: {  	v7 =	vld [tilespmem:s26+$0x0];
	_ =	sdelay $0x4  }
0x479: {  	v8 =	vperm.xlane v7, v2;
	_ =	sdelay $0x1  }
0x47a: {  	(xrf0) =	vadd.scan.msk.s32 $0xffff, v8;
	_ =	sdelay $0x5  }
0x47b: {  	v9, _, _ =	vpop (xrf0)  }
0x47c: {  	v10 =	vadd.s32 s24, v9  }
0x47d: {  	vm0 =	vlt.s32 v10, v6  }
0x47e: {  	v10 =	vsel vm0, $0x80000010, v3  }
0x47f: {  	(xrf0) =	vmin.scan.msk.u32 $0xffff, v10;
	_ =	sdelay $0x5  }
0x480: {  	v10, _, _ =	vpop (xrf0)  }
0x481: {  	(v2sf) =	vpush v10, $0xF;
	_ =	sdelay $0xe  }
0x482: {  	s2 =	spop (v2sf)  }
0x483: {  	s11 =	sxor.u32 $0x80000000, s2  }
0x484: {  	v63 =	vmov s11  }
0x485: {  	vm15 =	veq.s32 v63, v0  }
0x486: {  	v9 =	vnsel vm15, $0x0, v9  }
0x487: {  	(xrf0) =	vadd.scan.msk.s32 $0xffff, v9  }
0x488: {  	v8 =	vnsel vm15, $0x0, v8  }
0x489: {  	(xrf0) =	vadd.scan.msk.s32 $0xffff, v8;
	_ =	sdelay $0x3  }
0x48a: {  	(xrf0) =	vadd.scan.msk.s32 $0xffff, v7;
	v7, _, _ =	vpop (xrf0)  }
0x48b: {  	(v2sf) =	vpush v7, $0xF  }
0x48c: {  	v8, _, _ =	vpop (xrf0)  }
0x48d: {  	(v2sf) =	vpush v8, $0xF;
	_ =	sdelay $0x4  }
0x48e: {  	v7, _, _ =	vpop (xrf0)  }
0x48f: {  	(v2sf) =	vpush v7, $0xF;
	_ =	sdelay $0x6  }
0x490: {  	p1 =	seq.s32 s16, $0x0;
	s12 =	spop (v2sf)  }
0x491: {  	s2 =	ssub.s32 s17, s2;
	p2 =	slt.s32 s11, $0x10;
	s12 =	sadd.s32 s12, s24  }
0x492: {  	s1 =	smov.u32 @p2 s2;
	s11 =	spop (v2sf);
	s12 =	ssub.s32 s31, s12  }
0x493: {  	p3 =	slt.s32 @!p1 s1, $0x0;
	s2 =	sadd.s32 s11, s12  }
0x494: {  	s0 =	smov.u32 @p2 s2;
	p2 =	por p1, !p3  }
.Ltmp45:
0x495: {  	_ = 	snop;
	(pc) =	sbr.rel @!p2 .LBB2_78-.Ltmp45, $3  }
0x496: {  	_ =	sdelay $0x1  }
0x497: {  	s16 =	sadd.s32 $0x1, s16;
	s12 =	spop (v2sf)  }
0x498: {  	s26 =	sadd.s32 $0xFFFFFFF0, s26;
	s17 =	sadd.s32 $0xFFFFFFF0, s17;
	s24 =	sadd.s32 s24, s12  }
0x499: {  	s1 =	smov.u32 @p1 s1;
	s0 =	smov.u32 @p1 s0  }
.LBB2_80:
0x49a: {  	p1 =	por $0x1, $0x1  }
.LBB2_81:
0x49b: {  	s2 =	sshra.s32 s25, $0x2  }
0x49c: {  	[tilespmem:s2+$0x14400] =	vst v4  }
0x49d: {  	[tilespmem:s2+$0x14410] =	vst v4  }
0x49e: {  	p2 =	por p1, p1;
	[tilespmem:s2+$0x14420] =	vst v4  }
.Ltmp46:
0x49f: {  	[tilespmem:s2+$0x14430] =	vst v4;
	(pc) =	sbr.rel @p2 .LBB2_81-.Ltmp46, $4  }
0x4a0: {  	[tilespmem:s2+$0x14440] =	vst v4  }
0x4a1: {  	[tilespmem:s2+$0x14450] =	vst v4  }
0x4a2: {  	[tilespmem:s2+$0x14460] =	vst v4  }
0x4a3: {  	s25 =	simm.s32 $0x200;
	p1 =	por $0x0, $0x0;
	[tilespmem:s2+$0x14470] =	vst v4  }
0x4a4: {  	s16 =	simm.s32 $0x4040  }
0x4a5: {  	v8 =	vld [tilespmem:s16+$0xFFFFFFC0];
	_ =	sdelay $0x2  }
0x4a6: {  	v9 =	vld [tilespmem:s16+$0xFFFFFFD0]  }
0x4a7: {  	s2 =	sshll.u32 s30, $0xA  }
0x4a8: {  	v7 =	vimm.s32 $0x0;
	s30 =	sor.u32 s2, s1;
	v10 =	vld [tilespmem:s16+$0xFFFFFFF0];
	v11 =	vshrl.u32 v8, $0x8;
	v12 =	vand.u32 $0xFF, v8  }
0x4a9: {  	v6 =	vmov s30;
	v8 =	vld [tilespmem:s16+$0xFFFFFFE0];
	v11 =	vand.u32 $0x7FFFFF, v11;
	vm0 =	vgt.s32 v7, v12  }
0x4aa: {  	vm2 =	veq.s32 v11, v6;
	v11 =	vsel vm0, v7, v12  }
0x4ab: {  	v11 =	vsel vm2, v11, v7;
	v7 =	vshrl.u32 v9, $0x8  }
0x4ac: {  	v13 =	vand.u32 $0xFF, v9;
	v9 =	vand.u32 $0x7FFFFF, v7  }
0x4ad: {  	v15 =	vld [tilespmem:s16+$0x0];
	vm0 =	vgt.s32 v11, v13;
	v7 =	vand.u32 $0xFF, v10;
	v10 =	vshrl.u32 v10, $0x8  }
0x4ae: {  	vm3 =	veq.s32 v9, v6;
	v9 =	vsel vm0, v11, v13;
	v14 =	vshrl.u32 v8, $0x8  }
0x4af: {  	v8 =	vand.u32 $0xFF, v8;
	v9 =	vsel vm3, v9, v11;
	v11 =	vand.u32 $0x7FFFFF, v14  }
0x4b0: {  	v16 =	vld [tilespmem:s16+$0x10];
	v10 =	vand.u32 $0x7FFFFF, v10;
	vm0 =	vgt.s32 v9, v8;
	vm1 =	veq.s32 v11, v6  }
0x4b1: {  	v11 =	vsel vm0, v9, v8;
	vm0 =	veq.s32 v10, v6;
	[tilespmem:v12+s23+$0x0] =	vst.idx.add.s32.msk vm2, v1  }
0x4b2: {  	v12 =	vshrl.u32 v15, $0x8;
	v9 =	vsel vm1, v11, v9;
	v10 =	vnsel vm0, $0x0, v7;
	v11 =	vld [tilespmem:s16+$0x20]  }
0x4b3: {  	v12 =	vand.u32 $0x7FFFFF, v12;
	vm2 =	vgt.s32 v9, v10  }
0x4b4: {  	v10 =	vsel vm2, v9, v10;
	v9 =	vand.u32 $0xFF, v15;
	vm2 =	veq.s32 v12, v6;
	v12 =	vld [tilespmem:s16+$0x30]  }
0x4b5: {  	v14 =	vshrl.u32 v16, $0x8;
	[tilespmem:v13+s23+$0x0] =	vst.idx.add.s32.msk vm3, v1;
	v13 =	vmax.u32 v10, v9  }
0x4b6: {  	s31 =	simm.s32 $0x40C0;
	s1 =	simm.s32 $0x0;
	v14 =	vand.u32 $0x7FFFFF, v14;
	v13 =	vsel vm2, v13, v10;
	v10 =	vand.u32 $0xFF, v16  }
.LBB2_83:
0x4b7: {  	v15 =	vld [tilespmem:s31+$0xFFFFFFC0];
	s1 =	sadd.s32 $0x8, s1;
	vm3 =	veq.s32 v14, v6;
	v14 =	vmax.u32 v13, v10;
	v16 =	vshrl.u32 v11, $0x8  }
0x4b8: {  	v11 =	vand.u32 $0xFF, v11;
	p1 =	slt.u32 s1, $0x1F8;
	[tilespmem:v8+s23+$0x0] =	vst.idx.add.s32.msk vm1, v1;
	v8 =	vsel vm3, v14, v13;
	v13 =	vand.u32 $0x7FFFFF, v16  }
0x4b9: {  	[tilespmem:v7+s23+$0x0] =	vst.idx.add.s32.msk vm0, v1;
	vm1 =	veq.s32 v13, v6;
	v7 =	vmax.u32 v8, v11;
	v13 =	vshrl.u32 v12, $0x8  }
0x4ba: {  	v12 =	vand.u32 $0xFF, v12;
	v14 =	vld [tilespmem:s31+$0xFFFFFFD0];
	v7 =	vsel vm1, v7, v8;
	v8 =	vand.u32 $0x7FFFFF, v13  }
0x4bb: {  	v13 =	vld [tilespmem:s31+$0xFFFFFFF0];
	vm0 =	veq.s32 v8, v6;
	v8 =	vmax.u32 v7, v12  }
0x4bc: {  	v16 =	vshrl.u32 v15, $0x8;
	v15 =	vand.u32 $0xFF, v15;
	v17 =	vld [tilespmem:s31+$0xFFFFFFE0];
	v7 =	vsel vm0, v8, v7  }
0x4bd: {  	v8 =	vand.u32 $0x7FFFFF, v16;
	vm4 =	vgt.s32 v7, v15;
	[tilespmem:v9+s23+$0x0] =	vst.idx.add.s32.msk vm2, v1  }
0x4be: {  	vm2 =	veq.s32 v8, v6;
	v8 =	vsel vm4, v7, v15;
	[tilespmem:v10+s23+$0x0] =	vst.idx.add.s32.msk vm3, v1  }
0x4bf: {  	v8 =	vsel vm2, v8, v7;
	v7 =	vshrl.u32 v14, $0x8;
	v10 =	vand.u32 $0xFF, v14;
	[tilespmem:v11+s23+$0x0] =	vst.idx.add.s32.msk vm1, v1  }
0x4c0: {  	v9 =	vand.u32 $0x7FFFFF, v7;
	vm1 =	vgt.s32 v8, v10;
	v7 =	vand.u32 $0xFF, v13  }
0x4c1: {  	vm3 =	veq.s32 v9, v6;
	v9 =	vsel vm1, v8, v10;
	v11 =	vshrl.u32 v17, $0x8;
	v14 =	vld [tilespmem:s31+$0x0]  }
0x4c2: {  	v13 =	vshrl.u32 v13, $0x8;
	v9 =	vsel vm3, v9, v8;
	v8 =	vand.u32 $0xFF, v17;
	[tilespmem:v12+s23+$0x0] =	vst.idx.add.s32.msk vm0, v1  }
0x4c3: {  	v11 =	vand.u32 $0x7FFFFF, v11;
	v12 =	vand.u32 $0x7FFFFF, v13;
	vm0 =	vgt.s32 v9, v8;
	v16 =	vld [tilespmem:s31+$0x10]  }
0x4c4: {  	vm1 =	veq.s32 v11, v6;
	v11 =	vsel vm0, v9, v8;
	vm0 =	veq.s32 v12, v6  }
.Ltmp47:
0x4c5: {  	v9 =	vsel vm1, v11, v9;
	v12 =	vnsel vm0, $0x0, v7;
	v11 =	vld [tilespmem:s31+$0x20];
	(pc) =	sbr.rel @p1 .LBB2_83-.Ltmp47, $4  }
0x4c6: {  	[tilespmem:v15+s23+$0x0] =	vst.idx.add.s32.msk vm2, v1;
	vm2 =	vgt.s32 v9, v12;
	v13 =	vshrl.u32 v14, $0x8  }
0x4c7: {  	v15 =	vsel vm2, v9, v12;
	v13 =	vand.u32 $0x7FFFFF, v13;
	v9 =	vand.u32 $0xFF, v14;
	v12 =	vld [tilespmem:s31+$0x30]  }
0x4c8: {  	[tilespmem:v10+s23+$0x0] =	vst.idx.add.s32.msk vm3, v1;
	vm2 =	veq.s32 v13, v6;
	v10 =	vmax.u32 v15, v9;
	v14 =	vshrl.u32 v16, $0x8  }
0x4c9: {  	s31 =	sadd.s32 $0x80, s31;
	v13 =	vsel vm2, v10, v15;
	v14 =	vand.u32 $0x7FFFFF, v14;
	v10 =	vand.u32 $0xFF, v16  }
0x4ca: {  	vm3 =	veq.s32 v14, v6;
	v57 =	vmax.u32 v13, v10;
	v15 =	vshrl.u32 v11, $0x8  }
0x4cb: {  	v59 =	vand.u32 $0xFF, v11;
	v13 =	vsel vm3, v57, v13;
	v58 =	vand.u32 $0x7FFFFF, v15  }
0x4cc: {  	vm4 =	veq.s32 v58, v6;
	v60 =	vmax.u32 v13, v59;
	v61 =	vshrl.u32 v12, $0x8  }
0x4cd: {  	v63 =	vand.u32 $0xFF, v12;
	v13 =	vsel vm4, v60, v13;
	v62 =	vand.u32 $0x7FFFFF, v61  }
0x4ce: {  	vm5 =	veq.s32 v62, v6;
	v6 =	vmax.u32 v13, v63  }
0x4cf: {  	v6 =	vsel vm5, v6, v13  }
0x4d0: {  	v6 =	vxor.u32 $0x80000000, v6  }
0x4d1: {  	(xrf0) =	vmax.scan.msk.u32 $0xffff, v6;
	_ =	sdelay $0x5  }
0x4d2: {  	v6, _, _ =	vpop (xrf0)  }
0x4d3: {  	(v2sf) =	vpush v6, $0xF;
	_ =	sdelay $0xe  }
0x4d4: {  	s1 =	spop (v2sf)  }
0x4d5: {  	s1 =	sshra.s32 s1, $0x4  }
0x4d6: {  	[tilespmem:v8+s23+$0x0] =	vst.idx.add.s32.msk vm1, v1;
	p1 =	sgt.s32 s1, $0xFFFFFFFF  }
.Ltmp48:
0x4d7: {  	[tilespmem:v7+s23+$0x0] =	vst.idx.add.s32.msk vm0, v1;
	(pc) =	sbr.rel @!p1 .LBB2_89-.Ltmp48, $4  }
0x4d8: {  	[tilespmem:v9+s23+$0x0] =	vst.idx.add.s32.msk vm2, v1  }
0x4d9: {  	[tilespmem:v10+s23+$0x0] =	vst.idx.add.s32.msk vm3, v1  }
0x4da: {  	[tilespmem:v59+s23+$0x0] =	vst.idx.add.s32.msk vm4, v1  }
0x4db: {  	[tilespmem:v63+s23+$0x0] =	vst.idx.add.s32.msk vm5, v1  }
.Ltmp49:
0x4dc: {  	(pc) =	sbr.rel .LBB2_92-.Ltmp49, $2  }
0x4dd: {  	_ =	sdelay $0x2  }
0x4de: {  	s31 =	simm.s32 $0x0;
	s25 =	simm.s32 $0xFFFFFFFF;
	s1 =	simm.s32 $0x0  }
.LBB2_89:
0x4df: {  	s2 =	sxor.u32 $0xF8000000, s1;
	s25 =	sshll.u32 s1, $0x6  }
0x4e0: {  	s31 =	simm.s32 $0x0;
	s24 =	simm.s32 $0x0;
	s26 =	ssub.s32 $0x0, s2  }
0x4e1: {  	s2 =	sshll.u32 s2, $0x4;
	s1 =	sshra.s32 s25, $0x2;
	s25 =	simm.s32 $0xFFFFFFFF  }
0x4e2: {  	v6 =	vmov s0;
	s16 =	sadd.s32 $0x8000000F, s2;
	s17 =	sadd.s32 $0x14400, s1;
	s1 =	simm.s32 $0x0  }
.LBB2_90:
0x4e3: {  	v7 =	vld [tilespmem:s17+$0x0];
	_ =	sdelay $0x4  }
0x4e4: {  	v8 =	vperm.xlane v7, v2;
	_ =	sdelay $0x1  }
0x4e5: {  	(xrf0) =	vadd.scan.msk.s32 $0xffff, v8;
	_ =	sdelay $0x5  }
0x4e6: {  	v9, _, _ =	vpop (xrf0)  }
0x4e7: {  	v10 =	vadd.s32 s24, v9  }
0x4e8: {  	vm0 =	vlt.s32 v10, v6  }
0x4e9: {  	v10 =	vsel vm0, $0x80000010, v3  }
0x4ea: {  	(xrf0) =	vmin.scan.msk.u32 $0xffff, v10;
	_ =	sdelay $0x5  }
0x4eb: {  	v10, _, _ =	vpop (xrf0)  }
0x4ec: {  	(v2sf) =	vpush v10, $0xF;
	_ =	sdelay $0xe  }
0x4ed: {  	s2 =	spop (v2sf)  }
0x4ee: {  	s11 =	sxor.u32 $0x80000000, s2  }
0x4ef: {  	v63 =	vmov s11  }
0x4f0: {  	vm15 =	veq.s32 v63, v0  }
0x4f1: {  	v9 =	vnsel vm15, $0x0, v9  }
0x4f2: {  	(xrf0) =	vadd.scan.msk.s32 $0xffff, v9  }
0x4f3: {  	v8 =	vnsel vm15, $0x0, v8  }
0x4f4: {  	(xrf0) =	vadd.scan.msk.s32 $0xffff, v8;
	_ =	sdelay $0x3  }
0x4f5: {  	(xrf0) =	vadd.scan.msk.s32 $0xffff, v7;
	v7, _, _ =	vpop (xrf0)  }
0x4f6: {  	(v2sf) =	vpush v7, $0xF  }
0x4f7: {  	v7, _, _ =	vpop (xrf0)  }
0x4f8: {  	(v2sf) =	vpush v7, $0xF;
	_ =	sdelay $0x4  }
0x4f9: {  	v7, _, _ =	vpop (xrf0)  }
0x4fa: {  	(v2sf) =	vpush v7, $0xF;
	_ =	sdelay $0x6  }
0x4fb: {  	p1 =	seq.s32 s26, $0x0;
	s12 =	spop (v2sf)  }
0x4fc: {  	s2 =	ssub.s32 s16, s2;
	p2 =	slt.s32 s11, $0x10;
	s11 =	sadd.s32 s12, s24  }
0x4fd: {  	s25 =	smov.u32 @p2 s2;
	s12 =	spop (v2sf);
	s11 =	ssub.s32 s0, s11  }
0x4fe: {  	p3 =	slt.s32 @!p1 s25, $0x0;
	s2 =	sadd.s32 s12, s11  }
0x4ff: {  	s1 =	smov.u32 @p2 s12;
	s31 =	smov.u32 @p2 s2;
	p2 =	por p1, !p3  }
.Ltmp50:
0x500: {  	_ = 	snop;
	(pc) =	sbr.rel @!p2 .LBB2_90-.Ltmp50, $3  }
0x501: {  	_ =	sdelay $0x1  }
0x502: {  	s26 =	sadd.s32 $0x1, s26;
	s11 =	spop (v2sf)  }
0x503: {  	s17 =	sadd.s32 $0xFFFFFFF0, s17;
	s16 =	sadd.s32 $0xFFFFFFF0, s16;
	s24 =	sadd.s32 s24, s11  }
0x504: {  	s25 =	smov.u32 @p1 s25;
	s31 =	smov.u32 @p1 s31;
	s1 =	smov.u32 @p1 s1  }
.LBB2_92:
0x505: {  	s2 =	simm.s32 $0x4040  }
0x506: {  	v7 =	vld [tilespmem:s2+$0x30]  }
0x507: {  	v8 =	vld [tilespmem:s2+$0xFFFFFFD0]  }
0x508: {  	v13 =	vld [tilespmem:s2+$0x10]  }
0x509: {  	v14 =	vld [tilespmem:s2+$0x20]  }
0x50a: {  	v15 =	vld [tilespmem:s2+$0xFFFFFFC0]  }
0x50b: {  	v9 =	vld [tilespmem:s2+$0xFFFFFFE0]  }
0x50c: {  	s0 =	simm.s32 $0xA040;
	s11 =	sshll.u32 s30, $0x8;
	v11 =	vld [tilespmem:s2+$0xFFFFFFF0]  }
0x50d: {  	v10 =	vld [tilespmem:s0+$0x30];
	s11 =	sor.u32 s11, s25  }
0x50e: {  	v12 =	vld [tilespmem:s2+$0x0];
	v6 =	vmov s11;
	v7 =	vand.u32 $0x7FFFFFFF, v7;
	v8 =	vand.u32 $0x7FFFFFFF, v8  }
0x50f: {  	v13 =	vand.u32 $0x7FFFFFFF, v13;
	v16 =	vand.u32 $0x7FFFFFFF, v14;
	v15 =	vand.u32 $0x7FFFFFFF, v15  }
0x510: {  	v20 =	vld [tilespmem:s0+$0xFFFFFFD0];
	vm0 =	vlt.s32 v7, v6;
	vm1 =	vlt.s32 v8, v6;
	v7 =	vand.u32 $0x7FFFFFFF, v9  }
0x511: {  	v9 =	vand.u32 $0x7FFFFFFF, v11;
	v11 =	vld [tilespmem:s0+$0xFFFFFFE0];
	vm13 =	vlt.s32 v13, v6;
	vm14 =	vlt.s32 v16, v6  }
0x512: {  	vm15 =	vlt.s32 v15, v6;
	v8 =	vsel vm0, $0x0, v5;
	vm10 =	vlt.s32 v7, v6;
	v7 =	vld [tilespmem:s0+$0xFFFFFFC0]  }
0x513: {  	v17 =	vsel vm1, $0x0, v5;
	v18 =	vadd.f32 v8, v10;
	v10 =	vand.u32 $0x7FFFFFFF, v12;
	v12 =	vld [tilespmem:s0+$0xFFFFFFF0]  }
0x514: {  	v14 =	vld [tilespmem:s0+$0x0];
	vm11 =	vlt.s32 v9, v6;
	v13 =	vsel vm13, $0x0, v5;
	v15 =	vsel vm14, $0x0, v5  }
0x515: {  	s30 =	simm.s32 $0x10040;
	v16 =	vld [tilespmem:s0+$0x10];
	v19 =	vsel vm15, $0x0, v5;
	v8 =	vsel vm10, $0x0, v5;
	vm12 =	vlt.s32 v10, v6  }
0x516: {  	s26 =	simm.s32 $0x40C0;
	s25 =	simm.s32 $0x0;
	v9 =	vsel vm11, $0x0, v5;
	v10 =	vsel vm12, $0x0, v5;
	[tilespmem:s30+$0x30] =	vst v18;
	v18 =	vadd.f32 v17, v20;
	v17 =	vld [tilespmem:s0+$0x20]  }
.LBB2_93:
0x517: {  	v20 =	vld [tilespmem:s26+$0x30];
	s25 =	sadd.s32 $0x8, s25;
	v7 =	vadd.f32 v19, v7;
	v8 =	vadd.f32 v8, v11  }
0x518: {  	v11 =	vld [tilespmem:s26+$0xFFFFFFD0];
	p1 =	slt.u32 s25, $0x1F8;
	[tilespmem:s30+$0xFFFFFFD0] =	vst v18;
	v9 =	vadd.f32 v9, v12  }
0x519: {  	s0 =	sadd.s32 $0x80, s0;
	v12 =	vld [tilespmem:s26+$0xFFFFFFE0];
	[tilespmem:s30+$0xFFFFFFC0] =	vst v7;
	v7 =	vadd.f32 v10, v14  }
0x51a: {  	v10 =	vld [tilespmem:s0+$0x30];
	[tilespmem:s30+$0xFFFFFFE0] =	vst v8;
	v8 =	vadd.f32 v13, v16  }
0x51b: {  	v13 =	vld [tilespmem:s26+$0xFFFFFFF0];
	[tilespmem:s30+$0xFFFFFFF0] =	vst v9;
	v9 =	vadd.f32 v15, v17  }
0x51c: {  	v14 =	vld [tilespmem:s26+$0x0];
	v15 =	vand.u32 $0x7FFFFFFF, v20;
	[tilespmem:s30+$0x0] =	vst v7  }
0x51d: {  	v7 =	vand.u32 $0x7FFFFFFF, v11;
	v16 =	vld [tilespmem:s26+$0x10];
	vm0 =	vlt.s32 v15, v6;
	[tilespmem:s30+$0x10] =	vst v8  }
0x51e: {  	vm1 =	vlt.s32 v7, v6;
	v7 =	vand.u32 $0x7FFFFFFF, v12;
	v15 =	vld [tilespmem:s26+$0x20];
	v8 =	vsel vm0, $0x0, v5;
	[tilespmem:s30+$0x20] =	vst v9  }
0x51f: {  	v17 =	vld [tilespmem:s26+$0xFFFFFFC0];
	v18 =	vsel vm1, $0x0, v5;
	vm0 =	vlt.s32 v7, v6;
	v9 =	vadd.f32 v8, v10  }
0x520: {  	s30 =	sadd.s32 $0x80, s30;
	v7 =	vld [tilespmem:s0+$0xFFFFFFC0];
	v8 =	vsel vm0, $0x0, v5;
	v10 =	vand.u32 $0x7FFFFFFF, v13  }
0x521: {  	v20 =	vld [tilespmem:s0+$0xFFFFFFD0];
	vm0 =	vlt.s32 v10, v6;
	v10 =	vand.u32 $0x7FFFFFFF, v14;
	[tilespmem:s30+$0x30] =	vst v9  }
.Ltmp51:
0x522: {  	v11 =	vld [tilespmem:s0+$0xFFFFFFE0];
	v9 =	vsel vm0, $0x0, v5;
	vm0 =	vlt.s32 v10, v6;
	v13 =	vand.u32 $0x7FFFFFFF, v16;
	(pc) =	sbr.rel @p1 .LBB2_93-.Ltmp51, $4  }
0x523: {  	v12 =	vld [tilespmem:s0+$0xFFFFFFF0];
	v10 =	vsel vm0, $0x0, v5;
	vm0 =	vlt.s32 v13, v6;
	v15 =	vand.u32 $0x7FFFFFFF, v15  }
0x524: {  	v16 =	vand.u32 $0x7FFFFFFF, v17;
	v14 =	vld [tilespmem:s0+$0x0];
	v13 =	vsel vm0, $0x0, v5;
	vm0 =	vlt.s32 v15, v6  }
0x525: {  	vm1 =	vlt.s32 v16, v6;
	v16 =	vld [tilespmem:s0+$0x10];
	v15 =	vsel vm0, $0x0, v5  }
0x526: {  	s26 =	sadd.s32 $0x80, s26;
	v19 =	vsel vm1, $0x0, v5;
	v18 =	vadd.f32 v18, v20;
	v17 =	vld [tilespmem:s0+$0x20]  }
0x527: {  	v7 =	vadd.f32 v19, v7  }
0x528: {  	v8 =	vadd.f32 v8, v11;
	s16 =	ssub.s32 s1, s31;
	[tilespmem:s30+$0xFFFFFFD0] =	vst v18  }
0x529: {  	v9 =	vadd.f32 v9, v12;
	p1 =	slt.s32 s16, $0x1;
	[tilespmem:s30+$0xFFFFFFC0] =	vst v7  }
.Ltmp52:
0x52a: {  	v7 =	vadd.f32 v10, v14;
	[tilespmem:s30+$0xFFFFFFE0] =	vst v8;
	(pc) =	sbr.rel @p1 .LBB2_98-.Ltmp52, $4  }
0x52b: {  	v8 =	vadd.f32 v13, v16;
	[tilespmem:s30+$0xFFFFFFF0] =	vst v9  }
0x52c: {  	v63 =	vadd.f32 v15, v17;
	[tilespmem:s30+$0x0] =	vst v7  }
0x52d: {  	[tilespmem:s30+$0x10] =	vst v8  }
0x52e: {  	[tilespmem:s30+$0x20] =	vst v63  }
0x52f: {  	s2 =	simm.s32 $0x1FF0  }
0x530: {  	v7 =	vld [tilespmem:s2+$0x4000];
	_ =	sdelay $0x4  }
0x531: {  	v7 =	vand.u32 $0x7FFFFFFF, v7  }
0x532: {  	vm0 =	veq.s32 v7, v6  }
0x533: {  	s30 =	simm.s32 $0x1FE0;
	v7 =	vsel vm0, $0x1, v4  }
0x534: {  	v8 =	vld [tilespmem:s30+$0x4000];
	(xrf0) =	vadd.scan.msk.s32 $0xffff, v7;
	v7 =	vperm.xlane v7, v2;
	_ =	sdelay $0x1  }
0x535: {  	(xrf0) =	vadd.scan.msk.s32 $0xffff, v7;
	_ =	sdelay $0x2  }
0x536: {  	v8 =	vand.u32 $0x7FFFFFFF, v8  }
0x537: {  	s1 =	simm.s32 $0x1FD0;
	vm1 =	veq.s32 v8, v6;
	v9, _, _ =	vpop (xrf0)  }
0x538: {  	v8 =	vsel vm1, $0x1, v4;
	v7 =	vld [tilespmem:s1+$0x4000];
	(v2sf) =	vpush v9, $0xF  }
0x539: {  	(xrf0) =	vadd.scan.msk.s32 $0xffff, v8;
	v9, _, _ =	vpop (xrf0)  }
0x53a: {  	v9 =	vperm.xlane v9, v2  }
0x53b: {  	s25 =	simm.s32 $0x0  }
0x53c: {  	v9 =	vadd.s32 s25, v9  }
0x53d: {  	v7 =	vand.u32 $0x7FFFFFFF, v7  }
0x53e: {  	v8 =	vperm.xlane v8, v2;
	vm3 =	veq.s32 v7, v6;
	v7 =	vmov s16  }
0x53f: {  	vm2 =	vle.s32 v9, v7;
	v9, _, _ =	vpop (xrf0)  }
0x540: {  	s0 =	simm.s32 $0x1FC0;
	(xrf0) =	vadd.scan.msk.s32 $0xffff, v8;
	v8 =	vld [tilespmem:s2+$0x10000];
	v10 =	vsel vm3, $0x1, v4;
	(v2sf) =	vpush v9, $0xF  }
0x541: {  	v11 =	vld [tilespmem:s0+$0x4000];
	vm0 =	vmmov vm0;
	(xrf0) =	vadd.scan.msk.s32 $0xffff, v10  }
0x542: {  	vm0 =	vmmov vm0  }
0x543: {  	vm0 =	vmand vm0, vm2  }
0x544: {  	v12 =	vnsel vm0, $0x0, v5  }
0x545: {  	vm0 =	vmmov vm1;
	v12 =	vsub.f32 v8, v12  }
0x546: {  	vm2 =	vmmov vm0;
	v8 =	vand.u32 $0x7FFFFFFF, v11;
	v11, _, _ =	vpop (xrf0);
	v9 =	vperm.xlane v10, v2  }
0x547: {  	s17 =	simm.s32 $0x7EC0;
	s16 =	simm.s32 $0x7E80;
	vm0 =	vmmov vm3;
	vm1 =	veq.s32 v8, v6;
	v10, _, _ =	vpop (xrf0);
	v8 =	vperm.xlane v11, v2;
	[tilespmem:s2+$0x10000] =	vst v12;
	s24 =	spop (v2sf)  }
.LBB2_96:
0x548: {  	p1 =	sne.s32 s16, $0x0;
	s2 =	sshra.s32 s17, $0x2;
	v11 =	vsel vm1, $0x1, v4;
	(xrf0) =	vadd.scan.msk.s32 $0xffff, v9;
	(v2sf) =	vpush v10, $0xF;
	v9 =	vld [tilespmem:s30+$0x10000];
	s25 =	sadd.s32 s25, s24  }
0x549: {  	s11 =	smov.u32 s1;
	s1 =	smov.u32 s0;
	v10 =	vld [tilespmem:s2+$0x4000];
	(xrf0) =	vadd.scan.msk.s32 $0xffff, v11;
	v8 =	vadd.s32 s25, v8;
	s0 =	smov.u32 s2  }
0x54a: {  	s17 =	smov.u32 s16;
	vm3 =	vle.s32 v8, v7  }
.Ltmp53:
0x54b: {  	vm3 =	vmand vm2, vm3;
	vm2 =	vmmov vm0;
	vm0 =	vmmov vm1;
	(pc) =	sbr.rel @p1 .LBB2_96-.Ltmp53, $4  }
0x54c: {  	v8 =	vnsel vm3, $0x0, v5  }
0x54d: {  	v12 =	vsub.f32 v9, v8  }
0x54e: {  	v9 =	vperm.xlane v11, v2;
	v8 =	vand.u32 $0x7FFFFFFF, v10;
	v11, _, _ =	vpop (xrf0)  }
0x54f: {  	s16 =	sadd.s32 $0xFFFFFFC0, s16;
	vm1 =	veq.s32 v8, v6;
	v10, _, _ =	vpop (xrf0);
	v8 =	vperm.xlane v11, v2;
	[tilespmem:s30+$0x10000] =	vst v12;
	s24 =	spop (v2sf);
	s30 =	smov.u32 s11  }
.Ltmp54:
0x550: {  	_ = 	snop;
	(pc) =	sbr.rel .LBB2_97-.Ltmp54, $1  }
0x551: {  	_ =	sdelay $0x3  }
.LBB2_100:
0x552: {  	_ =	sfence.sel $0x180000  }
0x553: {  	[bflag:$0x0] =	sbarrier.arrive $0xFFFF  }
0x554: {  	_ =	strace $0x90000047  }
0x555: {  	s0 =	stileid.u32;
	[bflag:$0x2] =	sbarrier.arrive $0xFFFF  }
0x556: {  	p0 =	sne.s32 s0, $0x0;
	s0 =	rddreg [dreg:$0x4]  }
0x557: {  	s0 =	sadd.s32 @!p0 $0x100000, s0  }
0x558: {  	[sflag:s0] =	ssyncadd.tile.s32 @!p0 $0x1;
	_ =	shalt  }
.Lfunc_end2:
_tile_overlayer_lowered:
.L_overlay_start_2:
0x559: {  	(tag) =	ssettag $0x2  }
0x55a: {  	s0 =	rddreg [dreg:$0x0];
	s2 =	stileid.u32  }
0x55b: {  	s1 =	rddreg [dreg:$0x1];
	p0 =	sne.s32 s2, $0x0  }
0x55c: {  	s3 =	rddreg [dreg:$0x2];
	[bflag:$0x3] =	sbarrier.arrive $0xFFFF;
	s2 =	simm.s32 @!p0 $0x1C04  }
0x55d: {  	[timem:s3], [sflag:s2] =	dma.local @!p0 [hbm:s0], s1  }
0x55e: {  	s0 =	simm.s32 @!p0 $0x4  }
0x55f: {  	_ =	swait.ge @!p0 [sflag:s0], s1  }
0x560: {  	s1 =	ssub.s32 @!p0 $0x0, s1;
	[sflag:s0] =	ssyncset.done @!p0 $0x0  }
0x561: {  	[sflag:s0] =	ssyncadd.s32 @!p0 s1  }
0x562: {  	[bflag:$0x3] =	sbarrier.arrive $0xFFFF  }
0x563: {  	_ =	shalt  }

</sc_bundles>
